<compile_context>
chip_gen: v7x
topology: tpu7x:2x2x1
jax: 0.10.2.dev20260603
libtpu: 0.0.44.dev20260713+nightly
codegen_flags: <defaults>
</compile_context>

<pallas_src>
import functools

import jax
import jax.numpy as jnp
from jax import lax
from jax.experimental import pallas as pl
from jax.experimental.pallas import tpu as pltpu
from jax.experimental.pallas import tpu_sc as plsc

N = 10000
D = 128
H1 = 512
H2 = 128
OUT = 40

N_PAD = 10240
N_TILES = 32
K = 128
CH = 81
N_ACC = 10016
E_PAD = N_TILES * CH * K
ROWS_PT = N_PAD // 16
BLK = 2048
GRID = N_PAD // BLK


def _deg_body(sd_hbm, zeros_hbm, out_hbm, idx_v, ones_v, acc_s, sem_d):
    c = lax.axis_index("c")
    s = lax.axis_index("s")
    g = c * 16 + s
    pltpu.sync_copy(zeros_hbm.at[pl.ds(s * ROWS_PT, ROWS_PT)],
                    acc_s.at[pl.ds(s * ROWS_PT, ROWS_PT)])
    for i in range(K // 16):
        ones_v[pl.ds(i * 16, 16)] = jnp.ones((16,), jnp.float32)
    pltpu.sync_copy(sd_hbm.at[g], idx_v)
    plsc.subcore_barrier()

    def body(j, carry):
        pltpu.async_copy(ones_v, acc_s.at[idx_v.at[j, 1]], sem_d, add=True)
        return carry

    lax.fori_loop(0, CH, body, 0)

    def drain(j, carry):
        pltpu.make_async_copy(ones_v, acc_s.at[idx_v.at[0, 1]], sem_d).wait()
        return carry

    lax.fori_loop(0, CH, drain, 0)
    plsc.subcore_barrier()
    pltpu.sync_copy(acc_s.at[pl.ds(s * ROWS_PT, ROWS_PT)],
                    out_hbm.at[c, pl.ds(s * ROWS_PT, ROWS_PT)])


def _agg_body(tab_hbm, sd_hbm, zeros_hbm, out_hbm,
              sd_bufs, row_bufs, acc_s, sem_i, sem_g, sem_s):
    c = lax.axis_index("c")
    s = lax.axis_index("s")
    g = c * 16 + s

    def acc_slices(fn):
        @pl.when(s < 15)
        def _():
            fn(pl.ds(s * 632, 632))

        @pl.when(s == 15)
        def _():
            fn(pl.ds(15 * 632, 536))

    acc_slices(lambda sl: pltpu.sync_copy(zeros_hbm.at[sl], acc_s.at[sl]))

    for b in range(6):
        pltpu.async_copy(sd_hbm.at[g, b], sd_bufs[b], sem_i[b])
    pltpu.make_async_copy(sd_hbm.at[g, 0], sd_bufs[0], sem_i[0]).wait()
    pltpu.async_copy(tab_hbm.at[sd_bufs[0].at[0]], row_bufs[0], sem_g[0])
    plsc.subcore_barrier()

    def body(i, carry):
        j0 = 6 * i
        for b in range(6):
            j = j0 + b
            bn6 = (b + 1) % 6
            bi6 = (b + 4) % 6
            r0 = b % 3
            r1 = (b + 1) % 3

            @pl.when(jnp.logical_and(j >= 2, j <= CH + 1))
            def _():
                pltpu.make_async_copy(tab_hbm.at[pl.ds(0, K)], row_bufs[r1],
                                      sem_s[r1]).wait()

                @pl.when(j + 4 < CH)
                def _():
                    pltpu.async_copy(sd_hbm.at[g, j + 4], sd_bufs[bi6],
                                     sem_i[bi6])

            @pl.when(j + 1 < CH)
            def _():
                pltpu.make_async_copy(sd_hbm.at[g, j + 1],
                                      sd_bufs[bn6], sem_i[bn6]).wait()
                pltpu.async_copy(tab_hbm.at[sd_bufs[bn6].at[0]],
                                 row_bufs[r1], sem_g[r1])

            @pl.when(j < CH)
            def _():
                pltpu.make_async_copy(tab_hbm.at[sd_bufs[b].at[0]],
                                      row_bufs[r0], sem_g[r0]).wait()
                pltpu.async_copy(row_bufs[r0], acc_s.at[sd_bufs[b].at[1]],
                                 sem_s[r0], add=True)

        return carry

    lax.fori_loop(0, (CH + 7) // 6, body, 0)
    plsc.subcore_barrier()
    acc_slices(lambda sl: pltpu.sync_copy(acc_s.at[sl], out_hbm.at[c, sl]))
    @pl.when(s == 15)
    def _():
        pltpu.sync_copy(zeros_hbm.at[pl.ds(N_ACC, N_PAD - N_ACC)],
                        out_hbm.at[c, pl.ds(N_ACC, N_PAD - N_ACC)])


@functools.cache
def _sc_kernels():
    mesh = plsc.VectorSubcoreMesh(core_axis_name="c", subcore_axis_name="s")
    deg_kernel = pl.kernel(
        _deg_body,
        mesh=mesh,
        out_type=jax.ShapeDtypeStruct((2, N_PAD), jnp.float32),
        scratch_types=[
            pltpu.VMEM((CH, 2, K), jnp.int32),
            pltpu.VMEM((K,), jnp.float32),
            pltpu.VMEM_SHARED((N_PAD,), jnp.float32),
            pltpu.SemaphoreType.DMA,
        ],
    )
    agg_kernel = pl.kernel(
        _agg_body,
        mesh=mesh,
        out_type=jax.ShapeDtypeStruct((2, N_PAD, D), jnp.float32),
        scratch_types=[
            tuple(pltpu.VMEM((2, K), jnp.int32) for _ in range(6)),
            tuple(pltpu.VMEM((K, D), jnp.float32) for _ in range(3)),
            pltpu.VMEM_SHARED((N_ACC, D), jnp.float32),
            tuple(pltpu.SemaphoreType.DMA for _ in range(6)),
            tuple(pltpu.SemaphoreType.DMA for _ in range(3)),
            tuple(pltpu.SemaphoreType.DMA for _ in range(3)),
        ],
    )
    return deg_kernel, agg_kernel



def _t1_body(deg_ref, x_ref, out_ref, dis_ref):
    d = deg_ref[0, 0] + deg_ref[1, 0]
    dis = jnp.where(d > 0, lax.rsqrt(d), 0.0)
    disc = dis.reshape(BLK, 1)
    dis_ref[...] = disc
    out_ref[...] = x_ref[...] * disc


def _t2_body(dis_ref, acc_ref, w1_ref, b1_ref, w2_ref, a_ref, out_ref):
    disc = dis_ref[...]
    a0 = (acc_ref[0] + acc_ref[1]) * disc
    z1 = jnp.dot(a0.astype(jnp.bfloat16), w1_ref[...],
                 preferred_element_type=jnp.float32)
    z1 = z1 + b1_ref[...]
    a = a_ref[0, 0]
    f1 = jnp.where(z1 >= 0, z1, a * z1)
    h1 = jnp.dot(f1.astype(jnp.bfloat16), w2_ref[...],
                 preferred_element_type=jnp.float32)
    out_ref[...] = h1 * disc


def _t3_body(dis_ref, acc_ref, b2_ref, a_ref, fcw_ref, fcb_ref, out_ref):
    disc = dis_ref[...]
    a1 = (acc_ref[0] + acc_ref[1]) * disc
    z2 = a1 + b2_ref[...]
    a = a_ref[0, 0]
    f2 = jnp.where(z2 >= 0, z2, a * z2)
    out_ref[...] = jnp.dot(f2, fcw_ref[...],
                           preferred_element_type=jnp.float32) + fcb_ref[...]


def _deg_spec():
    return pl.BlockSpec((2, 1, 1, BLK), lambda b: (0, b, 0, 0))


def _row_spec(width):
    return pl.BlockSpec((BLK, width), lambda b: (b, 0))


def _full_spec(shape):
    return pl.BlockSpec(shape, lambda b: tuple(0 for _ in shape))


def _smem_spec():
    return pl.BlockSpec(memory_space=pltpu.SMEM)


_t1_call = pl.pallas_call(
    _t1_body,
    grid=(GRID,),
    in_specs=[_deg_spec(), _row_spec(D)],
    out_specs=[_row_spec(D), _row_spec(1)],
    out_shape=[
        jax.ShapeDtypeStruct((N_PAD, D), jnp.float32),
        jax.ShapeDtypeStruct((N_PAD, 1), jnp.float32),
    ],
)

_t2_call = pl.pallas_call(
    _t2_body,
    grid=(GRID,),
    in_specs=[
        _row_spec(1),
        pl.BlockSpec((2, BLK, D), lambda b: (0, b, 0)),
        _full_spec((D, H1)),
        _full_spec((1, H1)),
        _full_spec((H1, H2)),
        _smem_spec(),
    ],
    out_specs=_row_spec(H2),
    out_shape=jax.ShapeDtypeStruct((N_PAD, H2), jnp.float32),
)

_t3_call = pl.pallas_call(
    _t3_body,
    grid=(GRID,),
    in_specs=[
        _row_spec(1),
        pl.BlockSpec((2, BLK, H2), lambda b: (0, b, 0)),
        _full_spec((1, H2)),
        _smem_spec(),
        _full_spec((H2, 128)),
        _full_spec((1, 128)),
    ],
    out_specs=_row_spec(128),
    out_shape=jax.ShapeDtypeStruct((N_PAD, 128), jnp.float32),
)



@jax.jit
def kernel(x, edge_index, W1, b1, W2, b2, prelu_a, fc_W, fc_b):
    n_pad_e = E_PAD - edge_index.shape[1] - N
    loop2 = jnp.broadcast_to(jnp.arange(N, dtype=jnp.int32), (2, N))
    pad1 = N + jnp.arange(n_pad_e, dtype=jnp.int32) % (N_ACC - N)
    pad2 = jnp.broadcast_to(pad1, (2, n_pad_e))
    ef = jnp.concatenate([edge_index, loop2, pad2], axis=1)
    sd_r = ef.reshape(2, N_TILES, CH, K).transpose(1, 2, 0, 3)

    x_pad = jnp.zeros((N_PAD, D), jnp.float32).at[:N].set(x)
    zeros_vec = jnp.zeros((N_PAD,), jnp.float32)
    zeros_tab = jnp.zeros((N_PAD, D), jnp.float32)
    a11 = jnp.asarray(prelu_a, jnp.float32).reshape(1, 1)
    fcw_pad = jnp.zeros((H2, 128), jnp.float32).at[:, :OUT].set(fc_W)
    fcb_pad = jnp.zeros((1, 128), jnp.float32).at[0, :OUT].set(fc_b)

    _deg_kernel, _agg_kernel = _sc_kernels()
    deg = _deg_kernel(sd_r, zeros_vec)
    deg_r = deg.reshape(2, GRID, 1, BLK)

    g0, dis_col = _t1_call(deg_r, x_pad)
    acc0 = _agg_kernel(g0, sd_r, zeros_tab)
    g1 = _t2_call(dis_col, acc0, W1.astype(jnp.bfloat16),
                  b1.reshape(1, H1), W2.astype(jnp.bfloat16), a11)
    acc1 = _agg_kernel(g1, sd_r, zeros_tab)
    out = _t3_call(dis_col, acc1, b2.reshape(1, H2), a11, fcw_pad, fcb_pad)
    return out[:N, :OUT]

# --- scband reference (transcript-rebuilt; emitter-appended) ---
"""Pipeline reference for scband-gcnclassifier-17532056502862 (READ-ONLY COPY).

The authoritative reference and input builder live on the scoring server;
editing this copy changes nothing except your own understanding.
"""

import jax, jax.numpy as jnp
import numpy as np

N = 10000
E = 320000
D = 128
H1 = 512
H2 = 128
OUT = 40


def setup_inputs(seed: int = 0) -> dict:
    key = jax.random.key(seed)
    ks = jax.random.split(key, 10)
    x = jax.random.normal(ks[0], (N, D), dtype=jnp.float32)
    edge_index = jax.random.randint(ks[1], (2, E), 0, N, dtype=jnp.int32)
    W1 = jax.random.normal(ks[2], (D, H1), dtype=jnp.float32) * (1.0 / np.sqrt(D))
    b1 = jnp.zeros((H1,), dtype=jnp.float32)
    W2 = jax.random.normal(ks[3], (H1, H2), dtype=jnp.float32) * (1.0 / np.sqrt(H1))
    b2 = jnp.zeros((H2,), dtype=jnp.float32)
    prelu_a = jnp.array(0.25, dtype=jnp.float32)
    fc_W = jax.random.normal(ks[4], (H2, OUT), dtype=jnp.float32) * (1.0 / np.sqrt(H2))
    fc_b = jnp.zeros((OUT,), dtype=jnp.float32)
    return {"x": x, "edge_index": edge_index, "W1": W1, "b1": b1, "W2": W2, "b2": b2, "prelu_a": prelu_a, "fc_W": fc_W, "fc_b": fc_b}


def _gcn_conv(x, edge_index, W, b, num_nodes):
    # PyG GCNConv: x' = D^{-1/2} (A + I) D^{-1/2} X W + b
    src = edge_index[0]
    dst = edge_index[1]
    loop = jnp.arange(num_nodes, dtype=edge_index.dtype)
    src = jnp.concatenate([src, loop])
    dst = jnp.concatenate([dst, loop])
    h = x @ W
    deg = jnp.zeros((num_nodes,), dtype=h.dtype).at[dst].add(1.0)
    deg_inv_sqrt = jnp.where(deg > 0, 1.0 / jnp.sqrt(deg), 0.0)
    norm = deg_inv_sqrt[src] * deg_inv_sqrt[dst]
    msg = h[src] * norm[:, None]
    out = jnp.zeros((num_nodes, h.shape[1]), dtype=h.dtype).at[dst].add(msg)
    return out + b


def _prelu(x, a):
    return jnp.where(x >= 0, x, a * x)


def reference(x, edge_index, W1, b1, W2, b2, prelu_a, fc_W, fc_b):
    num_nodes = x.shape[0]
    # dropout treated as identity (eval mode / deterministic reference)
    feat1 = _prelu(_gcn_conv(x, edge_index, W1, b1, num_nodes), prelu_a)
    feat2 = _prelu(_gcn_conv(feat1, edge_index, W2, b2, num_nodes), prelu_a)
    logits = feat2 @ fc_W + fc_b
    return logits

if __name__ == "__main__":
    import jax
    _d = setup_inputs()
    print(jax.jit(kernel)(*tuple(_d.values())))

</pallas_src>

<mosaic_0001>
#map = affine_map<(d0, d1) -> (0, 0, 0, 0)>
#map1 = affine_map<(d0, d1) -> (0)>
#map2 = affine_map<(d0, d1) -> (0, 0)>
module attributes {stable_mosaic.version = 14 : i64} {
  func.func @_deg_body(%arg0: i32, %arg1: i32, %arg2: memref<32x81x2x128xi32, #tpu.memory_space<hbm>>, %arg3: memref<10240xf32, #tpu.memory_space<hbm>>, %arg4: memref<2x10240xf32, #tpu.memory_space<hbm>>, %arg5: memref<81x2x128xi32, #tpu.memory_space<vmem>>, %arg6: memref<128xf32, #tpu.memory_space<vmem>>, %arg7: memref<10240xf32, #tpu.memory_space<vmem_shared>>, %arg8: memref<!tpu.dma_semaphore, #tpu.memory_space<semaphore_mem>>) attributes {dimension_semantics = [#tpu.dimension_semantics<core_parallel>, #tpu.dimension_semantics<subcore_parallel>], iteration_bounds = array<i64: 2, 16>, scalar_prefetch = 0 : i64, scratch_operands = 4 : i64, tpu.core_type = #tpu.core_type<sc_vector_subcore>, window_params = [{transform_indices = #map}, {transform_indices = #map1}, {transform_indices = #map2}]} {
    %mul3A = arith.constant 16 : i32
    %mul3A_0 = arith.muli %arg0, %mul3A : i32
    %add3A = arith.addi %mul3A_0, %arg1 : i32
    %mul3A_1 = arith.constant 640 : i32
    %mul3A_2 = arith.muli %arg1, %mul3A_1 : i32
    %mul3A_3 = arith.constant 640 : i32
    %mul3A_4 = arith.muli %arg1, %mul3A_3 : i32
    "tpu.region"() ({
      %run_scoped3A = tpu.sem_alloc : memref<!tpu.dma_semaphore, #tpu.memory_space<semaphore_mem>>
      %dma_start3A = tpu.memref_slice %arg7[%mul3A_4] : memref<10240xf32, #tpu.memory_space<vmem_shared>> -> memref<640xf32, #tpu.memory_space<vmem_shared>>
      %dma_start3A_67 = tpu.memref_slice %arg3[%mul3A_2] : memref<10240xf32, #tpu.memory_space<hbm>> -> memref<640xf32, #tpu.memory_space<hbm>>
      tpu.enqueue_dma source(%dma_start3A_67 : memref<640xf32, #tpu.memory_space<hbm>>) target(%dma_start3A : memref<640xf32, #tpu.memory_space<vmem_shared>>) target_semaphore(%run_scoped3A : memref<!tpu.dma_semaphore, #tpu.memory_space<semaphore_mem>>)
      %dma_wait3A = tpu.memref_slice %arg7[%mul3A_4] : memref<10240xf32, #tpu.memory_space<vmem_shared>> -> memref<640xf32, #tpu.memory_space<vmem_shared>>
      %dma_wait3A_68 = tpu.memref_slice %arg3[%mul3A_2] : memref<10240xf32, #tpu.memory_space<hbm>> -> memref<640xf32, #tpu.memory_space<hbm>>
      tpu.wait_dma2 semaphore(%run_scoped3A : memref<!tpu.dma_semaphore, #tpu.memory_space<semaphore_mem>>) src(%dma_wait3A_68 : memref<640xf32, #tpu.memory_space<hbm>>) dst(%dma_wait3A : memref<640xf32, #tpu.memory_space<vmem_shared>>)
      tpu.yield
    }) : () -> ()
    %broadcast_in_dim3A = arith.constant 1.000000e+00 : f32
    %broadcast_in_dim3A_5 = vector.broadcast %broadcast_in_dim3A : f32 to vector<16xf32>
    %swap3A = arith.constant 0 : index
    %swap3A_6 = tpu.vector_load %arg6[%swap3A] {strides = array<i32>} : memref<128xf32, #tpu.memory_space<vmem>>, vector<16xf32>,
    %swap3A_7 = vector.shape_cast %swap3A_6 : vector<16xf32> to vector<16xf32>
    %swap3A_8 = vector.shape_cast %broadcast_in_dim3A_5 : vector<16xf32> to vector<16xf32>
    tpu.vector_store %arg6[%swap3A], %swap3A_8 {strides = array<i32>} : memref<128xf32, #tpu.memory_space<vmem>>, vector<16xf32>,
    %broadcast_in_dim3A_9 = arith.constant 1.000000e+00 : f32
    %broadcast_in_dim3A_10 = vector.broadcast %broadcast_in_dim3A_9 : f32 to vector<16xf32>
    %swap3A_11 = arith.constant 16 : index
    %swap3A_12 = tpu.vector_load %arg6[%swap3A_11] {strides = array<i32>} : memref<128xf32, #tpu.memory_space<vmem>>, vector<16xf32>,
    %swap3A_13 = vector.shape_cast %swap3A_12 : vector<16xf32> to vector<16xf32>
    %swap3A_14 = vector.shape_cast %broadcast_in_dim3A_10 : vector<16xf32> to vector<16xf32>
    tpu.vector_store %arg6[%swap3A_11], %swap3A_14 {strides = array<i32>} : memref<128xf32, #tpu.memory_space<vmem>>, vector<16xf32>,
    %broadcast_in_dim3A_15 = arith.constant 1.000000e+00 : f32
    %broadcast_in_dim3A_16 = vector.broadcast %broadcast_in_dim3A_15 : f32 to vector<16xf32>
    %swap3A_17 = arith.constant 32 : index
    %swap3A_18 = tpu.vector_load %arg6[%swap3A_17] {strides = array<i32>} : memref<128xf32, #tpu.memory_space<vmem>>, vector<16xf32>,
    %swap3A_19 = vector.shape_cast %swap3A_18 : vector<16xf32> to vector<16xf32>
    %swap3A_20 = vector.shape_cast %broadcast_in_dim3A_16 : vector<16xf32> to vector<16xf32>
    tpu.vector_store %arg6[%swap3A_17], %swap3A_20 {strides = array<i32>} : memref<128xf32, #tpu.memory_space<vmem>>, vector<16xf32>,
    %broadcast_in_dim3A_21 = arith.constant 1.000000e+00 : f32
    %broadcast_in_dim3A_22 = vector.broadcast %broadcast_in_dim3A_21 : f32 to vector<16xf32>
    %swap3A_23 = arith.constant 48 : index
    %swap3A_24 = tpu.vector_load %arg6[%swap3A_23] {strides = array<i32>} : memref<128xf32, #tpu.memory_space<vmem>>, vector<16xf32>,
    %swap3A_25 = vector.shape_cast %swap3A_24 : vector<16xf32> to vector<16xf32>
    %swap3A_26 = vector.shape_cast %broadcast_in_dim3A_22 : vector<16xf32> to vector<16xf32>
    tpu.vector_store %arg6[%swap3A_23], %swap3A_26 {strides = array<i32>} : memref<128xf32, #tpu.memory_space<vmem>>, vector<16xf32>,
    %broadcast_in_dim3A_27 = arith.constant 1.000000e+00 : f32
    %broadcast_in_dim3A_28 = vector.broadcast %broadcast_in_dim3A_27 : f32 to vector<16xf32>
    %swap3A_29 = arith.constant 64 : index
    %swap3A_30 = tpu.vector_load %arg6[%swap3A_29] {strides = array<i32>} : memref<128xf32, #tpu.memory_space<vmem>>, vector<16xf32>,
    %swap3A_31 = vector.shape_cast %swap3A_30 : vector<16xf32> to vector<16xf32>
    %swap3A_32 = vector.shape_cast %broadcast_in_dim3A_28 : vector<16xf32> to vector<16xf32>
    tpu.vector_store %arg6[%swap3A_29], %swap3A_32 {strides = array<i32>} : memref<128xf32, #tpu.memory_space<vmem>>, vector<16xf32>,
    %broadcast_in_dim3A_33 = arith.constant 1.000000e+00 : f32
    %broadcast_in_dim3A_34 = vector.broadcast %broadcast_in_dim3A_33 : f32 to vector<16xf32>
    %swap3A_35 = arith.constant 80 : index
    %swap3A_36 = tpu.vector_load %arg6[%swap3A_35] {strides = array<i32>} : memref<128xf32, #tpu.memory_space<vmem>>, vector<16xf32>,
    %swap3A_37 = vector.shape_cast %swap3A_36 : vector<16xf32> to vector<16xf32>
    %swap3A_38 = vector.shape_cast %broadcast_in_dim3A_34 : vector<16xf32> to vector<16xf32>
    tpu.vector_store %arg6[%swap3A_35], %swap3A_38 {strides = array<i32>} : memref<128xf32, #tpu.memory_space<vmem>>, vector<16xf32>,
    %broadcast_in_dim3A_39 = arith.constant 1.000000e+00 : f32
    %broadcast_in_dim3A_40 = vector.broadcast %broadcast_in_dim3A_39 : f32 to vector<16xf32>
    %swap3A_41 = arith.constant 96 : index
    %swap3A_42 = tpu.vector_load %arg6[%swap3A_41] {strides = array<i32>} : memref<128xf32, #tpu.memory_space<vmem>>, vector<16xf32>,
    %swap3A_43 = vector.shape_cast %swap3A_42 : vector<16xf32> to vector<16xf32>
    %swap3A_44 = vector.shape_cast %broadcast_in_dim3A_40 : vector<16xf32> to vector<16xf32>
    tpu.vector_store %arg6[%swap3A_41], %swap3A_44 {strides = array<i32>} : memref<128xf32, #tpu.memory_space<vmem>>, vector<16xf32>,
    %broadcast_in_dim3A_45 = arith.constant 1.000000e+00 : f32
    %broadcast_in_dim3A_46 = vector.broadcast %broadcast_in_dim3A_45 : f32 to vector<16xf32>
    %swap3A_47 = arith.constant 112 : index
    %swap3A_48 = tpu.vector_load %arg6[%swap3A_47] {strides = array<i32>} : memref<128xf32, #tpu.memory_space<vmem>>, vector<16xf32>,
    %swap3A_49 = vector.shape_cast %swap3A_48 : vector<16xf32> to vector<16xf32>
    %swap3A_50 = vector.shape_cast %broadcast_in_dim3A_46 : vector<16xf32> to vector<16xf32>
    tpu.vector_store %arg6[%swap3A_47], %swap3A_50 {strides = array<i32>} : memref<128xf32, #tpu.memory_space<vmem>>, vector<16xf32>,
    "tpu.region"() ({
      %run_scoped3A = tpu.sem_alloc : memref<!tpu.dma_semaphore, #tpu.memory_space<semaphore_mem>>
      %dma_start3A = arith.constant 0 : i32
      %dma_start3A_67 = arith.constant 0 : i32
      %dma_start3A_68 = arith.constant 0 : i32
      %dma_start3A_69 = tpu.memref_slice %arg2[%add3A, %dma_start3A, %dma_start3A_67, %dma_start3A_68] : memref<32x81x2x128xi32, #tpu.memory_space<hbm>> -> memref<1x81x2x128xi32, #tpu.memory_space<hbm>>
      %dma_start3A_70 = tpu.memref_squeeze %dma_start3A_69 : memref<1x81x2x128xi32, #tpu.memory_space<hbm>> -> memref<81x2x128xi32, #tpu.memory_space<hbm>>
      %dma_start3A_71 = arith.constant 0 : i32
      %dma_start3A_72 = arith.constant 0 : i32
      %dma_start3A_73 = arith.constant 0 : i32
      %dma_start3A_74 = tpu.memref_slice %arg2[%add3A, %dma_start3A_71, %dma_start3A_72, %dma_start3A_73] : memref<32x81x2x128xi32, #tpu.memory_space<hbm>> -> memref<1x81x2x128xi32, #tpu.memory_space<hbm>>
      %dma_start3A_75 = tpu.memref_squeeze %dma_start3A_74 : memref<1x81x2x128xi32, #tpu.memory_space<hbm>> -> memref<81x2x128xi32, #tpu.memory_space<hbm>>
      tpu.enqueue_dma source(%dma_start3A_75 : memref<81x2x128xi32, #tpu.memory_space<hbm>>) target(%arg5 : memref<81x2x128xi32, #tpu.memory_space<vmem>>) target_semaphore(%run_scoped3A : memref<!tpu.dma_semaphore, #tpu.memory_space<semaphore_mem>>)
      %dma_wait3A = arith.constant 0 : i32
      %dma_wait3A_76 = arith.constant 0 : i32
      %dma_wait3A_77 = arith.constant 0 : i32
      %dma_wait3A_78 = tpu.memref_slice %arg2[%add3A, %dma_wait3A, %dma_wait3A_76, %dma_wait3A_77] : memref<32x81x2x128xi32, #tpu.memory_space<hbm>> -> memref<1x81x2x128xi32, #tpu.memory_space<hbm>>
      %dma_wait3A_79 = tpu.memref_squeeze %dma_wait3A_78 : memref<1x81x2x128xi32, #tpu.memory_space<hbm>> -> memref<81x2x128xi32, #tpu.memory_space<hbm>>
      %dma_wait3A_80 = arith.constant 0 : i32
      %dma_wait3A_81 = arith.constant 0 : i32
      %dma_wait3A_82 = arith.constant 0 : i32
      %dma_wait3A_83 = tpu.memref_slice %arg2[%add3A, %dma_wait3A_80, %dma_wait3A_81, %dma_wait3A_82] : memref<32x81x2x128xi32, #tpu.memory_space<hbm>> -> memref<1x81x2x128xi32, #tpu.memory_space<hbm>>
      %dma_wait3A_84 = tpu.memref_squeeze %dma_wait3A_83 : memref<1x81x2x128xi32, #tpu.memory_space<hbm>> -> memref<81x2x128xi32, #tpu.memory_space<hbm>>
      tpu.wait_dma2 semaphore(%run_scoped3A : memref<!tpu.dma_semaphore, #tpu.memory_space<semaphore_mem>>) src(%dma_wait3A_84 : memref<81x2x128xi32, #tpu.memory_space<hbm>>) dst(%arg5 : memref<81x2x128xi32, #tpu.memory_space<vmem>>)
      tpu.yield
    }) : () -> ()
    %barrier3A = arith.constant 0 : index
    tpu.barrier barrier_id(%barrier3A)
    %scan3A = arith.constant 0 : i32
    %scan3A_51 = arith.constant 0 : i32
    %scan3A_52 = arith.constant 81 : i32
    %scan3A_53 = arith.addi %scan3A_51, %scan3A_52 : i32
    %scan3A_54 = arith.constant 1 : i32
    scf.for %scan3A_67 = %scan3A_51 to %scan3A_53 step %scan3A_54  : i32 {
      %dma_start3A = arith.constant 1 : i32
      %dma_start3A_68 = arith.constant 0 : i32
      %dma_start3A_69 = tpu.memref_slice %arg5[%scan3A_67, %dma_start3A, %dma_start3A_68] : memref<81x2x128xi32, #tpu.memory_space<vmem>> -> memref<1x1x128xi32, #tpu.memory_space<vmem>>
      %dma_start3A_70 = tpu.memref_squeeze %dma_start3A_69 : memref<1x1x128xi32, #tpu.memory_space<vmem>> -> memref<128xi32, #tpu.memory_space<vmem>>
      %dma_start3A_71 = arith.constant 0 : i32
      %dma_start3A_72 = tpu.memref_slice %arg7[%dma_start3A_71] : memref<10240xf32, #tpu.memory_space<vmem_shared>> -> memref<10240xf32, #tpu.memory_space<vmem_shared>>
      tpu.enqueue_indirect_dma source(%arg6 : memref<128xf32, #tpu.memory_space<vmem>>) target(%dma_start3A_72 : memref<10240xf32, #tpu.memory_space<vmem_shared>>) offsets(%dma_start3A_70 : memref<128xi32, #tpu.memory_space<vmem>>) semaphore(%arg8 : memref<!tpu.dma_semaphore, #tpu.memory_space<semaphore_mem>>) {add = true}
    }
    %scan3A_55 = arith.constant 81 : i32
    %scan3A_56 = arith.constant 0 : i32
    %scan3A_57 = arith.constant 0 : i32
    %scan3A_58 = arith.constant 81 : i32
    %scan3A_59 = arith.addi %scan3A_57, %scan3A_58 : i32
    %scan3A_60 = arith.constant 1 : i32
    scf.for %scan3A_67 = %scan3A_57 to %scan3A_59 step %scan3A_60  : i32 {
      %dma_wait3A = arith.constant 0 : i32
      %dma_wait3A_68 = arith.constant 1 : i32
      %dma_wait3A_69 = arith.constant 0 : i32
      %dma_wait3A_70 = tpu.memref_slice %arg5[%dma_wait3A, %dma_wait3A_68, %dma_wait3A_69] : memref<81x2x128xi32, #tpu.memory_space<vmem>> -> memref<1x1x128xi32, #tpu.memory_space<vmem>>
      %dma_wait3A_71 = tpu.memref_squeeze %dma_wait3A_70 : memref<1x1x128xi32, #tpu.memory_space<vmem>> -> memref<128xi32, #tpu.memory_space<vmem>>
      %dma_wait3A_72 = arith.constant 0 : i32
      %dma_wait3A_73 = tpu.memref_slice %arg7[%dma_wait3A_72] : memref<10240xf32, #tpu.memory_space<vmem_shared>> -> memref<10240xf32, #tpu.memory_space<vmem_shared>>
      tpu.wait_indirect_dma semaphore(%arg8 : memref<!tpu.dma_semaphore, #tpu.memory_space<semaphore_mem>>) src(%arg6 : memref<128xf32, #tpu.memory_space<vmem>>) dst(%dma_wait3A_73 : memref<10240xf32, #tpu.memory_space<vmem_shared>>)
    }
    %scan3A_61 = arith.constant 81 : i32
    %barrier3A_62 = arith.constant 0 : index
    tpu.barrier barrier_id(%barrier3A_62)
    %mul3A_63 = arith.constant 640 : i32
    %mul3A_64 = arith.muli %arg1, %mul3A_63 : i32
    %mul3A_65 = arith.constant 640 : i32
    %mul3A_66 = arith.muli %arg1, %mul3A_65 : i32
    "tpu.region"() ({
      %run_scoped3A = tpu.sem_alloc : memref<!tpu.dma_semaphore, #tpu.memory_space<semaphore_mem>>
      %dma_start3A = tpu.memref_slice %arg4[%arg0, %mul3A_66] : memref<2x10240xf32, #tpu.memory_space<hbm>> -> memref<1x640xf32, #tpu.memory_space<hbm>>
      %dma_start3A_67 = tpu.memref_squeeze %dma_start3A : memref<1x640xf32, #tpu.memory_space<hbm>> -> memref<640xf32, #tpu.memory_space<hbm>>
      %dma_start3A_68 = tpu.memref_slice %arg7[%mul3A_64] : memref<10240xf32, #tpu.memory_space<vmem_shared>> -> memref<640xf32, #tpu.memory_space<vmem_shared>>
      tpu.enqueue_dma source(%dma_start3A_68 : memref<640xf32, #tpu.memory_space<vmem_shared>>) target(%dma_start3A_67 : memref<640xf32, #tpu.memory_space<hbm>>) target_semaphore(%run_scoped3A : memref<!tpu.dma_semaphore, #tpu.memory_space<semaphore_mem>>)
      %dma_wait3A = tpu.memref_slice %arg4[%arg0, %mul3A_66] : memref<2x10240xf32, #tpu.memory_space<hbm>> -> memref<1x640xf32, #tpu.memory_space<hbm>>
      %dma_wait3A_69 = tpu.memref_squeeze %dma_wait3A : memref<1x640xf32, #tpu.memory_space<hbm>> -> memref<640xf32, #tpu.memory_space<hbm>>
      %dma_wait3A_70 = tpu.memref_slice %arg7[%mul3A_64] : memref<10240xf32, #tpu.memory_space<vmem_shared>> -> memref<640xf32, #tpu.memory_space<vmem_shared>>
      tpu.wait_dma2 semaphore(%run_scoped3A : memref<!tpu.dma_semaphore, #tpu.memory_space<semaphore_mem>>) src(%dma_wait3A_70 : memref<640xf32, #tpu.memory_space<vmem_shared>>) dst(%dma_wait3A_69 : memref<640xf32, #tpu.memory_space<hbm>>)
      tpu.yield
    }) : () -> ()
    return
  }
}

#map = affine_map<(d0, d1) -> (0, 0)>
#map1 = affine_map<(d0, d1) -> (0, 0, 0, 0)>
#map2 = affine_map<(d0, d1) -> (0, 0, 0)>
module attributes {stable_mosaic.version = 14 : i64} {
  func.func @_agg_body(%arg0: i32, %arg1: i32, %arg2: memref<10240x128xf32, #tpu.memory_space<hbm>>, %arg3: memref<32x81x2x128xi32, #tpu.memory_space<hbm>>, %arg4: memref<10240x128xf32, #tpu.memory_space<hbm>>, %arg5: memref<2x10240x128xf32, #tpu.memory_space<hbm>>, %arg6: memref<2x128xi32, #tpu.memory_space<vmem>>, %arg7: memref<2x128xi32, #tpu.memory_space<vmem>>, %arg8: memref<2x128xi32, #tpu.memory_space<vmem>>, %arg9: memref<2x128xi32, #tpu.memory_space<vmem>>, %arg10: memref<2x128xi32, #tpu.memory_space<vmem>>, %arg11: memref<2x128xi32, #tpu.memory_space<vmem>>, %arg12: memref<128x128xf32, #tpu.memory_space<vmem>>, %arg13: memref<128x128xf32, #tpu.memory_space<vmem>>, %arg14: memref<128x128xf32, #tpu.memory_space<vmem>>, %arg15: memref<10016x128xf32, #tpu.memory_space<vmem_shared>>, %arg16: memref<!tpu.dma_semaphore, #tpu.memory_space<semaphore_mem>>, %arg17: memref<!tpu.dma_semaphore, #tpu.memory_space<semaphore_mem>>, %arg18: memref<!tpu.dma_semaphore, #tpu.memory_space<semaphore_mem>>, %arg19: memref<!tpu.dma_semaphore, #tpu.memory_space<semaphore_mem>>, %arg20: memref<!tpu.dma_semaphore, #tpu.memory_space<semaphore_mem>>, %arg21: memref<!tpu.dma_semaphore, #tpu.memory_space<semaphore_mem>>, %arg22: memref<!tpu.dma_semaphore, #tpu.memory_space<semaphore_mem>>, %arg23: memref<!tpu.dma_semaphore, #tpu.memory_space<semaphore_mem>>, %arg24: memref<!tpu.dma_semaphore, #tpu.memory_space<semaphore_mem>>, %arg25: memref<!tpu.dma_semaphore, #tpu.memory_space<semaphore_mem>>, %arg26: memref<!tpu.dma_semaphore, #tpu.memory_space<semaphore_mem>>, %arg27: memref<!tpu.dma_semaphore, #tpu.memory_space<semaphore_mem>>) attributes {dimension_semantics = [#tpu.dimension_semantics<core_parallel>, #tpu.dimension_semantics<subcore_parallel>], iteration_bounds = array<i64: 2, 16>, scalar_prefetch = 0 : i64, scratch_operands = 22 : i64, tpu.core_type = #tpu.core_type<sc_vector_subcore>, window_params = [{transform_indices = #map}, {transform_indices = #map1}, {transform_indices = #map}, {transform_indices = #map2}]} {
    %mul3A = arith.constant 16 : i32
    %mul3A_0 = arith.muli %arg0, %mul3A : i32
    %add3A = arith.addi %mul3A_0, %arg1 : i32
    %lt3A = arith.constant 15 : i32
    %lt3A_1 = arith.cmpi slt, %arg1, %lt3A : i32
    %convert_element_type3A = arith.extui %lt3A_1 : i1 to i32
    %cond3A = arith.constant 0 : i32
    %cond3A_2 = arith.cmpi ne, %convert_element_type3A, %cond3A : i32
    scf.if %cond3A_2 {
      %mul3A_96 = arith.constant 632 : i32
      %mul3A_97 = arith.muli %arg1, %mul3A_96 : i32
      "tpu.region"() ({
        %run_scoped3A = tpu.sem_alloc : memref<!tpu.dma_semaphore, #tpu.memory_space<semaphore_mem>>
        %dma_start3A_98 = arith.constant 0 : i32
        %dma_start3A_99 = tpu.memref_slice %arg15[%mul3A_97, %dma_start3A_98] : memref<10016x128xf32, #tpu.memory_space<vmem_shared>> -> memref<632x128xf32, #tpu.memory_space<vmem_shared>>
        %dma_start3A_100 = arith.constant 0 : i32
        %dma_start3A_101 = tpu.memref_slice %arg4[%mul3A_97, %dma_start3A_100] : memref<10240x128xf32, #tpu.memory_space<hbm>> -> memref<632x128xf32, #tpu.memory_space<hbm>>
        tpu.enqueue_dma source(%dma_start3A_101 : memref<632x128xf32, #tpu.memory_space<hbm>>) target(%dma_start3A_99 : memref<632x128xf32, #tpu.memory_space<vmem_shared>>) target_semaphore(%run_scoped3A : memref<!tpu.dma_semaphore, #tpu.memory_space<semaphore_mem>>)
        %dma_wait3A_102 = arith.constant 0 : i32
        %dma_wait3A_103 = tpu.memref_slice %arg15[%mul3A_97, %dma_wait3A_102] : memref<10016x128xf32, #tpu.memory_space<vmem_shared>> -> memref<632x128xf32, #tpu.memory_space<vmem_shared>>
        %dma_wait3A_104 = arith.constant 0 : i32
        %dma_wait3A_105 = tpu.memref_slice %arg4[%mul3A_97, %dma_wait3A_104] : memref<10240x128xf32, #tpu.memory_space<hbm>> -> memref<632x128xf32, #tpu.memory_space<hbm>>
        tpu.wait_dma2 semaphore(%run_scoped3A : memref<!tpu.dma_semaphore, #tpu.memory_space<semaphore_mem>>) src(%dma_wait3A_105 : memref<632x128xf32, #tpu.memory_space<hbm>>) dst(%dma_wait3A_103 : memref<632x128xf32, #tpu.memory_space<vmem_shared>>)
        tpu.yield
      }) : () -> ()
    } else {
    }
    %eq3A = arith.constant 15 : i32
    %eq3A_3 = arith.cmpi eq, %arg1, %eq3A : i32
    %convert_element_type3A_4 = arith.extui %eq3A_3 : i1 to i32
    %cond3A_5 = arith.constant 0 : i32
    %cond3A_6 = arith.cmpi ne, %convert_element_type3A_4, %cond3A_5 : i32
    scf.if %cond3A_6 {
      "tpu.region"() ({
        %run_scoped3A = tpu.sem_alloc : memref<!tpu.dma_semaphore, #tpu.memory_space<semaphore_mem>>
        %dma_start3A_96 = arith.constant 9480 : i32
        %dma_start3A_97 = arith.constant 0 : i32
        %dma_start3A_98 = tpu.memref_slice %arg15[%dma_start3A_96, %dma_start3A_97] : memref<10016x128xf32, #tpu.memory_space<vmem_shared>> -> memref<536x128xf32, #tpu.memory_space<vmem_shared>>
        %dma_start3A_99 = arith.constant 9480 : i32
        %dma_start3A_100 = arith.constant 0 : i32
        %dma_start3A_101 = tpu.memref_slice %arg4[%dma_start3A_99, %dma_start3A_100] : memref<10240x128xf32, #tpu.memory_space<hbm>> -> memref<536x128xf32, #tpu.memory_space<hbm>>
        tpu.enqueue_dma source(%dma_start3A_101 : memref<536x128xf32, #tpu.memory_space<hbm>>) target(%dma_start3A_98 : memref<536x128xf32, #tpu.memory_space<vmem_shared>>) target_semaphore(%run_scoped3A : memref<!tpu.dma_semaphore, #tpu.memory_space<semaphore_mem>>)
        %dma_wait3A_102 = arith.constant 9480 : i32
        %dma_wait3A_103 = arith.constant 0 : i32
        %dma_wait3A_104 = tpu.memref_slice %arg15[%dma_wait3A_102, %dma_wait3A_103] : memref<10016x128xf32, #tpu.memory_space<vmem_shared>> -> memref<536x128xf32, #tpu.memory_space<vmem_shared>>
        %dma_wait3A_105 = arith.constant 9480 : i32
        %dma_wait3A_106 = arith.constant 0 : i32
        %dma_wait3A_107 = tpu.memref_slice %arg4[%dma_wait3A_105, %dma_wait3A_106] : memref<10240x128xf32, #tpu.memory_space<hbm>> -> memref<536x128xf32, #tpu.memory_space<hbm>>
        tpu.wait_dma2 semaphore(%run_scoped3A : memref<!tpu.dma_semaphore, #tpu.memory_space<semaphore_mem>>) src(%dma_wait3A_107 : memref<536x128xf32, #tpu.memory_space<hbm>>) dst(%dma_wait3A_104 : memref<536x128xf32, #tpu.memory_space<vmem_shared>>)
        tpu.yield
      }) : () -> ()
    } else {
    }
    %dma_start3A = arith.constant 0 : i32
    %dma_start3A_7 = arith.constant 0 : i32
    %dma_start3A_8 = arith.constant 0 : i32
    %dma_start3A_9 = tpu.memref_slice %arg3[%add3A, %dma_start3A, %dma_start3A_7, %dma_start3A_8] : memref<32x81x2x128xi32, #tpu.memory_space<hbm>> -> memref<1x1x2x128xi32, #tpu.memory_space<hbm>>
    %dma_start3A_10 = tpu.memref_squeeze %dma_start3A_9 : memref<1x1x2x128xi32, #tpu.memory_space<hbm>> -> memref<2x128xi32, #tpu.memory_space<hbm>>
    %dma_start3A_11 = arith.constant 0 : i32
    %dma_start3A_12 = arith.constant 0 : i32
    %dma_start3A_13 = tpu.memref_slice %arg3[%add3A, %dma_start3A, %dma_start3A_11, %dma_start3A_12] : memref<32x81x2x128xi32, #tpu.memory_space<hbm>> -> memref<1x1x2x128xi32, #tpu.memory_space<hbm>>
    %dma_start3A_14 = tpu.memref_squeeze %dma_start3A_13 : memref<1x1x2x128xi32, #tpu.memory_space<hbm>> -> memref<2x128xi32, #tpu.memory_space<hbm>>
    tpu.enqueue_dma source(%dma_start3A_14 : memref<2x128xi32, #tpu.memory_space<hbm>>) target(%arg6 : memref<2x128xi32, #tpu.memory_space<vmem>>) target_semaphore(%arg16 : memref<!tpu.dma_semaphore, #tpu.memory_space<semaphore_mem>>)
    %dma_start3A_15 = arith.constant 1 : i32
    %dma_start3A_16 = arith.constant 0 : i32
    %dma_start3A_17 = arith.constant 0 : i32
    %dma_start3A_18 = tpu.memref_slice %arg3[%add3A, %dma_start3A_15, %dma_start3A_16, %dma_start3A_17] : memref<32x81x2x128xi32, #tpu.memory_space<hbm>> -> memref<1x1x2x128xi32, #tpu.memory_space<hbm>>
    %dma_start3A_19 = tpu.memref_squeeze %dma_start3A_18 : memref<1x1x2x128xi32, #tpu.memory_space<hbm>> -> memref<2x128xi32, #tpu.memory_space<hbm>>
    %dma_start3A_20 = arith.constant 0 : i32
    %dma_start3A_21 = arith.constant 0 : i32
    %dma_start3A_22 = tpu.memref_slice %arg3[%add3A, %dma_start3A_15, %dma_start3A_20, %dma_start3A_21] : memref<32x81x2x128xi32, #tpu.memory_space<hbm>> -> memref<1x1x2x128xi32, #tpu.memory_space<hbm>>
    %dma_start3A_23 = tpu.memref_squeeze %dma_start3A_22 : memref<1x1x2x128xi32, #tpu.memory_space<hbm>> -> memref<2x128xi32, #tpu.memory_space<hbm>>
    tpu.enqueue_dma source(%dma_start3A_23 : memref<2x128xi32, #tpu.memory_space<hbm>>) target(%arg7 : memref<2x128xi32, #tpu.memory_space<vmem>>) target_semaphore(%arg17 : memref<!tpu.dma_semaphore, #tpu.memory_space<semaphore_mem>>)
    %dma_start3A_24 = arith.constant 2 : i32
    %dma_start3A_25 = arith.constant 0 : i32
    %dma_start3A_26 = arith.constant 0 : i32
    %dma_start3A_27 = tpu.memref_slice %arg3[%add3A, %dma_start3A_24, %dma_start3A_25, %dma_start3A_26] : memref<32x81x2x128xi32, #tpu.memory_space<hbm>> -> memref<1x1x2x128xi32, #tpu.memory_space<hbm>>
    %dma_start3A_28 = tpu.memref_squeeze %dma_start3A_27 : memref<1x1x2x128xi32, #tpu.memory_space<hbm>> -> memref<2x128xi32, #tpu.memory_space<hbm>>
    %dma_start3A_29 = arith.constant 0 : i32
    %dma_start3A_30 = arith.constant 0 : i32
    %dma_start3A_31 = tpu.memref_slice %arg3[%add3A, %dma_start3A_24, %dma_start3A_29, %dma_start3A_30] : memref<32x81x2x128xi32, #tpu.memory_space<hbm>> -> memref<1x1x2x128xi32, #tpu.memory_space<hbm>>
    %dma_start3A_32 = tpu.memref_squeeze %dma_start3A_31 : memref<1x1x2x128xi32, #tpu.memory_space<hbm>> -> memref<2x128xi32, #tpu.memory_space<hbm>>
    tpu.enqueue_dma source(%dma_start3A_32 : memref<2x128xi32, #tpu.memory_space<hbm>>) target(%arg8 : memref<2x128xi32, #tpu.memory_space<vmem>>) target_semaphore(%arg18 : memref<!tpu.dma_semaphore, #tpu.memory_space<semaphore_mem>>)
    %dma_start3A_33 = arith.constant 3 : i32
    %dma_start3A_34 = arith.constant 0 : i32
    %dma_start3A_35 = arith.constant 0 : i32
    %dma_start3A_36 = tpu.memref_slice %arg3[%add3A, %dma_start3A_33, %dma_start3A_34, %dma_start3A_35] : memref<32x81x2x128xi32, #tpu.memory_space<hbm>> -> memref<1x1x2x128xi32, #tpu.memory_space<hbm>>
    %dma_start3A_37 = tpu.memref_squeeze %dma_start3A_36 : memref<1x1x2x128xi32, #tpu.memory_space<hbm>> -> memref<2x128xi32, #tpu.memory_space<hbm>>
    %dma_start3A_38 = arith.constant 0 : i32
    %dma_start3A_39 = arith.constant 0 : i32
    %dma_start3A_40 = tpu.memref_slice %arg3[%add3A, %dma_start3A_33, %dma_start3A_38, %dma_start3A_39] : memref<32x81x2x128xi32, #tpu.memory_space<hbm>> -> memref<1x1x2x128xi32, #tpu.memory_space<hbm>>
    %dma_start3A_41 = tpu.memref_squeeze %dma_start3A_40 : memref<1x1x2x128xi32, #tpu.memory_space<hbm>> -> memref<2x128xi32, #tpu.memory_space<hbm>>
    tpu.enqueue_dma source(%dma_start3A_41 : memref<2x128xi32, #tpu.memory_space<hbm>>) target(%arg9 : memref<2x128xi32, #tpu.memory_space<vmem>>) target_semaphore(%arg19 : memref<!tpu.dma_semaphore, #tpu.memory_space<semaphore_mem>>)
    %dma_start3A_42 = arith.constant 4 : i32
    %dma_start3A_43 = arith.constant 0 : i32
    %dma_start3A_44 = arith.constant 0 : i32
    %dma_start3A_45 = tpu.memref_slice %arg3[%add3A, %dma_start3A_42, %dma_start3A_43, %dma_start3A_44] : memref<32x81x2x128xi32, #tpu.memory_space<hbm>> -> memref<1x1x2x128xi32, #tpu.memory_space<hbm>>
    %dma_start3A_46 = tpu.memref_squeeze %dma_start3A_45 : memref<1x1x2x128xi32, #tpu.memory_space<hbm>> -> memref<2x128xi32, #tpu.memory_space<hbm>>
    %dma_start3A_47 = arith.constant 0 : i32
    %dma_start3A_48 = arith.constant 0 : i32
    %dma_start3A_49 = tpu.memref_slice %arg3[%add3A, %dma_start3A_42, %dma_start3A_47, %dma_start3A_48] : memref<32x81x2x128xi32, #tpu.memory_space<hbm>> -> memref<1x1x2x128xi32, #tpu.memory_space<hbm>>
    %dma_start3A_50 = tpu.memref_squeeze %dma_start3A_49 : memref<1x1x2x128xi32, #tpu.memory_space<hbm>> -> memref<2x128xi32, #tpu.memory_space<hbm>>
    tpu.enqueue_dma source(%dma_start3A_50 : memref<2x128xi32, #tpu.memory_space<hbm>>) target(%arg10 : memref<2x128xi32, #tpu.memory_space<vmem>>) target_semaphore(%arg20 : memref<!tpu.dma_semaphore, #tpu.memory_space<semaphore_mem>>)
    %dma_start3A_51 = arith.constant 5 : i32
    %dma_start3A_52 = arith.constant 0 : i32
    %dma_start3A_53 = arith.constant 0 : i32
    %dma_start3A_54 = tpu.memref_slice %arg3[%add3A, %dma_start3A_51, %dma_start3A_52, %dma_start3A_53] : memref<32x81x2x128xi32, #tpu.memory_space<hbm>> -> memref<1x1x2x128xi32, #tpu.memory_space<hbm>>
    %dma_start3A_55 = tpu.memref_squeeze %dma_start3A_54 : memref<1x1x2x128xi32, #tpu.memory_space<hbm>> -> memref<2x128xi32, #tpu.memory_space<hbm>>
    %dma_start3A_56 = arith.constant 0 : i32
    %dma_start3A_57 = arith.constant 0 : i32
    %dma_start3A_58 = tpu.memref_slice %arg3[%add3A, %dma_start3A_51, %dma_start3A_56, %dma_start3A_57] : memref<32x81x2x128xi32, #tpu.memory_space<hbm>> -> memref<1x1x2x128xi32, #tpu.memory_space<hbm>>
    %dma_start3A_59 = tpu.memref_squeeze %dma_start3A_58 : memref<1x1x2x128xi32, #tpu.memory_space<hbm>> -> memref<2x128xi32, #tpu.memory_space<hbm>>
    tpu.enqueue_dma source(%dma_start3A_59 : memref<2x128xi32, #tpu.memory_space<hbm>>) target(%arg11 : memref<2x128xi32, #tpu.memory_space<vmem>>) target_semaphore(%arg21 : memref<!tpu.dma_semaphore, #tpu.memory_space<semaphore_mem>>)
    %dma_wait3A = arith.constant 0 : i32
    %dma_wait3A_60 = arith.constant 0 : i32
    %dma_wait3A_61 = arith.constant 0 : i32
    %dma_wait3A_62 = tpu.memref_slice %arg3[%add3A, %dma_wait3A, %dma_wait3A_60, %dma_wait3A_61] : memref<32x81x2x128xi32, #tpu.memory_space<hbm>> -> memref<1x1x2x128xi32, #tpu.memory_space<hbm>>
    %dma_wait3A_63 = tpu.memref_squeeze %dma_wait3A_62 : memref<1x1x2x128xi32, #tpu.memory_space<hbm>> -> memref<2x128xi32, #tpu.memory_space<hbm>>
    %dma_wait3A_64 = arith.constant 0 : i32
    %dma_wait3A_65 = arith.constant 0 : i32
    %dma_wait3A_66 = tpu.memref_slice %arg3[%add3A, %dma_wait3A, %dma_wait3A_64, %dma_wait3A_65] : memref<32x81x2x128xi32, #tpu.memory_space<hbm>> -> memref<1x1x2x128xi32, #tpu.memory_space<hbm>>
    %dma_wait3A_67 = tpu.memref_squeeze %dma_wait3A_66 : memref<1x1x2x128xi32, #tpu.memory_space<hbm>> -> memref<2x128xi32, #tpu.memory_space<hbm>>
    tpu.wait_dma2 semaphore(%arg16 : memref<!tpu.dma_semaphore, #tpu.memory_space<semaphore_mem>>) src(%dma_wait3A_67 : memref<2x128xi32, #tpu.memory_space<hbm>>) dst(%arg6 : memref<2x128xi32, #tpu.memory_space<vmem>>)
    %dma_start3A_68 = arith.constant 0 : i32
    %dma_start3A_69 = arith.constant 0 : i32
    %dma_start3A_70 = tpu.memref_slice %arg6[%dma_start3A_68, %dma_start3A_69] : memref<2x128xi32, #tpu.memory_space<vmem>> -> memref<1x128xi32, #tpu.memory_space<vmem>>
    %dma_start3A_71 = tpu.memref_squeeze %dma_start3A_70 : memref<1x128xi32, #tpu.memory_space<vmem>> -> memref<128xi32, #tpu.memory_space<vmem>>
    %dma_start3A_72 = arith.constant 0 : i32
    %dma_start3A_73 = arith.constant 0 : i32
    %dma_start3A_74 = tpu.memref_slice %arg2[%dma_start3A_72, %dma_start3A_73] : memref<10240x128xf32, #tpu.memory_space<hbm>> -> memref<10240x128xf32, #tpu.memory_space<hbm>>
    tpu.enqueue_indirect_dma source(%dma_start3A_74 : memref<10240x128xf32, #tpu.memory_space<hbm>>) target(%arg12 : memref<128x128xf32, #tpu.memory_space<vmem>>) offsets(%dma_start3A_71 : memref<128xi32, #tpu.memory_space<vmem>>) semaphore(%arg22 : memref<!tpu.dma_semaphore, #tpu.memory_space<semaphore_mem>>)
    %barrier3A = arith.constant 0 : index
    tpu.barrier barrier_id(%barrier3A)
    %scan3A = arith.constant 0 : i32
    %scan3A_75 = arith.constant 0 : i32
    %scan3A_76 = arith.constant 14 : i32
    %scan3A_77 = arith.addi %scan3A_75, %scan3A_76 : i32
    %scan3A_78 = arith.constant 1 : i32
    scf.for %scan3A_96 = %scan3A_75 to %scan3A_77 step %scan3A_78  : i32 {
      %mul3A_97 = arith.constant 6 : i32
      %mul3A_98 = arith.muli %mul3A_97, %scan3A_96 : i32
      %add3A_99 = arith.constant 0 : i32
      %add3A_100 = arith.addi %mul3A_98, %add3A_99 : i32
      %ge3A = arith.constant 2 : i32
      %ge3A_101 = arith.cmpi sge, %add3A_100, %ge3A : i32
      %le3A = arith.constant 82 : i32
      %le3A_102 = arith.cmpi sle, %add3A_100, %le3A : i32
      %and3A = arith.andi %ge3A_101, %le3A_102 : i1
      %convert_element_type3A_103 = arith.extui %and3A : i1 to i32
      %cond3A_104 = arith.constant 0 : i32
      %cond3A_105 = arith.cmpi ne, %convert_element_type3A_103, %cond3A_104 : i32
      scf.if %cond3A_105 {
        %dma_wait3A_228 = arith.constant 0 : i32
        %dma_wait3A_229 = arith.constant 0 : i32
        %dma_wait3A_230 = tpu.memref_slice %arg2[%dma_wait3A_228, %dma_wait3A_229] : memref<10240x128xf32, #tpu.memory_space<hbm>> -> memref<128x128xf32, #tpu.memory_space<hbm>>
        %dma_wait3A_231 = arith.constant 0 : i32
        %dma_wait3A_232 = arith.constant 0 : i32
        %dma_wait3A_233 = tpu.memref_slice %arg2[%dma_wait3A_231, %dma_wait3A_232] : memref<10240x128xf32, #tpu.memory_space<hbm>> -> memref<128x128xf32, #tpu.memory_space<hbm>>
        tpu.wait_dma2 semaphore(%arg26 : memref<!tpu.dma_semaphore, #tpu.memory_space<semaphore_mem>>) src(%dma_wait3A_233 : memref<128x128xf32, #tpu.memory_space<hbm>>) dst(%arg13 : memref<128x128xf32, #tpu.memory_space<vmem>>)
        %add3A_234 = arith.constant 4 : i32
        %add3A_235 = arith.addi %add3A_100, %add3A_234 : i32
        %lt3A_236 = arith.constant 81 : i32
        %lt3A_237 = arith.cmpi slt, %add3A_235, %lt3A_236 : i32
        %convert_element_type3A_238 = arith.extui %lt3A_237 : i1 to i32
        %cond3A_239 = arith.constant 0 : i32
        %cond3A_240 = arith.cmpi ne, %convert_element_type3A_238, %cond3A_239 : i32
        scf.if %cond3A_240 {
          %add3A_241 = arith.constant 4 : i32
          %add3A_242 = arith.addi %add3A_100, %add3A_241 : i32
          %dma_start3A_243 = arith.constant 0 : i32
          %dma_start3A_244 = arith.constant 0 : i32
          %dma_start3A_245 = tpu.memref_slice %arg3[%add3A, %add3A_242, %dma_start3A_243, %dma_start3A_244] : memref<32x81x2x128xi32, #tpu.memory_space<hbm>> -> memref<1x1x2x128xi32, #tpu.memory_space<hbm>>
          %dma_start3A_246 = tpu.memref_squeeze %dma_start3A_245 : memref<1x1x2x128xi32, #tpu.memory_space<hbm>> -> memref<2x128xi32, #tpu.memory_space<hbm>>
          %dma_start3A_247 = arith.constant 0 : i32
          %dma_start3A_248 = arith.constant 0 : i32
          %dma_start3A_249 = tpu.memref_slice %arg3[%add3A, %add3A_242, %dma_start3A_247, %dma_start3A_248] : memref<32x81x2x128xi32, #tpu.memory_space<hbm>> -> memref<1x1x2x128xi32, #tpu.memory_space<hbm>>
          %dma_start3A_250 = tpu.memref_squeeze %dma_start3A_249 : memref<1x1x2x128xi32, #tpu.memory_space<hbm>> -> memref<2x128xi32, #tpu.memory_space<hbm>>
          tpu.enqueue_dma source(%dma_start3A_250 : memref<2x128xi32, #tpu.memory_space<hbm>>) target(%arg10 : memref<2x128xi32, #tpu.memory_space<vmem>>) target_semaphore(%arg20 : memref<!tpu.dma_semaphore, #tpu.memory_space<semaphore_mem>>)
        } else {
        }
      } else {
      }
      %add3A_106 = arith.constant 1 : i32
      %add3A_107 = arith.addi %add3A_100, %add3A_106 : i32
      %lt3A_108 = arith.constant 81 : i32
      %lt3A_109 = arith.cmpi slt, %add3A_107, %lt3A_108 : i32
      %convert_element_type3A_110 = arith.extui %lt3A_109 : i1 to i32
      %cond3A_111 = arith.constant 0 : i32
      %cond3A_112 = arith.cmpi ne, %convert_element_type3A_110, %cond3A_111 : i32
      scf.if %cond3A_112 {
        %add3A_228 = arith.constant 1 : i32
        %add3A_229 = arith.addi %add3A_100, %add3A_228 : i32
        %dma_wait3A_230 = arith.constant 0 : i32
        %dma_wait3A_231 = arith.constant 0 : i32
        %dma_wait3A_232 = tpu.memref_slice %arg3[%add3A, %add3A_229, %dma_wait3A_230, %dma_wait3A_231] : memref<32x81x2x128xi32, #tpu.memory_space<hbm>> -> memref<1x1x2x128xi32, #tpu.memory_space<hbm>>
        %dma_wait3A_233 = tpu.memref_squeeze %dma_wait3A_232 : memref<1x1x2x128xi32, #tpu.memory_space<hbm>> -> memref<2x128xi32, #tpu.memory_space<hbm>>
        %dma_wait3A_234 = arith.constant 0 : i32
        %dma_wait3A_235 = arith.constant 0 : i32
        %dma_wait3A_236 = tpu.memref_slice %arg3[%add3A, %add3A_229, %dma_wait3A_234, %dma_wait3A_235] : memref<32x81x2x128xi32, #tpu.memory_space<hbm>> -> memref<1x1x2x128xi32, #tpu.memory_space<hbm>>
        %dma_wait3A_237 = tpu.memref_squeeze %dma_wait3A_236 : memref<1x1x2x128xi32, #tpu.memory_space<hbm>> -> memref<2x128xi32, #tpu.memory_space<hbm>>
        tpu.wait_dma2 semaphore(%arg17 : memref<!tpu.dma_semaphore, #tpu.memory_space<semaphore_mem>>) src(%dma_wait3A_237 : memref<2x128xi32, #tpu.memory_space<hbm>>) dst(%arg7 : memref<2x128xi32, #tpu.memory_space<vmem>>)
        %dma_start3A_238 = arith.constant 0 : i32
        %dma_start3A_239 = arith.constant 0 : i32
        %dma_start3A_240 = tpu.memref_slice %arg7[%dma_start3A_238, %dma_start3A_239] : memref<2x128xi32, #tpu.memory_space<vmem>> -> memref<1x128xi32, #tpu.memory_space<vmem>>
        %dma_start3A_241 = tpu.memref_squeeze %dma_start3A_240 : memref<1x128xi32, #tpu.memory_space<vmem>> -> memref<128xi32, #tpu.memory_space<vmem>>
        %dma_start3A_242 = arith.constant 0 : i32
        %dma_start3A_243 = arith.constant 0 : i32
        %dma_start3A_244 = tpu.memref_slice %arg2[%dma_start3A_242, %dma_start3A_243] : memref<10240x128xf32, #tpu.memory_space<hbm>> -> memref<10240x128xf32, #tpu.memory_space<hbm>>
        tpu.enqueue_indirect_dma source(%dma_start3A_244 : memref<10240x128xf32, #tpu.memory_space<hbm>>) target(%arg13 : memref<128x128xf32, #tpu.memory_space<vmem>>) offsets(%dma_start3A_241 : memref<128xi32, #tpu.memory_space<vmem>>) semaphore(%arg23 : memref<!tpu.dma_semaphore, #tpu.memory_space<semaphore_mem>>)
      } else {
      }
      %lt3A_113 = arith.constant 81 : i32
      %lt3A_114 = arith.cmpi slt, %add3A_100, %lt3A_113 : i32
      %convert_element_type3A_115 = arith.extui %lt3A_114 : i1 to i32
      %cond3A_116 = arith.constant 0 : i32
      %cond3A_117 = arith.cmpi ne, %convert_element_type3A_115, %cond3A_116 : i32
      scf.if %cond3A_117 {
        %dma_wait3A_228 = arith.constant 0 : i32
        %dma_wait3A_229 = arith.constant 0 : i32
        %dma_wait3A_230 = tpu.memref_slice %arg6[%dma_wait3A_228, %dma_wait3A_229] : memref<2x128xi32, #tpu.memory_space<vmem>> -> memref<1x128xi32, #tpu.memory_space<vmem>>
        %dma_wait3A_231 = tpu.memref_squeeze %dma_wait3A_230 : memref<1x128xi32, #tpu.memory_space<vmem>> -> memref<128xi32, #tpu.memory_space<vmem>>
        %dma_wait3A_232 = arith.constant 0 : i32
        %dma_wait3A_233 = arith.constant 0 : i32
        %dma_wait3A_234 = tpu.memref_slice %arg2[%dma_wait3A_232, %dma_wait3A_233] : memref<10240x128xf32, #tpu.memory_space<hbm>> -> memref<10240x128xf32, #tpu.memory_space<hbm>>
        tpu.wait_indirect_dma semaphore(%arg22 : memref<!tpu.dma_semaphore, #tpu.memory_space<semaphore_mem>>) src(%dma_wait3A_234 : memref<10240x128xf32, #tpu.memory_space<hbm>>) dst(%arg12 : memref<128x128xf32, #tpu.memory_space<vmem>>)
        %dma_start3A_235 = arith.constant 1 : i32
        %dma_start3A_236 = arith.constant 0 : i32
        %dma_start3A_237 = tpu.memref_slice %arg6[%dma_start3A_235, %dma_start3A_236] : memref<2x128xi32, #tpu.memory_space<vmem>> -> memref<1x128xi32, #tpu.memory_space<vmem>>
        %dma_start3A_238 = tpu.memref_squeeze %dma_start3A_237 : memref<1x128xi32, #tpu.memory_space<vmem>> -> memref<128xi32, #tpu.memory_space<vmem>>
        %dma_start3A_239 = arith.constant 0 : i32
        %dma_start3A_240 = arith.constant 0 : i32
        %dma_start3A_241 = tpu.memref_slice %arg15[%dma_start3A_239, %dma_start3A_240] : memref<10016x128xf32, #tpu.memory_space<vmem_shared>> -> memref<10016x128xf32, #tpu.memory_space<vmem_shared>>
        tpu.enqueue_indirect_dma source(%arg12 : memref<128x128xf32, #tpu.memory_space<vmem>>) target(%dma_start3A_241 : memref<10016x128xf32, #tpu.memory_space<vmem_shared>>) offsets(%dma_start3A_238 : memref<128xi32, #tpu.memory_space<vmem>>) semaphore(%arg25 : memref<!tpu.dma_semaphore, #tpu.memory_space<semaphore_mem>>) {add = true}
      } else {
      }
      %add3A_118 = arith.constant 1 : i32
      %add3A_119 = arith.addi %mul3A_98, %add3A_118 : i32
      %ge3A_120 = arith.constant 2 : i32
      %ge3A_121 = arith.cmpi sge, %add3A_119, %ge3A_120 : i32
      %le3A_122 = arith.constant 82 : i32
      %le3A_123 = arith.cmpi sle, %add3A_119, %le3A_122 : i32
      %and3A_124 = arith.andi %ge3A_121, %le3A_123 : i1
      %convert_element_type3A_125 = arith.extui %and3A_124 : i1 to i32
      %cond3A_126 = arith.constant 0 : i32
      %cond3A_127 = arith.cmpi ne, %convert_element_type3A_125, %cond3A_126 : i32
      scf.if %cond3A_127 {
        %dma_wait3A_228 = arith.constant 0 : i32
        %dma_wait3A_229 = arith.constant 0 : i32
        %dma_wait3A_230 = tpu.memref_slice %arg2[%dma_wait3A_228, %dma_wait3A_229] : memref<10240x128xf32, #tpu.memory_space<hbm>> -> memref<128x128xf32, #tpu.memory_space<hbm>>
        %dma_wait3A_231 = arith.constant 0 : i32
        %dma_wait3A_232 = arith.constant 0 : i32
        %dma_wait3A_233 = tpu.memref_slice %arg2[%dma_wait3A_231, %dma_wait3A_232] : memref<10240x128xf32, #tpu.memory_space<hbm>> -> memref<128x128xf32, #tpu.memory_space<hbm>>
        tpu.wait_dma2 semaphore(%arg27 : memref<!tpu.dma_semaphore, #tpu.memory_space<semaphore_mem>>) src(%dma_wait3A_233 : memref<128x128xf32, #tpu.memory_space<hbm>>) dst(%arg14 : memref<128x128xf32, #tpu.memory_space<vmem>>)
        %add3A_234 = arith.constant 4 : i32
        %add3A_235 = arith.addi %add3A_119, %add3A_234 : i32
        %lt3A_236 = arith.constant 81 : i32
        %lt3A_237 = arith.cmpi slt, %add3A_235, %lt3A_236 : i32
        %convert_element_type3A_238 = arith.extui %lt3A_237 : i1 to i32
        %cond3A_239 = arith.constant 0 : i32
        %cond3A_240 = arith.cmpi ne, %convert_element_type3A_238, %cond3A_239 : i32
        scf.if %cond3A_240 {
          %add3A_241 = arith.constant 4 : i32
          %add3A_242 = arith.addi %add3A_119, %add3A_241 : i32
          %dma_start3A_243 = arith.constant 0 : i32
          %dma_start3A_244 = arith.constant 0 : i32
          %dma_start3A_245 = tpu.memref_slice %arg3[%add3A, %add3A_242, %dma_start3A_243, %dma_start3A_244] : memref<32x81x2x128xi32, #tpu.memory_space<hbm>> -> memref<1x1x2x128xi32, #tpu.memory_space<hbm>>
          %dma_start3A_246 = tpu.memref_squeeze %dma_start3A_245 : memref<1x1x2x128xi32, #tpu.memory_space<hbm>> -> memref<2x128xi32, #tpu.memory_space<hbm>>
          %dma_start3A_247 = arith.constant 0 : i32
          %dma_start3A_248 = arith.constant 0 : i32
          %dma_start3A_249 = tpu.memref_slice %arg3[%add3A, %add3A_242, %dma_start3A_247, %dma_start3A_248] : memref<32x81x2x128xi32, #tpu.memory_space<hbm>> -> memref<1x1x2x128xi32, #tpu.memory_space<hbm>>
          %dma_start3A_250 = tpu.memref_squeeze %dma_start3A_249 : memref<1x1x2x128xi32, #tpu.memory_space<hbm>> -> memref<2x128xi32, #tpu.memory_space<hbm>>
          tpu.enqueue_dma source(%dma_start3A_250 : memref<2x128xi32, #tpu.memory_space<hbm>>) target(%arg11 : memref<2x128xi32, #tpu.memory_space<vmem>>) target_semaphore(%arg21 : memref<!tpu.dma_semaphore, #tpu.memory_space<semaphore_mem>>)
        } else {
        }
      } else {
      }
      %add3A_128 = arith.constant 1 : i32
      %add3A_129 = arith.addi %add3A_119, %add3A_128 : i32
      %lt3A_130 = arith.constant 81 : i32
      %lt3A_131 = arith.cmpi slt, %add3A_129, %lt3A_130 : i32
      %convert_element_type3A_132 = arith.extui %lt3A_131 : i1 to i32
      %cond3A_133 = arith.constant 0 : i32
      %cond3A_134 = arith.cmpi ne, %convert_element_type3A_132, %cond3A_133 : i32
      scf.if %cond3A_134 {
        %add3A_228 = arith.constant 1 : i32
        %add3A_229 = arith.addi %add3A_119, %add3A_228 : i32
        %dma_wait3A_230 = arith.constant 0 : i32
        %dma_wait3A_231 = arith.constant 0 : i32
        %dma_wait3A_232 = tpu.memref_slice %arg3[%add3A, %add3A_229, %dma_wait3A_230, %dma_wait3A_231] : memref<32x81x2x128xi32, #tpu.memory_space<hbm>> -> memref<1x1x2x128xi32, #tpu.memory_space<hbm>>
        %dma_wait3A_233 = tpu.memref_squeeze %dma_wait3A_232 : memref<1x1x2x128xi32, #tpu.memory_space<hbm>> -> memref<2x128xi32, #tpu.memory_space<hbm>>
        %dma_wait3A_234 = arith.constant 0 : i32
        %dma_wait3A_235 = arith.constant 0 : i32
        %dma_wait3A_236 = tpu.memref_slice %arg3[%add3A, %add3A_229, %dma_wait3A_234, %dma_wait3A_235] : memref<32x81x2x128xi32, #tpu.memory_space<hbm>> -> memref<1x1x2x128xi32, #tpu.memory_space<hbm>>
        %dma_wait3A_237 = tpu.memref_squeeze %dma_wait3A_236 : memref<1x1x2x128xi32, #tpu.memory_space<hbm>> -> memref<2x128xi32, #tpu.memory_space<hbm>>
        tpu.wait_dma2 semaphore(%arg18 : memref<!tpu.dma_semaphore, #tpu.memory_space<semaphore_mem>>) src(%dma_wait3A_237 : memref<2x128xi32, #tpu.memory_space<hbm>>) dst(%arg8 : memref<2x128xi32, #tpu.memory_space<vmem>>)
        %dma_start3A_238 = arith.constant 0 : i32
        %dma_start3A_239 = arith.constant 0 : i32
        %dma_start3A_240 = tpu.memref_slice %arg8[%dma_start3A_238, %dma_start3A_239] : memref<2x128xi32, #tpu.memory_space<vmem>> -> memref<1x128xi32, #tpu.memory_space<vmem>>
        %dma_start3A_241 = tpu.memref_squeeze %dma_start3A_240 : memref<1x128xi32, #tpu.memory_space<vmem>> -> memref<128xi32, #tpu.memory_space<vmem>>
        %dma_start3A_242 = arith.constant 0 : i32
        %dma_start3A_243 = arith.constant 0 : i32
        %dma_start3A_244 = tpu.memref_slice %arg2[%dma_start3A_242, %dma_start3A_243] : memref<10240x128xf32, #tpu.memory_space<hbm>> -> memref<10240x128xf32, #tpu.memory_space<hbm>>
        tpu.enqueue_indirect_dma source(%dma_start3A_244 : memref<10240x128xf32, #tpu.memory_space<hbm>>) target(%arg14 : memref<128x128xf32, #tpu.memory_space<vmem>>) offsets(%dma_start3A_241 : memref<128xi32, #tpu.memory_space<vmem>>) semaphore(%arg24 : memref<!tpu.dma_semaphore, #tpu.memory_space<semaphore_mem>>)
      } else {
      }
      %lt3A_135 = arith.constant 81 : i32
      %lt3A_136 = arith.cmpi slt, %add3A_119, %lt3A_135 : i32
      %convert_element_type3A_137 = arith.extui %lt3A_136 : i1 to i32
      %cond3A_138 = arith.constant 0 : i32
      %cond3A_139 = arith.cmpi ne, %convert_element_type3A_137, %cond3A_138 : i32
      scf.if %cond3A_139 {
        %dma_wait3A_228 = arith.constant 0 : i32
        %dma_wait3A_229 = arith.constant 0 : i32
        %dma_wait3A_230 = tpu.memref_slice %arg7[%dma_wait3A_228, %dma_wait3A_229] : memref<2x128xi32, #tpu.memory_space<vmem>> -> memref<1x128xi32, #tpu.memory_space<vmem>>
        %dma_wait3A_231 = tpu.memref_squeeze %dma_wait3A_230 : memref<1x128xi32, #tpu.memory_space<vmem>> -> memref<128xi32, #tpu.memory_space<vmem>>
        %dma_wait3A_232 = arith.constant 0 : i32
        %dma_wait3A_233 = arith.constant 0 : i32
        %dma_wait3A_234 = tpu.memref_slice %arg2[%dma_wait3A_232, %dma_wait3A_233] : memref<10240x128xf32, #tpu.memory_space<hbm>> -> memref<10240x128xf32, #tpu.memory_space<hbm>>
        tpu.wait_indirect_dma semaphore(%arg23 : memref<!tpu.dma_semaphore, #tpu.memory_space<semaphore_mem>>) src(%dma_wait3A_234 : memref<10240x128xf32, #tpu.memory_space<hbm>>) dst(%arg13 : memref<128x128xf32, #tpu.memory_space<vmem>>)
        %dma_start3A_235 = arith.constant 1 : i32
        %dma_start3A_236 = arith.constant 0 : i32
        %dma_start3A_237 = tpu.memref_slice %arg7[%dma_start3A_235, %dma_start3A_236] : memref<2x128xi32, #tpu.memory_space<vmem>> -> memref<1x128xi32, #tpu.memory_space<vmem>>
        %dma_start3A_238 = tpu.memref_squeeze %dma_start3A_237 : memref<1x128xi32, #tpu.memory_space<vmem>> -> memref<128xi32, #tpu.memory_space<vmem>>
        %dma_start3A_239 = arith.constant 0 : i32
        %dma_start3A_240 = arith.constant 0 : i32
        %dma_start3A_241 = tpu.memref_slice %arg15[%dma_start3A_239, %dma_start3A_240] : memref<10016x128xf32, #tpu.memory_space<vmem_shared>> -> memref<10016x128xf32, #tpu.memory_space<vmem_shared>>
        tpu.enqueue_indirect_dma source(%arg13 : memref<128x128xf32, #tpu.memory_space<vmem>>) target(%dma_start3A_241 : memref<10016x128xf32, #tpu.memory_space<vmem_shared>>) offsets(%dma_start3A_238 : memref<128xi32, #tpu.memory_space<vmem>>) semaphore(%arg26 : memref<!tpu.dma_semaphore, #tpu.memory_space<semaphore_mem>>) {add = true}
      } else {
      }
      %add3A_140 = arith.constant 2 : i32
      %add3A_141 = arith.addi %mul3A_98, %add3A_140 : i32
      %ge3A_142 = arith.constant 2 : i32
      %ge3A_143 = arith.cmpi sge, %add3A_141, %ge3A_142 : i32
      %le3A_144 = arith.constant 82 : i32
      %le3A_145 = arith.cmpi sle, %add3A_141, %le3A_144 : i32
      %and3A_146 = arith.andi %ge3A_143, %le3A_145 : i1
      %convert_element_type3A_147 = arith.extui %and3A_146 : i1 to i32
      %cond3A_148 = arith.constant 0 : i32
      %cond3A_149 = arith.cmpi ne, %convert_element_type3A_147, %cond3A_148 : i32
      scf.if %cond3A_149 {
        %dma_wait3A_228 = arith.constant 0 : i32
        %dma_wait3A_229 = arith.constant 0 : i32
        %dma_wait3A_230 = tpu.memref_slice %arg2[%dma_wait3A_228, %dma_wait3A_229] : memref<10240x128xf32, #tpu.memory_space<hbm>> -> memref<128x128xf32, #tpu.memory_space<hbm>>
        %dma_wait3A_231 = arith.constant 0 : i32
        %dma_wait3A_232 = arith.constant 0 : i32
        %dma_wait3A_233 = tpu.memref_slice %arg2[%dma_wait3A_231, %dma_wait3A_232] : memref<10240x128xf32, #tpu.memory_space<hbm>> -> memref<128x128xf32, #tpu.memory_space<hbm>>
        tpu.wait_dma2 semaphore(%arg25 : memref<!tpu.dma_semaphore, #tpu.memory_space<semaphore_mem>>) src(%dma_wait3A_233 : memref<128x128xf32, #tpu.memory_space<hbm>>) dst(%arg12 : memref<128x128xf32, #tpu.memory_space<vmem>>)
        %add3A_234 = arith.constant 4 : i32
        %add3A_235 = arith.addi %add3A_141, %add3A_234 : i32
        %lt3A_236 = arith.constant 81 : i32
        %lt3A_237 = arith.cmpi slt, %add3A_235, %lt3A_236 : i32
        %convert_element_type3A_238 = arith.extui %lt3A_237 : i1 to i32
        %cond3A_239 = arith.constant 0 : i32
        %cond3A_240 = arith.cmpi ne, %convert_element_type3A_238, %cond3A_239 : i32
        scf.if %cond3A_240 {
          %add3A_241 = arith.constant 4 : i32
          %add3A_242 = arith.addi %add3A_141, %add3A_241 : i32
          %dma_start3A_243 = arith.constant 0 : i32
          %dma_start3A_244 = arith.constant 0 : i32
          %dma_start3A_245 = tpu.memref_slice %arg3[%add3A, %add3A_242, %dma_start3A_243, %dma_start3A_244] : memref<32x81x2x128xi32, #tpu.memory_space<hbm>> -> memref<1x1x2x128xi32, #tpu.memory_space<hbm>>
          %dma_start3A_246 = tpu.memref_squeeze %dma_start3A_245 : memref<1x1x2x128xi32, #tpu.memory_space<hbm>> -> memref<2x128xi32, #tpu.memory_space<hbm>>
          %dma_start3A_247 = arith.constant 0 : i32
          %dma_start3A_248 = arith.constant 0 : i32
          %dma_start3A_249 = tpu.memref_slice %arg3[%add3A, %add3A_242, %dma_start3A_247, %dma_start3A_248] : memref<32x81x2x128xi32, #tpu.memory_space<hbm>> -> memref<1x1x2x128xi32, #tpu.memory_space<hbm>>
          %dma_start3A_250 = tpu.memref_squeeze %dma_start3A_249 : memref<1x1x2x128xi32, #tpu.memory_space<hbm>> -> memref<2x128xi32, #tpu.memory_space<hbm>>
          tpu.enqueue_dma source(%dma_start3A_250 : memref<2x128xi32, #tpu.memory_space<hbm>>) target(%arg6 : memref<2x128xi32, #tpu.memory_space<vmem>>) target_semaphore(%arg16 : memref<!tpu.dma_semaphore, #tpu.memory_space<semaphore_mem>>)
        } else {
        }
      } else {
      }
      %add3A_150 = arith.constant 1 : i32
      %add3A_151 = arith.addi %add3A_141, %add3A_150 : i32
      %lt3A_152 = arith.constant 81 : i32
      %lt3A_153 = arith.cmpi slt, %add3A_151, %lt3A_152 : i32
      %convert_element_type3A_154 = arith.extui %lt3A_153 : i1 to i32
      %cond3A_155 = arith.constant 0 : i32
      %cond3A_156 = arith.cmpi ne, %convert_element_type3A_154, %cond3A_155 : i32
      scf.if %cond3A_156 {
        %add3A_228 = arith.constant 1 : i32
        %add3A_229 = arith.addi %add3A_141, %add3A_228 : i32
        %dma_wait3A_230 = arith.constant 0 : i32
        %dma_wait3A_231 = arith.constant 0 : i32
        %dma_wait3A_232 = tpu.memref_slice %arg3[%add3A, %add3A_229, %dma_wait3A_230, %dma_wait3A_231] : memref<32x81x2x128xi32, #tpu.memory_space<hbm>> -> memref<1x1x2x128xi32, #tpu.memory_space<hbm>>
        %dma_wait3A_233 = tpu.memref_squeeze %dma_wait3A_232 : memref<1x1x2x128xi32, #tpu.memory_space<hbm>> -> memref<2x128xi32, #tpu.memory_space<hbm>>
        %dma_wait3A_234 = arith.constant 0 : i32
        %dma_wait3A_235 = arith.constant 0 : i32
        %dma_wait3A_236 = tpu.memref_slice %arg3[%add3A, %add3A_229, %dma_wait3A_234, %dma_wait3A_235] : memref<32x81x2x128xi32, #tpu.memory_space<hbm>> -> memref<1x1x2x128xi32, #tpu.memory_space<hbm>>
        %dma_wait3A_237 = tpu.memref_squeeze %dma_wait3A_236 : memref<1x1x2x128xi32, #tpu.memory_space<hbm>> -> memref<2x128xi32, #tpu.memory_space<hbm>>
        tpu.wait_dma2 semaphore(%arg19 : memref<!tpu.dma_semaphore, #tpu.memory_space<semaphore_mem>>) src(%dma_wait3A_237 : memref<2x128xi32, #tpu.memory_space<hbm>>) dst(%arg9 : memref<2x128xi32, #tpu.memory_space<vmem>>)
        %dma_start3A_238 = arith.constant 0 : i32
        %dma_start3A_239 = arith.constant 0 : i32
        %dma_start3A_240 = tpu.memref_slice %arg9[%dma_start3A_238, %dma_start3A_239] : memref<2x128xi32, #tpu.memory_space<vmem>> -> memref<1x128xi32, #tpu.memory_space<vmem>>
        %dma_start3A_241 = tpu.memref_squeeze %dma_start3A_240 : memref<1x128xi32, #tpu.memory_space<vmem>> -> memref<128xi32, #tpu.memory_space<vmem>>
        %dma_start3A_242 = arith.constant 0 : i32
        %dma_start3A_243 = arith.constant 0 : i32
        %dma_start3A_244 = tpu.memref_slice %arg2[%dma_start3A_242, %dma_start3A_243] : memref<10240x128xf32, #tpu.memory_space<hbm>> -> memref<10240x128xf32, #tpu.memory_space<hbm>>
        tpu.enqueue_indirect_dma source(%dma_start3A_244 : memref<10240x128xf32, #tpu.memory_space<hbm>>) target(%arg12 : memref<128x128xf32, #tpu.memory_space<vmem>>) offsets(%dma_start3A_241 : memref<128xi32, #tpu.memory_space<vmem>>) semaphore(%arg22 : memref<!tpu.dma_semaphore, #tpu.memory_space<semaphore_mem>>)
      } else {
      }
      %lt3A_157 = arith.constant 81 : i32
      %lt3A_158 = arith.cmpi slt, %add3A_141, %lt3A_157 : i32
      %convert_element_type3A_159 = arith.extui %lt3A_158 : i1 to i32
      %cond3A_160 = arith.constant 0 : i32
      %cond3A_161 = arith.cmpi ne, %convert_element_type3A_159, %cond3A_160 : i32
      scf.if %cond3A_161 {
        %dma_wait3A_228 = arith.constant 0 : i32
        %dma_wait3A_229 = arith.constant 0 : i32
        %dma_wait3A_230 = tpu.memref_slice %arg8[%dma_wait3A_228, %dma_wait3A_229] : memref<2x128xi32, #tpu.memory_space<vmem>> -> memref<1x128xi32, #tpu.memory_space<vmem>>
        %dma_wait3A_231 = tpu.memref_squeeze %dma_wait3A_230 : memref<1x128xi32, #tpu.memory_space<vmem>> -> memref<128xi32, #tpu.memory_space<vmem>>
        %dma_wait3A_232 = arith.constant 0 : i32
        %dma_wait3A_233 = arith.constant 0 : i32
        %dma_wait3A_234 = tpu.memref_slice %arg2[%dma_wait3A_232, %dma_wait3A_233] : memref<10240x128xf32, #tpu.memory_space<hbm>> -> memref<10240x128xf32, #tpu.memory_space<hbm>>
        tpu.wait_indirect_dma semaphore(%arg24 : memref<!tpu.dma_semaphore, #tpu.memory_space<semaphore_mem>>) src(%dma_wait3A_234 : memref<10240x128xf32, #tpu.memory_space<hbm>>) dst(%arg14 : memref<128x128xf32, #tpu.memory_space<vmem>>)
        %dma_start3A_235 = arith.constant 1 : i32
        %dma_start3A_236 = arith.constant 0 : i32
        %dma_start3A_237 = tpu.memref_slice %arg8[%dma_start3A_235, %dma_start3A_236] : memref<2x128xi32, #tpu.memory_space<vmem>> -> memref<1x128xi32, #tpu.memory_space<vmem>>
        %dma_start3A_238 = tpu.memref_squeeze %dma_start3A_237 : memref<1x128xi32, #tpu.memory_space<vmem>> -> memref<128xi32, #tpu.memory_space<vmem>>
        %dma_start3A_239 = arith.constant 0 : i32
        %dma_start3A_240 = arith.constant 0 : i32
        %dma_start3A_241 = tpu.memref_slice %arg15[%dma_start3A_239, %dma_start3A_240] : memref<10016x128xf32, #tpu.memory_space<vmem_shared>> -> memref<10016x128xf32, #tpu.memory_space<vmem_shared>>
        tpu.enqueue_indirect_dma source(%arg14 : memref<128x128xf32, #tpu.memory_space<vmem>>) target(%dma_start3A_241 : memref<10016x128xf32, #tpu.memory_space<vmem_shared>>) offsets(%dma_start3A_238 : memref<128xi32, #tpu.memory_space<vmem>>) semaphore(%arg27 : memref<!tpu.dma_semaphore, #tpu.memory_space<semaphore_mem>>) {add = true}
      } else {
      }
      %add3A_162 = arith.constant 3 : i32
      %add3A_163 = arith.addi %mul3A_98, %add3A_162 : i32
      %ge3A_164 = arith.constant 2 : i32
      %ge3A_165 = arith.cmpi sge, %add3A_163, %ge3A_164 : i32
      %le3A_166 = arith.constant 82 : i32
      %le3A_167 = arith.cmpi sle, %add3A_163, %le3A_166 : i32
      %and3A_168 = arith.andi %ge3A_165, %le3A_167 : i1
      %convert_element_type3A_169 = arith.extui %and3A_168 : i1 to i32
      %cond3A_170 = arith.constant 0 : i32
      %cond3A_171 = arith.cmpi ne, %convert_element_type3A_169, %cond3A_170 : i32
      scf.if %cond3A_171 {
        %dma_wait3A_228 = arith.constant 0 : i32
        %dma_wait3A_229 = arith.constant 0 : i32
        %dma_wait3A_230 = tpu.memref_slice %arg2[%dma_wait3A_228, %dma_wait3A_229] : memref<10240x128xf32, #tpu.memory_space<hbm>> -> memref<128x128xf32, #tpu.memory_space<hbm>>
        %dma_wait3A_231 = arith.constant 0 : i32
        %dma_wait3A_232 = arith.constant 0 : i32
        %dma_wait3A_233 = tpu.memref_slice %arg2[%dma_wait3A_231, %dma_wait3A_232] : memref<10240x128xf32, #tpu.memory_space<hbm>> -> memref<128x128xf32, #tpu.memory_space<hbm>>
        tpu.wait_dma2 semaphore(%arg26 : memref<!tpu.dma_semaphore, #tpu.memory_space<semaphore_mem>>) src(%dma_wait3A_233 : memref<128x128xf32, #tpu.memory_space<hbm>>) dst(%arg13 : memref<128x128xf32, #tpu.memory_space<vmem>>)
        %add3A_234 = arith.constant 4 : i32
        %add3A_235 = arith.addi %add3A_163, %add3A_234 : i32
        %lt3A_236 = arith.constant 81 : i32
        %lt3A_237 = arith.cmpi slt, %add3A_235, %lt3A_236 : i32
        %convert_element_type3A_238 = arith.extui %lt3A_237 : i1 to i32
        %cond3A_239 = arith.constant 0 : i32
        %cond3A_240 = arith.cmpi ne, %convert_element_type3A_238, %cond3A_239 : i32
        scf.if %cond3A_240 {
          %add3A_241 = arith.constant 4 : i32
          %add3A_242 = arith.addi %add3A_163, %add3A_241 : i32
          %dma_start3A_243 = arith.constant 0 : i32
          %dma_start3A_244 = arith.constant 0 : i32
          %dma_start3A_245 = tpu.memref_slice %arg3[%add3A, %add3A_242, %dma_start3A_243, %dma_start3A_244] : memref<32x81x2x128xi32, #tpu.memory_space<hbm>> -> memref<1x1x2x128xi32, #tpu.memory_space<hbm>>
          %dma_start3A_246 = tpu.memref_squeeze %dma_start3A_245 : memref<1x1x2x128xi32, #tpu.memory_space<hbm>> -> memref<2x128xi32, #tpu.memory_space<hbm>>
          %dma_start3A_247 = arith.constant 0 : i32
          %dma_start3A_248 = arith.constant 0 : i32
          %dma_start3A_249 = tpu.memref_slice %arg3[%add3A, %add3A_242, %dma_start3A_247, %dma_start3A_248] : memref<32x81x2x128xi32, #tpu.memory_space<hbm>> -> memref<1x1x2x128xi32, #tpu.memory_space<hbm>>
          %dma_start3A_250 = tpu.memref_squeeze %dma_start3A_249 : memref<1x1x2x128xi32, #tpu.memory_space<hbm>> -> memref<2x128xi32, #tpu.memory_space<hbm>>
          tpu.enqueue_dma source(%dma_start3A_250 : memref<2x128xi32, #tpu.memory_space<hbm>>) target(%arg7 : memref<2x128xi32, #tpu.memory_space<vmem>>) target_semaphore(%arg17 : memref<!tpu.dma_semaphore, #tpu.memory_space<semaphore_mem>>)
        } else {
        }
      } else {
      }
      %add3A_172 = arith.constant 1 : i32
      %add3A_173 = arith.addi %add3A_163, %add3A_172 : i32
      %lt3A_174 = arith.constant 81 : i32
      %lt3A_175 = arith.cmpi slt, %add3A_173, %lt3A_174 : i32
      %convert_element_type3A_176 = arith.extui %lt3A_175 : i1 to i32
      %cond3A_177 = arith.constant 0 : i32
      %cond3A_178 = arith.cmpi ne, %convert_element_type3A_176, %cond3A_177 : i32
      scf.if %cond3A_178 {
        %add3A_228 = arith.constant 1 : i32
        %add3A_229 = arith.addi %add3A_163, %add3A_228 : i32
        %dma_wait3A_230 = arith.constant 0 : i32
        %dma_wait3A_231 = arith.constant 0 : i32
        %dma_wait3A_232 = tpu.memref_slice %arg3[%add3A, %add3A_229, %dma_wait3A_230, %dma_wait3A_231] : memref<32x81x2x128xi32, #tpu.memory_space<hbm>> -> memref<1x1x2x128xi32, #tpu.memory_space<hbm>>
        %dma_wait3A_233 = tpu.memref_squeeze %dma_wait3A_232 : memref<1x1x2x128xi32, #tpu.memory_space<hbm>> -> memref<2x128xi32, #tpu.memory_space<hbm>>
        %dma_wait3A_234 = arith.constant 0 : i32
        %dma_wait3A_235 = arith.constant 0 : i32
        %dma_wait3A_236 = tpu.memref_slice %arg3[%add3A, %add3A_229, %dma_wait3A_234, %dma_wait3A_235] : memref<32x81x2x128xi32, #tpu.memory_space<hbm>> -> memref<1x1x2x128xi32, #tpu.memory_space<hbm>>
        %dma_wait3A_237 = tpu.memref_squeeze %dma_wait3A_236 : memref<1x1x2x128xi32, #tpu.memory_space<hbm>> -> memref<2x128xi32, #tpu.memory_space<hbm>>
        tpu.wait_dma2 semaphore(%arg20 : memref<!tpu.dma_semaphore, #tpu.memory_space<semaphore_mem>>) src(%dma_wait3A_237 : memref<2x128xi32, #tpu.memory_space<hbm>>) dst(%arg10 : memref<2x128xi32, #tpu.memory_space<vmem>>)
        %dma_start3A_238 = arith.constant 0 : i32
        %dma_start3A_239 = arith.constant 0 : i32
        %dma_start3A_240 = tpu.memref_slice %arg10[%dma_start3A_238, %dma_start3A_239] : memref<2x128xi32, #tpu.memory_space<vmem>> -> memref<1x128xi32, #tpu.memory_space<vmem>>
        %dma_start3A_241 = tpu.memref_squeeze %dma_start3A_240 : memref<1x128xi32, #tpu.memory_space<vmem>> -> memref<128xi32, #tpu.memory_space<vmem>>
        %dma_start3A_242 = arith.constant 0 : i32
        %dma_start3A_243 = arith.constant 0 : i32
        %dma_start3A_244 = tpu.memref_slice %arg2[%dma_start3A_242, %dma_start3A_243] : memref<10240x128xf32, #tpu.memory_space<hbm>> -> memref<10240x128xf32, #tpu.memory_space<hbm>>
        tpu.enqueue_indirect_dma source(%dma_start3A_244 : memref<10240x128xf32, #tpu.memory_space<hbm>>) target(%arg13 : memref<128x128xf32, #tpu.memory_space<vmem>>) offsets(%dma_start3A_241 : memref<128xi32, #tpu.memory_space<vmem>>) semaphore(%arg23 : memref<!tpu.dma_semaphore, #tpu.memory_space<semaphore_mem>>)
      } else {
      }
      %lt3A_179 = arith.constant 81 : i32
      %lt3A_180 = arith.cmpi slt, %add3A_163, %lt3A_179 : i32
      %convert_element_type3A_181 = arith.extui %lt3A_180 : i1 to i32
      %cond3A_182 = arith.constant 0 : i32
      %cond3A_183 = arith.cmpi ne, %convert_element_type3A_181, %cond3A_182 : i32
      scf.if %cond3A_183 {
        %dma_wait3A_228 = arith.constant 0 : i32
        %dma_wait3A_229 = arith.constant 0 : i32
        %dma_wait3A_230 = tpu.memref_slice %arg9[%dma_wait3A_228, %dma_wait3A_229] : memref<2x128xi32, #tpu.memory_space<vmem>> -> memref<1x128xi32, #tpu.memory_space<vmem>>
        %dma_wait3A_231 = tpu.memref_squeeze %dma_wait3A_230 : memref<1x128xi32, #tpu.memory_space<vmem>> -> memref<128xi32, #tpu.memory_space<vmem>>
        %dma_wait3A_232 = arith.constant 0 : i32
        %dma_wait3A_233 = arith.constant 0 : i32
        %dma_wait3A_234 = tpu.memref_slice %arg2[%dma_wait3A_232, %dma_wait3A_233] : memref<10240x128xf32, #tpu.memory_space<hbm>> -> memref<10240x128xf32, #tpu.memory_space<hbm>>
        tpu.wait_indirect_dma semaphore(%arg22 : memref<!tpu.dma_semaphore, #tpu.memory_space<semaphore_mem>>) src(%dma_wait3A_234 : memref<10240x128xf32, #tpu.memory_space<hbm>>) dst(%arg12 : memref<128x128xf32, #tpu.memory_space<vmem>>)
        %dma_start3A_235 = arith.constant 1 : i32
        %dma_start3A_236 = arith.constant 0 : i32
        %dma_start3A_237 = tpu.memref_slice %arg9[%dma_start3A_235, %dma_start3A_236] : memref<2x128xi32, #tpu.memory_space<vmem>> -> memref<1x128xi32, #tpu.memory_space<vmem>>
        %dma_start3A_238 = tpu.memref_squeeze %dma_start3A_237 : memref<1x128xi32, #tpu.memory_space<vmem>> -> memref<128xi32, #tpu.memory_space<vmem>>
        %dma_start3A_239 = arith.constant 0 : i32
        %dma_start3A_240 = arith.constant 0 : i32
        %dma_start3A_241 = tpu.memref_slice %arg15[%dma_start3A_239, %dma_start3A_240] : memref<10016x128xf32, #tpu.memory_space<vmem_shared>> -> memref<10016x128xf32, #tpu.memory_space<vmem_shared>>
        tpu.enqueue_indirect_dma source(%arg12 : memref<128x128xf32, #tpu.memory_space<vmem>>) target(%dma_start3A_241 : memref<10016x128xf32, #tpu.memory_space<vmem_shared>>) offsets(%dma_start3A_238 : memref<128xi32, #tpu.memory_space<vmem>>) semaphore(%arg25 : memref<!tpu.dma_semaphore, #tpu.memory_space<semaphore_mem>>) {add = true}
      } else {
      }
      %add3A_184 = arith.constant 4 : i32
      %add3A_185 = arith.addi %mul3A_98, %add3A_184 : i32
      %ge3A_186 = arith.constant 2 : i32
      %ge3A_187 = arith.cmpi sge, %add3A_185, %ge3A_186 : i32
      %le3A_188 = arith.constant 82 : i32
      %le3A_189 = arith.cmpi sle, %add3A_185, %le3A_188 : i32
      %and3A_190 = arith.andi %ge3A_187, %le3A_189 : i1
      %convert_element_type3A_191 = arith.extui %and3A_190 : i1 to i32
      %cond3A_192 = arith.constant 0 : i32
      %cond3A_193 = arith.cmpi ne, %convert_element_type3A_191, %cond3A_192 : i32
      scf.if %cond3A_193 {
        %dma_wait3A_228 = arith.constant 0 : i32
        %dma_wait3A_229 = arith.constant 0 : i32
        %dma_wait3A_230 = tpu.memref_slice %arg2[%dma_wait3A_228, %dma_wait3A_229] : memref<10240x128xf32, #tpu.memory_space<hbm>> -> memref<128x128xf32, #tpu.memory_space<hbm>>
        %dma_wait3A_231 = arith.constant 0 : i32
        %dma_wait3A_232 = arith.constant 0 : i32
        %dma_wait3A_233 = tpu.memref_slice %arg2[%dma_wait3A_231, %dma_wait3A_232] : memref<10240x128xf32, #tpu.memory_space<hbm>> -> memref<128x128xf32, #tpu.memory_space<hbm>>
        tpu.wait_dma2 semaphore(%arg27 : memref<!tpu.dma_semaphore, #tpu.memory_space<semaphore_mem>>) src(%dma_wait3A_233 : memref<128x128xf32, #tpu.memory_space<hbm>>) dst(%arg14 : memref<128x128xf32, #tpu.memory_space<vmem>>)
        %add3A_234 = arith.constant 4 : i32
        %add3A_235 = arith.addi %add3A_185, %add3A_234 : i32
        %lt3A_236 = arith.constant 81 : i32
        %lt3A_237 = arith.cmpi slt, %add3A_235, %lt3A_236 : i32
        %convert_element_type3A_238 = arith.extui %lt3A_237 : i1 to i32
        %cond3A_239 = arith.constant 0 : i32
        %cond3A_240 = arith.cmpi ne, %convert_element_type3A_238, %cond3A_239 : i32
        scf.if %cond3A_240 {
          %add3A_241 = arith.constant 4 : i32
          %add3A_242 = arith.addi %add3A_185, %add3A_241 : i32
          %dma_start3A_243 = arith.constant 0 : i32
          %dma_start3A_244 = arith.constant 0 : i32
          %dma_start3A_245 = tpu.memref_slice %arg3[%add3A, %add3A_242, %dma_start3A_243, %dma_start3A_244] : memref<32x81x2x128xi32, #tpu.memory_space<hbm>> -> memref<1x1x2x128xi32, #tpu.memory_space<hbm>>
          %dma_start3A_246 = tpu.memref_squeeze %dma_start3A_245 : memref<1x1x2x128xi32, #tpu.memory_space<hbm>> -> memref<2x128xi32, #tpu.memory_space<hbm>>
          %dma_start3A_247 = arith.constant 0 : i32
          %dma_start3A_248 = arith.constant 0 : i32
          %dma_start3A_249 = tpu.memref_slice %arg3[%add3A, %add3A_242, %dma_start3A_247, %dma_start3A_248] : memref<32x81x2x128xi32, #tpu.memory_space<hbm>> -> memref<1x1x2x128xi32, #tpu.memory_space<hbm>>
          %dma_start3A_250 = tpu.memref_squeeze %dma_start3A_249 : memref<1x1x2x128xi32, #tpu.memory_space<hbm>> -> memref<2x128xi32, #tpu.memory_space<hbm>>
          tpu.enqueue_dma source(%dma_start3A_250 : memref<2x128xi32, #tpu.memory_space<hbm>>) target(%arg8 : memref<2x128xi32, #tpu.memory_space<vmem>>) target_semaphore(%arg18 : memref<!tpu.dma_semaphore, #tpu.memory_space<semaphore_mem>>)
        } else {
        }
      } else {
      }
      %add3A_194 = arith.constant 1 : i32
      %add3A_195 = arith.addi %add3A_185, %add3A_194 : i32
      %lt3A_196 = arith.constant 81 : i32
      %lt3A_197 = arith.cmpi slt, %add3A_195, %lt3A_196 : i32
      %convert_element_type3A_198 = arith.extui %lt3A_197 : i1 to i32
      %cond3A_199 = arith.constant 0 : i32
      %cond3A_200 = arith.cmpi ne, %convert_element_type3A_198, %cond3A_199 : i32
      scf.if %cond3A_200 {
        %add3A_228 = arith.constant 1 : i32
        %add3A_229 = arith.addi %add3A_185, %add3A_228 : i32
        %dma_wait3A_230 = arith.constant 0 : i32
        %dma_wait3A_231 = arith.constant 0 : i32
        %dma_wait3A_232 = tpu.memref_slice %arg3[%add3A, %add3A_229, %dma_wait3A_230, %dma_wait3A_231] : memref<32x81x2x128xi32, #tpu.memory_space<hbm>> -> memref<1x1x2x128xi32, #tpu.memory_space<hbm>>
        %dma_wait3A_233 = tpu.memref_squeeze %dma_wait3A_232 : memref<1x1x2x128xi32, #tpu.memory_space<hbm>> -> memref<2x128xi32, #tpu.memory_space<hbm>>
        %dma_wait3A_234 = arith.constant 0 : i32
        %dma_wait3A_235 = arith.constant 0 : i32
        %dma_wait3A_236 = tpu.memref_slice %arg3[%add3A, %add3A_229, %dma_wait3A_234, %dma_wait3A_235] : memref<32x81x2x128xi32, #tpu.memory_space<hbm>> -> memref<1x1x2x128xi32, #tpu.memory_space<hbm>>
        %dma_wait3A_237 = tpu.memref_squeeze %dma_wait3A_236 : memref<1x1x2x128xi32, #tpu.memory_space<hbm>> -> memref<2x128xi32, #tpu.memory_space<hbm>>
        tpu.wait_dma2 semaphore(%arg21 : memref<!tpu.dma_semaphore, #tpu.memory_space<semaphore_mem>>) src(%dma_wait3A_237 : memref<2x128xi32, #tpu.memory_space<hbm>>) dst(%arg11 : memref<2x128xi32, #tpu.memory_space<vmem>>)
        %dma_start3A_238 = arith.constant 0 : i32
        %dma_start3A_239 = arith.constant 0 : i32
        %dma_start3A_240 = tpu.memref_slice %arg11[%dma_start3A_238, %dma_start3A_239] : memref<2x128xi32, #tpu.memory_space<vmem>> -> memref<1x128xi32, #tpu.memory_space<vmem>>
        %dma_start3A_241 = tpu.memref_squeeze %dma_start3A_240 : memref<1x128xi32, #tpu.memory_space<vmem>> -> memref<128xi32, #tpu.memory_space<vmem>>
        %dma_start3A_242 = arith.constant 0 : i32
        %dma_start3A_243 = arith.constant 0 : i32
        %dma_start3A_244 = tpu.memref_slice %arg2[%dma_start3A_242, %dma_start3A_243] : memref<10240x128xf32, #tpu.memory_space<hbm>> -> memref<10240x128xf32, #tpu.memory_space<hbm>>
        tpu.enqueue_indirect_dma source(%dma_start3A_244 : memref<10240x128xf32, #tpu.memory_space<hbm>>) target(%arg14 : memref<128x128xf32, #tpu.memory_space<vmem>>) offsets(%dma_start3A_241 : memref<128xi32, #tpu.memory_space<vmem>>) semaphore(%arg24 : memref<!tpu.dma_semaphore, #tpu.memory_space<semaphore_mem>>)
      } else {
      }
      %lt3A_201 = arith.constant 81 : i32
      %lt3A_202 = arith.cmpi slt, %add3A_185, %lt3A_201 : i32
      %convert_element_type3A_203 = arith.extui %lt3A_202 : i1 to i32
      %cond3A_204 = arith.constant 0 : i32
      %cond3A_205 = arith.cmpi ne, %convert_element_type3A_203, %cond3A_204 : i32
      scf.if %cond3A_205 {
        %dma_wait3A_228 = arith.constant 0 : i32
        %dma_wait3A_229 = arith.constant 0 : i32
        %dma_wait3A_230 = tpu.memref_slice %arg10[%dma_wait3A_228, %dma_wait3A_229] : memref<2x128xi32, #tpu.memory_space<vmem>> -> memref<1x128xi32, #tpu.memory_space<vmem>>
        %dma_wait3A_231 = tpu.memref_squeeze %dma_wait3A_230 : memref<1x128xi32, #tpu.memory_space<vmem>> -> memref<128xi32, #tpu.memory_space<vmem>>
        %dma_wait3A_232 = arith.constant 0 : i32
        %dma_wait3A_233 = arith.constant 0 : i32
        %dma_wait3A_234 = tpu.memref_slice %arg2[%dma_wait3A_232, %dma_wait3A_233] : memref<10240x128xf32, #tpu.memory_space<hbm>> -> memref<10240x128xf32, #tpu.memory_space<hbm>>
        tpu.wait_indirect_dma semaphore(%arg23 : memref<!tpu.dma_semaphore, #tpu.memory_space<semaphore_mem>>) src(%dma_wait3A_234 : memref<10240x128xf32, #tpu.memory_space<hbm>>) dst(%arg13 : memref<128x128xf32, #tpu.memory_space<vmem>>)
        %dma_start3A_235 = arith.constant 1 : i32
        %dma_start3A_236 = arith.constant 0 : i32
        %dma_start3A_237 = tpu.memref_slice %arg10[%dma_start3A_235, %dma_start3A_236] : memref<2x128xi32, #tpu.memory_space<vmem>> -> memref<1x128xi32, #tpu.memory_space<vmem>>
        %dma_start3A_238 = tpu.memref_squeeze %dma_start3A_237 : memref<1x128xi32, #tpu.memory_space<vmem>> -> memref<128xi32, #tpu.memory_space<vmem>>
        %dma_start3A_239 = arith.constant 0 : i32
        %dma_start3A_240 = arith.constant 0 : i32
        %dma_start3A_241 = tpu.memref_slice %arg15[%dma_start3A_239, %dma_start3A_240] : memref<10016x128xf32, #tpu.memory_space<vmem_shared>> -> memref<10016x128xf32, #tpu.memory_space<vmem_shared>>
        tpu.enqueue_indirect_dma source(%arg13 : memref<128x128xf32, #tpu.memory_space<vmem>>) target(%dma_start3A_241 : memref<10016x128xf32, #tpu.memory_space<vmem_shared>>) offsets(%dma_start3A_238 : memref<128xi32, #tpu.memory_space<vmem>>) semaphore(%arg26 : memref<!tpu.dma_semaphore, #tpu.memory_space<semaphore_mem>>) {add = true}
      } else {
      }
      %add3A_206 = arith.constant 5 : i32
      %add3A_207 = arith.addi %mul3A_98, %add3A_206 : i32
      %ge3A_208 = arith.constant 2 : i32
      %ge3A_209 = arith.cmpi sge, %add3A_207, %ge3A_208 : i32
      %le3A_210 = arith.constant 82 : i32
      %le3A_211 = arith.cmpi sle, %add3A_207, %le3A_210 : i32
      %and3A_212 = arith.andi %ge3A_209, %le3A_211 : i1
      %convert_element_type3A_213 = arith.extui %and3A_212 : i1 to i32
      %cond3A_214 = arith.constant 0 : i32
      %cond3A_215 = arith.cmpi ne, %convert_element_type3A_213, %cond3A_214 : i32
      scf.if %cond3A_215 {
        %dma_wait3A_228 = arith.constant 0 : i32
        %dma_wait3A_229 = arith.constant 0 : i32
        %dma_wait3A_230 = tpu.memref_slice %arg2[%dma_wait3A_228, %dma_wait3A_229] : memref<10240x128xf32, #tpu.memory_space<hbm>> -> memref<128x128xf32, #tpu.memory_space<hbm>>
        %dma_wait3A_231 = arith.constant 0 : i32
        %dma_wait3A_232 = arith.constant 0 : i32
        %dma_wait3A_233 = tpu.memref_slice %arg2[%dma_wait3A_231, %dma_wait3A_232] : memref<10240x128xf32, #tpu.memory_space<hbm>> -> memref<128x128xf32, #tpu.memory_space<hbm>>
        tpu.wait_dma2 semaphore(%arg25 : memref<!tpu.dma_semaphore, #tpu.memory_space<semaphore_mem>>) src(%dma_wait3A_233 : memref<128x128xf32, #tpu.memory_space<hbm>>) dst(%arg12 : memref<128x128xf32, #tpu.memory_space<vmem>>)
        %add3A_234 = arith.constant 4 : i32
        %add3A_235 = arith.addi %add3A_207, %add3A_234 : i32
        %lt3A_236 = arith.constant 81 : i32
        %lt3A_237 = arith.cmpi slt, %add3A_235, %lt3A_236 : i32
        %convert_element_type3A_238 = arith.extui %lt3A_237 : i1 to i32
        %cond3A_239 = arith.constant 0 : i32
        %cond3A_240 = arith.cmpi ne, %convert_element_type3A_238, %cond3A_239 : i32
        scf.if %cond3A_240 {
          %add3A_241 = arith.constant 4 : i32
          %add3A_242 = arith.addi %add3A_207, %add3A_241 : i32
          %dma_start3A_243 = arith.constant 0 : i32
          %dma_start3A_244 = arith.constant 0 : i32
          %dma_start3A_245 = tpu.memref_slice %arg3[%add3A, %add3A_242, %dma_start3A_243, %dma_start3A_244] : memref<32x81x2x128xi32, #tpu.memory_space<hbm>> -> memref<1x1x2x128xi32, #tpu.memory_space<hbm>>
          %dma_start3A_246 = tpu.memref_squeeze %dma_start3A_245 : memref<1x1x2x128xi32, #tpu.memory_space<hbm>> -> memref<2x128xi32, #tpu.memory_space<hbm>>
          %dma_start3A_247 = arith.constant 0 : i32
          %dma_start3A_248 = arith.constant 0 : i32
          %dma_start3A_249 = tpu.memref_slice %arg3[%add3A, %add3A_242, %dma_start3A_247, %dma_start3A_248] : memref<32x81x2x128xi32, #tpu.memory_space<hbm>> -> memref<1x1x2x128xi32, #tpu.memory_space<hbm>>
          %dma_start3A_250 = tpu.memref_squeeze %dma_start3A_249 : memref<1x1x2x128xi32, #tpu.memory_space<hbm>> -> memref<2x128xi32, #tpu.memory_space<hbm>>
          tpu.enqueue_dma source(%dma_start3A_250 : memref<2x128xi32, #tpu.memory_space<hbm>>) target(%arg9 : memref<2x128xi32, #tpu.memory_space<vmem>>) target_semaphore(%arg19 : memref<!tpu.dma_semaphore, #tpu.memory_space<semaphore_mem>>)
        } else {
        }
      } else {
      }
      %add3A_216 = arith.constant 1 : i32
      %add3A_217 = arith.addi %add3A_207, %add3A_216 : i32
      %lt3A_218 = arith.constant 81 : i32
      %lt3A_219 = arith.cmpi slt, %add3A_217, %lt3A_218 : i32
      %convert_element_type3A_220 = arith.extui %lt3A_219 : i1 to i32
      %cond3A_221 = arith.constant 0 : i32
      %cond3A_222 = arith.cmpi ne, %convert_element_type3A_220, %cond3A_221 : i32
      scf.if %cond3A_222 {
        %add3A_228 = arith.constant 1 : i32
        %add3A_229 = arith.addi %add3A_207, %add3A_228 : i32
        %dma_wait3A_230 = arith.constant 0 : i32
        %dma_wait3A_231 = arith.constant 0 : i32
        %dma_wait3A_232 = tpu.memref_slice %arg3[%add3A, %add3A_229, %dma_wait3A_230, %dma_wait3A_231] : memref<32x81x2x128xi32, #tpu.memory_space<hbm>> -> memref<1x1x2x128xi32, #tpu.memory_space<hbm>>
        %dma_wait3A_233 = tpu.memref_squeeze %dma_wait3A_232 : memref<1x1x2x128xi32, #tpu.memory_space<hbm>> -> memref<2x128xi32, #tpu.memory_space<hbm>>
        %dma_wait3A_234 = arith.constant 0 : i32
        %dma_wait3A_235 = arith.constant 0 : i32
        %dma_wait3A_236 = tpu.memref_slice %arg3[%add3A, %add3A_229, %dma_wait3A_234, %dma_wait3A_235] : memref<32x81x2x128xi32, #tpu.memory_space<hbm>> -> memref<1x1x2x128xi32, #tpu.memory_space<hbm>>
        %dma_wait3A_237 = tpu.memref_squeeze %dma_wait3A_236 : memref<1x1x2x128xi32, #tpu.memory_space<hbm>> -> memref<2x128xi32, #tpu.memory_space<hbm>>
        tpu.wait_dma2 semaphore(%arg16 : memref<!tpu.dma_semaphore, #tpu.memory_space<semaphore_mem>>) src(%dma_wait3A_237 : memref<2x128xi32, #tpu.memory_space<hbm>>) dst(%arg6 : memref<2x128xi32, #tpu.memory_space<vmem>>)
        %dma_start3A_238 = arith.constant 0 : i32
        %dma_start3A_239 = arith.constant 0 : i32
        %dma_start3A_240 = tpu.memref_slice %arg6[%dma_start3A_238, %dma_start3A_239] : memref<2x128xi32, #tpu.memory_space<vmem>> -> memref<1x128xi32, #tpu.memory_space<vmem>>
        %dma_start3A_241 = tpu.memref_squeeze %dma_start3A_240 : memref<1x128xi32, #tpu.memory_space<vmem>> -> memref<128xi32, #tpu.memory_space<vmem>>
        %dma_start3A_242 = arith.constant 0 : i32
        %dma_start3A_243 = arith.constant 0 : i32
        %dma_start3A_244 = tpu.memref_slice %arg2[%dma_start3A_242, %dma_start3A_243] : memref<10240x128xf32, #tpu.memory_space<hbm>> -> memref<10240x128xf32, #tpu.memory_space<hbm>>
        tpu.enqueue_indirect_dma source(%dma_start3A_244 : memref<10240x128xf32, #tpu.memory_space<hbm>>) target(%arg12 : memref<128x128xf32, #tpu.memory_space<vmem>>) offsets(%dma_start3A_241 : memref<128xi32, #tpu.memory_space<vmem>>) semaphore(%arg22 : memref<!tpu.dma_semaphore, #tpu.memory_space<semaphore_mem>>)
      } else {
      }
      %lt3A_223 = arith.constant 81 : i32
      %lt3A_224 = arith.cmpi slt, %add3A_207, %lt3A_223 : i32
      %convert_element_type3A_225 = arith.extui %lt3A_224 : i1 to i32
      %cond3A_226 = arith.constant 0 : i32
      %cond3A_227 = arith.cmpi ne, %convert_element_type3A_225, %cond3A_226 : i32
      scf.if %cond3A_227 {
        %dma_wait3A_228 = arith.constant 0 : i32
        %dma_wait3A_229 = arith.constant 0 : i32
        %dma_wait3A_230 = tpu.memref_slice %arg11[%dma_wait3A_228, %dma_wait3A_229] : memref<2x128xi32, #tpu.memory_space<vmem>> -> memref<1x128xi32, #tpu.memory_space<vmem>>
        %dma_wait3A_231 = tpu.memref_squeeze %dma_wait3A_230 : memref<1x128xi32, #tpu.memory_space<vmem>> -> memref<128xi32, #tpu.memory_space<vmem>>
        %dma_wait3A_232 = arith.constant 0 : i32
        %dma_wait3A_233 = arith.constant 0 : i32
        %dma_wait3A_234 = tpu.memref_slice %arg2[%dma_wait3A_232, %dma_wait3A_233] : memref<10240x128xf32, #tpu.memory_space<hbm>> -> memref<10240x128xf32, #tpu.memory_space<hbm>>
        tpu.wait_indirect_dma semaphore(%arg24 : memref<!tpu.dma_semaphore, #tpu.memory_space<semaphore_mem>>) src(%dma_wait3A_234 : memref<10240x128xf32, #tpu.memory_space<hbm>>) dst(%arg14 : memref<128x128xf32, #tpu.memory_space<vmem>>)
        %dma_start3A_235 = arith.constant 1 : i32
        %dma_start3A_236 = arith.constant 0 : i32
        %dma_start3A_237 = tpu.memref_slice %arg11[%dma_start3A_235, %dma_start3A_236] : memref<2x128xi32, #tpu.memory_space<vmem>> -> memref<1x128xi32, #tpu.memory_space<vmem>>
        %dma_start3A_238 = tpu.memref_squeeze %dma_start3A_237 : memref<1x128xi32, #tpu.memory_space<vmem>> -> memref<128xi32, #tpu.memory_space<vmem>>
        %dma_start3A_239 = arith.constant 0 : i32
        %dma_start3A_240 = arith.constant 0 : i32
        %dma_start3A_241 = tpu.memref_slice %arg15[%dma_start3A_239, %dma_start3A_240] : memref<10016x128xf32, #tpu.memory_space<vmem_shared>> -> memref<10016x128xf32, #tpu.memory_space<vmem_shared>>
        tpu.enqueue_indirect_dma source(%arg14 : memref<128x128xf32, #tpu.memory_space<vmem>>) target(%dma_start3A_241 : memref<10016x128xf32, #tpu.memory_space<vmem_shared>>) offsets(%dma_start3A_238 : memref<128xi32, #tpu.memory_space<vmem>>) semaphore(%arg27 : memref<!tpu.dma_semaphore, #tpu.memory_space<semaphore_mem>>) {add = true}
      } else {
      }
    }
    %scan3A_79 = arith.constant 14 : i32
    %barrier3A_80 = arith.constant 0 : index
    tpu.barrier barrier_id(%barrier3A_80)
    %lt3A_81 = arith.constant 15 : i32
    %lt3A_82 = arith.cmpi slt, %arg1, %lt3A_81 : i32
    %convert_element_type3A_83 = arith.extui %lt3A_82 : i1 to i32
    %cond3A_84 = arith.constant 0 : i32
    %cond3A_85 = arith.cmpi ne, %convert_element_type3A_83, %cond3A_84 : i32
    scf.if %cond3A_85 {
      %mul3A_96 = arith.constant 632 : i32
      %mul3A_97 = arith.muli %arg1, %mul3A_96 : i32
      "tpu.region"() ({
        %run_scoped3A = tpu.sem_alloc : memref<!tpu.dma_semaphore, #tpu.memory_space<semaphore_mem>>
        %dma_start3A_98 = arith.constant 0 : i32
        %dma_start3A_99 = tpu.memref_slice %arg5[%arg0, %mul3A_97, %dma_start3A_98] : memref<2x10240x128xf32, #tpu.memory_space<hbm>> -> memref<1x632x128xf32, #tpu.memory_space<hbm>>
        %dma_start3A_100 = tpu.memref_squeeze %dma_start3A_99 : memref<1x632x128xf32, #tpu.memory_space<hbm>> -> memref<632x128xf32, #tpu.memory_space<hbm>>
        %dma_start3A_101 = arith.constant 0 : i32
        %dma_start3A_102 = tpu.memref_slice %arg15[%mul3A_97, %dma_start3A_101] : memref<10016x128xf32, #tpu.memory_space<vmem_shared>> -> memref<632x128xf32, #tpu.memory_space<vmem_shared>>
        tpu.enqueue_dma source(%dma_start3A_102 : memref<632x128xf32, #tpu.memory_space<vmem_shared>>) target(%dma_start3A_100 : memref<632x128xf32, #tpu.memory_space<hbm>>) target_semaphore(%run_scoped3A : memref<!tpu.dma_semaphore, #tpu.memory_space<semaphore_mem>>)
        %dma_wait3A_103 = arith.constant 0 : i32
        %dma_wait3A_104 = tpu.memref_slice %arg5[%arg0, %mul3A_97, %dma_wait3A_103] : memref<2x10240x128xf32, #tpu.memory_space<hbm>> -> memref<1x632x128xf32, #tpu.memory_space<hbm>>
        %dma_wait3A_105 = tpu.memref_squeeze %dma_wait3A_104 : memref<1x632x128xf32, #tpu.memory_space<hbm>> -> memref<632x128xf32, #tpu.memory_space<hbm>>
        %dma_wait3A_106 = arith.constant 0 : i32
        %dma_wait3A_107 = tpu.memref_slice %arg15[%mul3A_97, %dma_wait3A_106] : memref<10016x128xf32, #tpu.memory_space<vmem_shared>> -> memref<632x128xf32, #tpu.memory_space<vmem_shared>>
        tpu.wait_dma2 semaphore(%run_scoped3A : memref<!tpu.dma_semaphore, #tpu.memory_space<semaphore_mem>>) src(%dma_wait3A_107 : memref<632x128xf32, #tpu.memory_space<vmem_shared>>) dst(%dma_wait3A_105 : memref<632x128xf32, #tpu.memory_space<hbm>>)
        tpu.yield
      }) : () -> ()
    } else {
    }
    %eq3A_86 = arith.constant 15 : i32
    %eq3A_87 = arith.cmpi eq, %arg1, %eq3A_86 : i32
    %convert_element_type3A_88 = arith.extui %eq3A_87 : i1 to i32
    %cond3A_89 = arith.constant 0 : i32
    %cond3A_90 = arith.cmpi ne, %convert_element_type3A_88, %cond3A_89 : i32
    scf.if %cond3A_90 {
      "tpu.region"() ({
        %run_scoped3A = tpu.sem_alloc : memref<!tpu.dma_semaphore, #tpu.memory_space<semaphore_mem>>
        %dma_start3A_96 = arith.constant 9480 : i32
        %dma_start3A_97 = arith.constant 0 : i32
        %dma_start3A_98 = tpu.memref_slice %arg5[%arg0, %dma_start3A_96, %dma_start3A_97] : memref<2x10240x128xf32, #tpu.memory_space<hbm>> -> memref<1x536x128xf32, #tpu.memory_space<hbm>>
        %dma_start3A_99 = tpu.memref_squeeze %dma_start3A_98 : memref<1x536x128xf32, #tpu.memory_space<hbm>> -> memref<536x128xf32, #tpu.memory_space<hbm>>
        %dma_start3A_100 = arith.constant 9480 : i32
        %dma_start3A_101 = arith.constant 0 : i32
        %dma_start3A_102 = tpu.memref_slice %arg15[%dma_start3A_100, %dma_start3A_101] : memref<10016x128xf32, #tpu.memory_space<vmem_shared>> -> memref<536x128xf32, #tpu.memory_space<vmem_shared>>
        tpu.enqueue_dma source(%dma_start3A_102 : memref<536x128xf32, #tpu.memory_space<vmem_shared>>) target(%dma_start3A_99 : memref<536x128xf32, #tpu.memory_space<hbm>>) target_semaphore(%run_scoped3A : memref<!tpu.dma_semaphore, #tpu.memory_space<semaphore_mem>>)
        %dma_wait3A_103 = arith.constant 9480 : i32
        %dma_wait3A_104 = arith.constant 0 : i32
        %dma_wait3A_105 = tpu.memref_slice %arg5[%arg0, %dma_wait3A_103, %dma_wait3A_104] : memref<2x10240x128xf32, #tpu.memory_space<hbm>> -> memref<1x536x128xf32, #tpu.memory_space<hbm>>
        %dma_wait3A_106 = tpu.memref_squeeze %dma_wait3A_105 : memref<1x536x128xf32, #tpu.memory_space<hbm>> -> memref<536x128xf32, #tpu.memory_space<hbm>>
        %dma_wait3A_107 = arith.constant 9480 : i32
        %dma_wait3A_108 = arith.constant 0 : i32
        %dma_wait3A_109 = tpu.memref_slice %arg15[%dma_wait3A_107, %dma_wait3A_108] : memref<10016x128xf32, #tpu.memory_space<vmem_shared>> -> memref<536x128xf32, #tpu.memory_space<vmem_shared>>
        tpu.wait_dma2 semaphore(%run_scoped3A : memref<!tpu.dma_semaphore, #tpu.memory_space<semaphore_mem>>) src(%dma_wait3A_109 : memref<536x128xf32, #tpu.memory_space<vmem_shared>>) dst(%dma_wait3A_106 : memref<536x128xf32, #tpu.memory_space<hbm>>)
        tpu.yield
      }) : () -> ()
    } else {
    }
    %eq3A_91 = arith.constant 15 : i32
    %eq3A_92 = arith.cmpi eq, %arg1, %eq3A_91 : i32
    %convert_element_type3A_93 = arith.extui %eq3A_92 : i1 to i32
    %cond3A_94 = arith.constant 0 : i32
    %cond3A_95 = arith.cmpi ne, %convert_element_type3A_93, %cond3A_94 : i32
    scf.if %cond3A_95 {
      "tpu.region"() ({
        %run_scoped3A = tpu.sem_alloc : memref<!tpu.dma_semaphore, #tpu.memory_space<semaphore_mem>>
        %dma_start3A_96 = arith.constant 10016 : i32
        %dma_start3A_97 = arith.constant 0 : i32
        %dma_start3A_98 = tpu.memref_slice %arg5[%arg0, %dma_start3A_96, %dma_start3A_97] : memref<2x10240x128xf32, #tpu.memory_space<hbm>> -> memref<1x224x128xf32, #tpu.memory_space<hbm>>
        %dma_start3A_99 = tpu.memref_squeeze %dma_start3A_98 : memref<1x224x128xf32, #tpu.memory_space<hbm>> -> memref<224x128xf32, #tpu.memory_space<hbm>>
        %dma_start3A_100 = arith.constant 10016 : i32
        %dma_start3A_101 = arith.constant 0 : i32
        %dma_start3A_102 = tpu.memref_slice %arg4[%dma_start3A_100, %dma_start3A_101] : memref<10240x128xf32, #tpu.memory_space<hbm>> -> memref<224x128xf32, #tpu.memory_space<hbm>>
        tpu.enqueue_dma source(%dma_start3A_102 : memref<224x128xf32, #tpu.memory_space<hbm>>) target(%dma_start3A_99 : memref<224x128xf32, #tpu.memory_space<hbm>>) target_semaphore(%run_scoped3A : memref<!tpu.dma_semaphore, #tpu.memory_space<semaphore_mem>>)
        %dma_wait3A_103 = arith.constant 10016 : i32
        %dma_wait3A_104 = arith.constant 0 : i32
        %dma_wait3A_105 = tpu.memref_slice %arg5[%arg0, %dma_wait3A_103, %dma_wait3A_104] : memref<2x10240x128xf32, #tpu.memory_space<hbm>> -> memref<1x224x128xf32, #tpu.memory_space<hbm>>
        %dma_wait3A_106 = tpu.memref_squeeze %dma_wait3A_105 : memref<1x224x128xf32, #tpu.memory_space<hbm>> -> memref<224x128xf32, #tpu.memory_space<hbm>>
        %dma_wait3A_107 = arith.constant 10016 : i32
        %dma_wait3A_108 = arith.constant 0 : i32
        %dma_wait3A_109 = tpu.memref_slice %arg4[%dma_wait3A_107, %dma_wait3A_108] : memref<10240x128xf32, #tpu.memory_space<hbm>> -> memref<224x128xf32, #tpu.memory_space<hbm>>
        tpu.wait_dma2 semaphore(%run_scoped3A : memref<!tpu.dma_semaphore, #tpu.memory_space<semaphore_mem>>) src(%dma_wait3A_109 : memref<224x128xf32, #tpu.memory_space<hbm>>) dst(%dma_wait3A_106 : memref<224x128xf32, #tpu.memory_space<hbm>>)
        tpu.yield
      }) : () -> ()
    } else {
    }
    return
  }
}

#map = affine_map<(d0, d1) -> (0, 0)>
#map1 = affine_map<(d0, d1) -> (0, 0, 0, 0)>
#map2 = affine_map<(d0, d1) -> (0, 0, 0)>
module attributes {stable_mosaic.version = 14 : i64} {
  func.func @_agg_body(%arg0: i32, %arg1: i32, %arg2: memref<10240x128xf32, #tpu.memory_space<hbm>>, %arg3: memref<32x81x2x128xi32, #tpu.memory_space<hbm>>, %arg4: memref<10240x128xf32, #tpu.memory_space<hbm>>, %arg5: memref<2x10240x128xf32, #tpu.memory_space<hbm>>, %arg6: memref<2x128xi32, #tpu.memory_space<vmem>>, %arg7: memref<2x128xi32, #tpu.memory_space<vmem>>, %arg8: memref<2x128xi32, #tpu.memory_space<vmem>>, %arg9: memref<2x128xi32, #tpu.memory_space<vmem>>, %arg10: memref<2x128xi32, #tpu.memory_space<vmem>>, %arg11: memref<2x128xi32, #tpu.memory_space<vmem>>, %arg12: memref<128x128xf32, #tpu.memory_space<vmem>>, %arg13: memref<128x128xf32, #tpu.memory_space<vmem>>, %arg14: memref<128x128xf32, #tpu.memory_space<vmem>>, %arg15: memref<10016x128xf32, #tpu.memory_space<vmem_shared>>, %arg16: memref<!tpu.dma_semaphore, #tpu.memory_space<semaphore_mem>>, %arg17: memref<!tpu.dma_semaphore, #tpu.memory_space<semaphore_mem>>, %arg18: memref<!tpu.dma_semaphore, #tpu.memory_space<semaphore_mem>>, %arg19: memref<!tpu.dma_semaphore, #tpu.memory_space<semaphore_mem>>, %arg20: memref<!tpu.dma_semaphore, #tpu.memory_space<semaphore_mem>>, %arg21: memref<!tpu.dma_semaphore, #tpu.memory_space<semaphore_mem>>, %arg22: memref<!tpu.dma_semaphore, #tpu.memory_space<semaphore_mem>>, %arg23: memref<!tpu.dma_semaphore, #tpu.memory_space<semaphore_mem>>, %arg24: memref<!tpu.dma_semaphore, #tpu.memory_space<semaphore_mem>>, %arg25: memref<!tpu.dma_semaphore, #tpu.memory_space<semaphore_mem>>, %arg26: memref<!tpu.dma_semaphore, #tpu.memory_space<semaphore_mem>>, %arg27: memref<!tpu.dma_semaphore, #tpu.memory_space<semaphore_mem>>) attributes {dimension_semantics = [#tpu.dimension_semantics<core_parallel>, #tpu.dimension_semantics<subcore_parallel>], iteration_bounds = array<i64: 2, 16>, scalar_prefetch = 0 : i64, scratch_operands = 22 : i64, tpu.core_type = #tpu.core_type<sc_vector_subcore>, window_params = [{transform_indices = #map}, {transform_indices = #map1}, {transform_indices = #map}, {transform_indices = #map2}]} {
    %mul3A = arith.constant 16 : i32
    %mul3A_0 = arith.muli %arg0, %mul3A : i32
    %add3A = arith.addi %mul3A_0, %arg1 : i32
    %lt3A = arith.constant 15 : i32
    %lt3A_1 = arith.cmpi slt, %arg1, %lt3A : i32
    %convert_element_type3A = arith.extui %lt3A_1 : i1 to i32
    %cond3A = arith.constant 0 : i32
    %cond3A_2 = arith.cmpi ne, %convert_element_type3A, %cond3A : i32
    scf.if %cond3A_2 {
      %mul3A_96 = arith.constant 632 : i32
      %mul3A_97 = arith.muli %arg1, %mul3A_96 : i32
      "tpu.region"() ({
        %run_scoped3A = tpu.sem_alloc : memref<!tpu.dma_semaphore, #tpu.memory_space<semaphore_mem>>
        %dma_start3A_98 = arith.constant 0 : i32
        %dma_start3A_99 = tpu.memref_slice %arg15[%mul3A_97, %dma_start3A_98] : memref<10016x128xf32, #tpu.memory_space<vmem_shared>> -> memref<632x128xf32, #tpu.memory_space<vmem_shared>>
        %dma_start3A_100 = arith.constant 0 : i32
        %dma_start3A_101 = tpu.memref_slice %arg4[%mul3A_97, %dma_start3A_100] : memref<10240x128xf32, #tpu.memory_space<hbm>> -> memref<632x128xf32, #tpu.memory_space<hbm>>
        tpu.enqueue_dma source(%dma_start3A_101 : memref<632x128xf32, #tpu.memory_space<hbm>>) target(%dma_start3A_99 : memref<632x128xf32, #tpu.memory_space<vmem_shared>>) target_semaphore(%run_scoped3A : memref<!tpu.dma_semaphore, #tpu.memory_space<semaphore_mem>>)
        %dma_wait3A_102 = arith.constant 0 : i32
        %dma_wait3A_103 = tpu.memref_slice %arg15[%mul3A_97, %dma_wait3A_102] : memref<10016x128xf32, #tpu.memory_space<vmem_shared>> -> memref<632x128xf32, #tpu.memory_space<vmem_shared>>
        %dma_wait3A_104 = arith.constant 0 : i32
        %dma_wait3A_105 = tpu.memref_slice %arg4[%mul3A_97, %dma_wait3A_104] : memref<10240x128xf32, #tpu.memory_space<hbm>> -> memref<632x128xf32, #tpu.memory_space<hbm>>
        tpu.wait_dma2 semaphore(%run_scoped3A : memref<!tpu.dma_semaphore, #tpu.memory_space<semaphore_mem>>) src(%dma_wait3A_105 : memref<632x128xf32, #tpu.memory_space<hbm>>) dst(%dma_wait3A_103 : memref<632x128xf32, #tpu.memory_space<vmem_shared>>)
        tpu.yield
      }) : () -> ()
    } else {
    }
    %eq3A = arith.constant 15 : i32
    %eq3A_3 = arith.cmpi eq, %arg1, %eq3A : i32
    %convert_element_type3A_4 = arith.extui %eq3A_3 : i1 to i32
    %cond3A_5 = arith.constant 0 : i32
    %cond3A_6 = arith.cmpi ne, %convert_element_type3A_4, %cond3A_5 : i32
    scf.if %cond3A_6 {
      "tpu.region"() ({
        %run_scoped3A = tpu.sem_alloc : memref<!tpu.dma_semaphore, #tpu.memory_space<semaphore_mem>>
        %dma_start3A_96 = arith.constant 9480 : i32
        %dma_start3A_97 = arith.constant 0 : i32
        %dma_start3A_98 = tpu.memref_slice %arg15[%dma_start3A_96, %dma_start3A_97] : memref<10016x128xf32, #tpu.memory_space<vmem_shared>> -> memref<536x128xf32, #tpu.memory_space<vmem_shared>>
        %dma_start3A_99 = arith.constant 9480 : i32
        %dma_start3A_100 = arith.constant 0 : i32
        %dma_start3A_101 = tpu.memref_slice %arg4[%dma_start3A_99, %dma_start3A_100] : memref<10240x128xf32, #tpu.memory_space<hbm>> -> memref<536x128xf32, #tpu.memory_space<hbm>>
        tpu.enqueue_dma source(%dma_start3A_101 : memref<536x128xf32, #tpu.memory_space<hbm>>) target(%dma_start3A_98 : memref<536x128xf32, #tpu.memory_space<vmem_shared>>) target_semaphore(%run_scoped3A : memref<!tpu.dma_semaphore, #tpu.memory_space<semaphore_mem>>)
        %dma_wait3A_102 = arith.constant 9480 : i32
        %dma_wait3A_103 = arith.constant 0 : i32
        %dma_wait3A_104 = tpu.memref_slice %arg15[%dma_wait3A_102, %dma_wait3A_103] : memref<10016x128xf32, #tpu.memory_space<vmem_shared>> -> memref<536x128xf32, #tpu.memory_space<vmem_shared>>
        %dma_wait3A_105 = arith.constant 9480 : i32
        %dma_wait3A_106 = arith.constant 0 : i32
        %dma_wait3A_107 = tpu.memref_slice %arg4[%dma_wait3A_105, %dma_wait3A_106] : memref<10240x128xf32, #tpu.memory_space<hbm>> -> memref<536x128xf32, #tpu.memory_space<hbm>>
        tpu.wait_dma2 semaphore(%run_scoped3A : memref<!tpu.dma_semaphore, #tpu.memory_space<semaphore_mem>>) src(%dma_wait3A_107 : memref<536x128xf32, #tpu.memory_space<hbm>>) dst(%dma_wait3A_104 : memref<536x128xf32, #tpu.memory_space<vmem_shared>>)
        tpu.yield
      }) : () -> ()
    } else {
    }
    %dma_start3A = arith.constant 0 : i32
    %dma_start3A_7 = arith.constant 0 : i32
    %dma_start3A_8 = arith.constant 0 : i32
    %dma_start3A_9 = tpu.memref_slice %arg3[%add3A, %dma_start3A, %dma_start3A_7, %dma_start3A_8] : memref<32x81x2x128xi32, #tpu.memory_space<hbm>> -> memref<1x1x2x128xi32, #tpu.memory_space<hbm>>
    %dma_start3A_10 = tpu.memref_squeeze %dma_start3A_9 : memref<1x1x2x128xi32, #tpu.memory_space<hbm>> -> memref<2x128xi32, #tpu.memory_space<hbm>>
    %dma_start3A_11 = arith.constant 0 : i32
    %dma_start3A_12 = arith.constant 0 : i32
    %dma_start3A_13 = tpu.memref_slice %arg3[%add3A, %dma_start3A, %dma_start3A_11, %dma_start3A_12] : memref<32x81x2x128xi32, #tpu.memory_space<hbm>> -> memref<1x1x2x128xi32, #tpu.memory_space<hbm>>
    %dma_start3A_14 = tpu.memref_squeeze %dma_start3A_13 : memref<1x1x2x128xi32, #tpu.memory_space<hbm>> -> memref<2x128xi32, #tpu.memory_space<hbm>>
    tpu.enqueue_dma source(%dma_start3A_14 : memref<2x128xi32, #tpu.memory_space<hbm>>) target(%arg6 : memref<2x128xi32, #tpu.memory_space<vmem>>) target_semaphore(%arg16 : memref<!tpu.dma_semaphore, #tpu.memory_space<semaphore_mem>>)
    %dma_start3A_15 = arith.constant 1 : i32
    %dma_start3A_16 = arith.constant 0 : i32
    %dma_start3A_17 = arith.constant 0 : i32
    %dma_start3A_18 = tpu.memref_slice %arg3[%add3A, %dma_start3A_15, %dma_start3A_16, %dma_start3A_17] : memref<32x81x2x128xi32, #tpu.memory_space<hbm>> -> memref<1x1x2x128xi32, #tpu.memory_space<hbm>>
    %dma_start3A_19 = tpu.memref_squeeze %dma_start3A_18 : memref<1x1x2x128xi32, #tpu.memory_space<hbm>> -> memref<2x128xi32, #tpu.memory_space<hbm>>
    %dma_start3A_20 = arith.constant 0 : i32
    %dma_start3A_21 = arith.constant 0 : i32
    %dma_start3A_22 = tpu.memref_slice %arg3[%add3A, %dma_start3A_15, %dma_start3A_20, %dma_start3A_21] : memref<32x81x2x128xi32, #tpu.memory_space<hbm>> -> memref<1x1x2x128xi32, #tpu.memory_space<hbm>>
    %dma_start3A_23 = tpu.memref_squeeze %dma_start3A_22 : memref<1x1x2x128xi32, #tpu.memory_space<hbm>> -> memref<2x128xi32, #tpu.memory_space<hbm>>
    tpu.enqueue_dma source(%dma_start3A_23 : memref<2x128xi32, #tpu.memory_space<hbm>>) target(%arg7 : memref<2x128xi32, #tpu.memory_space<vmem>>) target_semaphore(%arg17 : memref<!tpu.dma_semaphore, #tpu.memory_space<semaphore_mem>>)
    %dma_start3A_24 = arith.constant 2 : i32
    %dma_start3A_25 = arith.constant 0 : i32
    %dma_start3A_26 = arith.constant 0 : i32
    %dma_start3A_27 = tpu.memref_slice %arg3[%add3A, %dma_start3A_24, %dma_start3A_25, %dma_start3A_26] : memref<32x81x2x128xi32, #tpu.memory_space<hbm>> -> memref<1x1x2x128xi32, #tpu.memory_space<hbm>>
    %dma_start3A_28 = tpu.memref_squeeze %dma_start3A_27 : memref<1x1x2x128xi32, #tpu.memory_space<hbm>> -> memref<2x128xi32, #tpu.memory_space<hbm>>
    %dma_start3A_29 = arith.constant 0 : i32
    %dma_start3A_30 = arith.constant 0 : i32
    %dma_start3A_31 = tpu.memref_slice %arg3[%add3A, %dma_start3A_24, %dma_start3A_29, %dma_start3A_30] : memref<32x81x2x128xi32, #tpu.memory_space<hbm>> -> memref<1x1x2x128xi32, #tpu.memory_space<hbm>>
    %dma_start3A_32 = tpu.memref_squeeze %dma_start3A_31 : memref<1x1x2x128xi32, #tpu.memory_space<hbm>> -> memref<2x128xi32, #tpu.memory_space<hbm>>
    tpu.enqueue_dma source(%dma_start3A_32 : memref<2x128xi32, #tpu.memory_space<hbm>>) target(%arg8 : memref<2x128xi32, #tpu.memory_space<vmem>>) target_semaphore(%arg18 : memref<!tpu.dma_semaphore, #tpu.memory_space<semaphore_mem>>)
    %dma_start3A_33 = arith.constant 3 : i32
    %dma_start3A_34 = arith.constant 0 : i32
    %dma_start3A_35 = arith.constant 0 : i32
    %dma_start3A_36 = tpu.memref_slice %arg3[%add3A, %dma_start3A_33, %dma_start3A_34, %dma_start3A_35] : memref<32x81x2x128xi32, #tpu.memory_space<hbm>> -> memref<1x1x2x128xi32, #tpu.memory_space<hbm>>
    %dma_start3A_37 = tpu.memref_squeeze %dma_start3A_36 : memref<1x1x2x128xi32, #tpu.memory_space<hbm>> -> memref<2x128xi32, #tpu.memory_space<hbm>>
    %dma_start3A_38 = arith.constant 0 : i32
    %dma_start3A_39 = arith.constant 0 : i32
    %dma_start3A_40 = tpu.memref_slice %arg3[%add3A, %dma_start3A_33, %dma_start3A_38, %dma_start3A_39] : memref<32x81x2x128xi32, #tpu.memory_space<hbm>> -> memref<1x1x2x128xi32, #tpu.memory_space<hbm>>
    %dma_start3A_41 = tpu.memref_squeeze %dma_start3A_40 : memref<1x1x2x128xi32, #tpu.memory_space<hbm>> -> memref<2x128xi32, #tpu.memory_space<hbm>>
    tpu.enqueue_dma source(%dma_start3A_41 : memref<2x128xi32, #tpu.memory_space<hbm>>) target(%arg9 : memref<2x128xi32, #tpu.memory_space<vmem>>) target_semaphore(%arg19 : memref<!tpu.dma_semaphore, #tpu.memory_space<semaphore_mem>>)
    %dma_start3A_42 = arith.constant 4 : i32
    %dma_start3A_43 = arith.constant 0 : i32
    %dma_start3A_44 = arith.constant 0 : i32
    %dma_start3A_45 = tpu.memref_slice %arg3[%add3A, %dma_start3A_42, %dma_start3A_43, %dma_start3A_44] : memref<32x81x2x128xi32, #tpu.memory_space<hbm>> -> memref<1x1x2x128xi32, #tpu.memory_space<hbm>>
    %dma_start3A_46 = tpu.memref_squeeze %dma_start3A_45 : memref<1x1x2x128xi32, #tpu.memory_space<hbm>> -> memref<2x128xi32, #tpu.memory_space<hbm>>
    %dma_start3A_47 = arith.constant 0 : i32
    %dma_start3A_48 = arith.constant 0 : i32
    %dma_start3A_49 = tpu.memref_slice %arg3[%add3A, %dma_start3A_42, %dma_start3A_47, %dma_start3A_48] : memref<32x81x2x128xi32, #tpu.memory_space<hbm>> -> memref<1x1x2x128xi32, #tpu.memory_space<hbm>>
    %dma_start3A_50 = tpu.memref_squeeze %dma_start3A_49 : memref<1x1x2x128xi32, #tpu.memory_space<hbm>> -> memref<2x128xi32, #tpu.memory_space<hbm>>
    tpu.enqueue_dma source(%dma_start3A_50 : memref<2x128xi32, #tpu.memory_space<hbm>>) target(%arg10 : memref<2x128xi32, #tpu.memory_space<vmem>>) target_semaphore(%arg20 : memref<!tpu.dma_semaphore, #tpu.memory_space<semaphore_mem>>)
    %dma_start3A_51 = arith.constant 5 : i32
    %dma_start3A_52 = arith.constant 0 : i32
    %dma_start3A_53 = arith.constant 0 : i32
    %dma_start3A_54 = tpu.memref_slice %arg3[%add3A, %dma_start3A_51, %dma_start3A_52, %dma_start3A_53] : memref<32x81x2x128xi32, #tpu.memory_space<hbm>> -> memref<1x1x2x128xi32, #tpu.memory_space<hbm>>
    %dma_start3A_55 = tpu.memref_squeeze %dma_start3A_54 : memref<1x1x2x128xi32, #tpu.memory_space<hbm>> -> memref<2x128xi32, #tpu.memory_space<hbm>>
    %dma_start3A_56 = arith.constant 0 : i32
    %dma_start3A_57 = arith.constant 0 : i32
    %dma_start3A_58 = tpu.memref_slice %arg3[%add3A, %dma_start3A_51, %dma_start3A_56, %dma_start3A_57] : memref<32x81x2x128xi32, #tpu.memory_space<hbm>> -> memref<1x1x2x128xi32, #tpu.memory_space<hbm>>
    %dma_start3A_59 = tpu.memref_squeeze %dma_start3A_58 : memref<1x1x2x128xi32, #tpu.memory_space<hbm>> -> memref<2x128xi32, #tpu.memory_space<hbm>>
    tpu.enqueue_dma source(%dma_start3A_59 : memref<2x128xi32, #tpu.memory_space<hbm>>) target(%arg11 : memref<2x128xi32, #tpu.memory_space<vmem>>) target_semaphore(%arg21 : memref<!tpu.dma_semaphore, #tpu.memory_space<semaphore_mem>>)
    %dma_wait3A = arith.constant 0 : i32
    %dma_wait3A_60 = arith.constant 0 : i32
    %dma_wait3A_61 = arith.constant 0 : i32
    %dma_wait3A_62 = tpu.memref_slice %arg3[%add3A, %dma_wait3A, %dma_wait3A_60, %dma_wait3A_61] : memref<32x81x2x128xi32, #tpu.memory_space<hbm>> -> memref<1x1x2x128xi32, #tpu.memory_space<hbm>>
    %dma_wait3A_63 = tpu.memref_squeeze %dma_wait3A_62 : memref<1x1x2x128xi32, #tpu.memory_space<hbm>> -> memref<2x128xi32, #tpu.memory_space<hbm>>
    %dma_wait3A_64 = arith.constant 0 : i32
    %dma_wait3A_65 = arith.constant 0 : i32
    %dma_wait3A_66 = tpu.memref_slice %arg3[%add3A, %dma_wait3A, %dma_wait3A_64, %dma_wait3A_65] : memref<32x81x2x128xi32, #tpu.memory_space<hbm>> -> memref<1x1x2x128xi32, #tpu.memory_space<hbm>>
    %dma_wait3A_67 = tpu.memref_squeeze %dma_wait3A_66 : memref<1x1x2x128xi32, #tpu.memory_space<hbm>> -> memref<2x128xi32, #tpu.memory_space<hbm>>
    tpu.wait_dma2 semaphore(%arg16 : memref<!tpu.dma_semaphore, #tpu.memory_space<semaphore_mem>>) src(%dma_wait3A_67 : memref<2x128xi32, #tpu.memory_space<hbm>>) dst(%arg6 : memref<2x128xi32, #tpu.memory_space<vmem>>)
    %dma_start3A_68 = arith.constant 0 : i32
    %dma_start3A_69 = arith.constant 0 : i32
    %dma_start3A_70 = tpu.memref_slice %arg6[%dma_start3A_68, %dma_start3A_69] : memref<2x128xi32, #tpu.memory_space<vmem>> -> memref<1x128xi32, #tpu.memory_space<vmem>>
    %dma_start3A_71 = tpu.memref_squeeze %dma_start3A_70 : memref<1x128xi32, #tpu.memory_space<vmem>> -> memref<128xi32, #tpu.memory_space<vmem>>
    %dma_start3A_72 = arith.constant 0 : i32
    %dma_start3A_73 = arith.constant 0 : i32
    %dma_start3A_74 = tpu.memref_slice %arg2[%dma_start3A_72, %dma_start3A_73] : memref<10240x128xf32, #tpu.memory_space<hbm>> -> memref<10240x128xf32, #tpu.memory_space<hbm>>
    tpu.enqueue_indirect_dma source(%dma_start3A_74 : memref<10240x128xf32, #tpu.memory_space<hbm>>) target(%arg12 : memref<128x128xf32, #tpu.memory_space<vmem>>) offsets(%dma_start3A_71 : memref<128xi32, #tpu.memory_space<vmem>>) semaphore(%arg22 : memref<!tpu.dma_semaphore, #tpu.memory_space<semaphore_mem>>)
    %barrier3A = arith.constant 0 : index
    tpu.barrier barrier_id(%barrier3A)
    %scan3A = arith.constant 0 : i32
    %scan3A_75 = arith.constant 0 : i32
    %scan3A_76 = arith.constant 14 : i32
    %scan3A_77 = arith.addi %scan3A_75, %scan3A_76 : i32
    %scan3A_78 = arith.constant 1 : i32
    scf.for %scan3A_96 = %scan3A_75 to %scan3A_77 step %scan3A_78  : i32 {
      %mul3A_97 = arith.constant 6 : i32
      %mul3A_98 = arith.muli %mul3A_97, %scan3A_96 : i32
      %add3A_99 = arith.constant 0 : i32
      %add3A_100 = arith.addi %mul3A_98, %add3A_99 : i32
      %ge3A = arith.constant 2 : i32
      %ge3A_101 = arith.cmpi sge, %add3A_100, %ge3A : i32
      %le3A = arith.constant 82 : i32
      %le3A_102 = arith.cmpi sle, %add3A_100, %le3A : i32
      %and3A = arith.andi %ge3A_101, %le3A_102 : i1
      %convert_element_type3A_103 = arith.extui %and3A : i1 to i32
      %cond3A_104 = arith.constant 0 : i32
      %cond3A_105 = arith.cmpi ne, %convert_element_type3A_103, %cond3A_104 : i32
      scf.if %cond3A_105 {
        %dma_wait3A_228 = arith.constant 0 : i32
        %dma_wait3A_229 = arith.constant 0 : i32
        %dma_wait3A_230 = tpu.memref_slice %arg2[%dma_wait3A_228, %dma_wait3A_229] : memref<10240x128xf32, #tpu.memory_space<hbm>> -> memref<128x128xf32, #tpu.memory_space<hbm>>
        %dma_wait3A_231 = arith.constant 0 : i32
        %dma_wait3A_232 = arith.constant 0 : i32
        %dma_wait3A_233 = tpu.memref_slice %arg2[%dma_wait3A_231, %dma_wait3A_232] : memref<10240x128xf32, #tpu.memory_space<hbm>> -> memref<128x128xf32, #tpu.memory_space<hbm>>
        tpu.wait_dma2 semaphore(%arg26 : memref<!tpu.dma_semaphore, #tpu.memory_space<semaphore_mem>>) src(%dma_wait3A_233 : memref<128x128xf32, #tpu.memory_space<hbm>>) dst(%arg13 : memref<128x128xf32, #tpu.memory_space<vmem>>)
        %add3A_234 = arith.constant 4 : i32
        %add3A_235 = arith.addi %add3A_100, %add3A_234 : i32
        %lt3A_236 = arith.constant 81 : i32
        %lt3A_237 = arith.cmpi slt, %add3A_235, %lt3A_236 : i32
        %convert_element_type3A_238 = arith.extui %lt3A_237 : i1 to i32
        %cond3A_239 = arith.constant 0 : i32
        %cond3A_240 = arith.cmpi ne, %convert_element_type3A_238, %cond3A_239 : i32
        scf.if %cond3A_240 {
          %add3A_241 = arith.constant 4 : i32
          %add3A_242 = arith.addi %add3A_100, %add3A_241 : i32
          %dma_start3A_243 = arith.constant 0 : i32
          %dma_start3A_244 = arith.constant 0 : i32
          %dma_start3A_245 = tpu.memref_slice %arg3[%add3A, %add3A_242, %dma_start3A_243, %dma_start3A_244] : memref<32x81x2x128xi32, #tpu.memory_space<hbm>> -> memref<1x1x2x128xi32, #tpu.memory_space<hbm>>
          %dma_start3A_246 = tpu.memref_squeeze %dma_start3A_245 : memref<1x1x2x128xi32, #tpu.memory_space<hbm>> -> memref<2x128xi32, #tpu.memory_space<hbm>>
          %dma_start3A_247 = arith.constant 0 : i32
          %dma_start3A_248 = arith.constant 0 : i32
          %dma_start3A_249 = tpu.memref_slice %arg3[%add3A, %add3A_242, %dma_start3A_247, %dma_start3A_248] : memref<32x81x2x128xi32, #tpu.memory_space<hbm>> -> memref<1x1x2x128xi32, #tpu.memory_space<hbm>>
          %dma_start3A_250 = tpu.memref_squeeze %dma_start3A_249 : memref<1x1x2x128xi32, #tpu.memory_space<hbm>> -> memref<2x128xi32, #tpu.memory_space<hbm>>
          tpu.enqueue_dma source(%dma_start3A_250 : memref<2x128xi32, #tpu.memory_space<hbm>>) target(%arg10 : memref<2x128xi32, #tpu.memory_space<vmem>>) target_semaphore(%arg20 : memref<!tpu.dma_semaphore, #tpu.memory_space<semaphore_mem>>)
        } else {
        }
      } else {
      }
      %add3A_106 = arith.constant 1 : i32
      %add3A_107 = arith.addi %add3A_100, %add3A_106 : i32
      %lt3A_108 = arith.constant 81 : i32
      %lt3A_109 = arith.cmpi slt, %add3A_107, %lt3A_108 : i32
      %convert_element_type3A_110 = arith.extui %lt3A_109 : i1 to i32
      %cond3A_111 = arith.constant 0 : i32
      %cond3A_112 = arith.cmpi ne, %convert_element_type3A_110, %cond3A_111 : i32
      scf.if %cond3A_112 {
        %add3A_228 = arith.constant 1 : i32
        %add3A_229 = arith.addi %add3A_100, %add3A_228 : i32
        %dma_wait3A_230 = arith.constant 0 : i32
        %dma_wait3A_231 = arith.constant 0 : i32
        %dma_wait3A_232 = tpu.memref_slice %arg3[%add3A, %add3A_229, %dma_wait3A_230, %dma_wait3A_231] : memref<32x81x2x128xi32, #tpu.memory_space<hbm>> -> memref<1x1x2x128xi32, #tpu.memory_space<hbm>>
        %dma_wait3A_233 = tpu.memref_squeeze %dma_wait3A_232 : memref<1x1x2x128xi32, #tpu.memory_space<hbm>> -> memref<2x128xi32, #tpu.memory_space<hbm>>
        %dma_wait3A_234 = arith.constant 0 : i32
        %dma_wait3A_235 = arith.constant 0 : i32
        %dma_wait3A_236 = tpu.memref_slice %arg3[%add3A, %add3A_229, %dma_wait3A_234, %dma_wait3A_235] : memref<32x81x2x128xi32, #tpu.memory_space<hbm>> -> memref<1x1x2x128xi32, #tpu.memory_space<hbm>>
        %dma_wait3A_237 = tpu.memref_squeeze %dma_wait3A_236 : memref<1x1x2x128xi32, #tpu.memory_space<hbm>> -> memref<2x128xi32, #tpu.memory_space<hbm>>
        tpu.wait_dma2 semaphore(%arg17 : memref<!tpu.dma_semaphore, #tpu.memory_space<semaphore_mem>>) src(%dma_wait3A_237 : memref<2x128xi32, #tpu.memory_space<hbm>>) dst(%arg7 : memref<2x128xi32, #tpu.memory_space<vmem>>)
        %dma_start3A_238 = arith.constant 0 : i32
        %dma_start3A_239 = arith.constant 0 : i32
        %dma_start3A_240 = tpu.memref_slice %arg7[%dma_start3A_238, %dma_start3A_239] : memref<2x128xi32, #tpu.memory_space<vmem>> -> memref<1x128xi32, #tpu.memory_space<vmem>>
        %dma_start3A_241 = tpu.memref_squeeze %dma_start3A_240 : memref<1x128xi32, #tpu.memory_space<vmem>> -> memref<128xi32, #tpu.memory_space<vmem>>
        %dma_start3A_242 = arith.constant 0 : i32
        %dma_start3A_243 = arith.constant 0 : i32
        %dma_start3A_244 = tpu.memref_slice %arg2[%dma_start3A_242, %dma_start3A_243] : memref<10240x128xf32, #tpu.memory_space<hbm>> -> memref<10240x128xf32, #tpu.memory_space<hbm>>
        tpu.enqueue_indirect_dma source(%dma_start3A_244 : memref<10240x128xf32, #tpu.memory_space<hbm>>) target(%arg13 : memref<128x128xf32, #tpu.memory_space<vmem>>) offsets(%dma_start3A_241 : memref<128xi32, #tpu.memory_space<vmem>>) semaphore(%arg23 : memref<!tpu.dma_semaphore, #tpu.memory_space<semaphore_mem>>)
      } else {
      }
      %lt3A_113 = arith.constant 81 : i32
      %lt3A_114 = arith.cmpi slt, %add3A_100, %lt3A_113 : i32
      %convert_element_type3A_115 = arith.extui %lt3A_114 : i1 to i32
      %cond3A_116 = arith.constant 0 : i32
      %cond3A_117 = arith.cmpi ne, %convert_element_type3A_115, %cond3A_116 : i32
      scf.if %cond3A_117 {
        %dma_wait3A_228 = arith.constant 0 : i32
        %dma_wait3A_229 = arith.constant 0 : i32
        %dma_wait3A_230 = tpu.memref_slice %arg6[%dma_wait3A_228, %dma_wait3A_229] : memref<2x128xi32, #tpu.memory_space<vmem>> -> memref<1x128xi32, #tpu.memory_space<vmem>>
        %dma_wait3A_231 = tpu.memref_squeeze %dma_wait3A_230 : memref<1x128xi32, #tpu.memory_space<vmem>> -> memref<128xi32, #tpu.memory_space<vmem>>
        %dma_wait3A_232 = arith.constant 0 : i32
        %dma_wait3A_233 = arith.constant 0 : i32
        %dma_wait3A_234 = tpu.memref_slice %arg2[%dma_wait3A_232, %dma_wait3A_233] : memref<10240x128xf32, #tpu.memory_space<hbm>> -> memref<10240x128xf32, #tpu.memory_space<hbm>>
        tpu.wait_indirect_dma semaphore(%arg22 : memref<!tpu.dma_semaphore, #tpu.memory_space<semaphore_mem>>) src(%dma_wait3A_234 : memref<10240x128xf32, #tpu.memory_space<hbm>>) dst(%arg12 : memref<128x128xf32, #tpu.memory_space<vmem>>)
        %dma_start3A_235 = arith.constant 1 : i32
        %dma_start3A_236 = arith.constant 0 : i32
        %dma_start3A_237 = tpu.memref_slice %arg6[%dma_start3A_235, %dma_start3A_236] : memref<2x128xi32, #tpu.memory_space<vmem>> -> memref<1x128xi32, #tpu.memory_space<vmem>>
        %dma_start3A_238 = tpu.memref_squeeze %dma_start3A_237 : memref<1x128xi32, #tpu.memory_space<vmem>> -> memref<128xi32, #tpu.memory_space<vmem>>
        %dma_start3A_239 = arith.constant 0 : i32
        %dma_start3A_240 = arith.constant 0 : i32
        %dma_start3A_241 = tpu.memref_slice %arg15[%dma_start3A_239, %dma_start3A_240] : memref<10016x128xf32, #tpu.memory_space<vmem_shared>> -> memref<10016x128xf32, #tpu.memory_space<vmem_shared>>
        tpu.enqueue_indirect_dma source(%arg12 : memref<128x128xf32, #tpu.memory_space<vmem>>) target(%dma_start3A_241 : memref<10016x128xf32, #tpu.memory_space<vmem_shared>>) offsets(%dma_start3A_238 : memref<128xi32, #tpu.memory_space<vmem>>) semaphore(%arg25 : memref<!tpu.dma_semaphore, #tpu.memory_space<semaphore_mem>>) {add = true}
      } else {
      }
      %add3A_118 = arith.constant 1 : i32
      %add3A_119 = arith.addi %mul3A_98, %add3A_118 : i32
      %ge3A_120 = arith.constant 2 : i32
      %ge3A_121 = arith.cmpi sge, %add3A_119, %ge3A_120 : i32
      %le3A_122 = arith.constant 82 : i32
      %le3A_123 = arith.cmpi sle, %add3A_119, %le3A_122 : i32
      %and3A_124 = arith.andi %ge3A_121, %le3A_123 : i1
      %convert_element_type3A_125 = arith.extui %and3A_124 : i1 to i32
      %cond3A_126 = arith.constant 0 : i32
      %cond3A_127 = arith.cmpi ne, %convert_element_type3A_125, %cond3A_126 : i32
      scf.if %cond3A_127 {
        %dma_wait3A_228 = arith.constant 0 : i32
        %dma_wait3A_229 = arith.constant 0 : i32
        %dma_wait3A_230 = tpu.memref_slice %arg2[%dma_wait3A_228, %dma_wait3A_229] : memref<10240x128xf32, #tpu.memory_space<hbm>> -> memref<128x128xf32, #tpu.memory_space<hbm>>
        %dma_wait3A_231 = arith.constant 0 : i32
        %dma_wait3A_232 = arith.constant 0 : i32
        %dma_wait3A_233 = tpu.memref_slice %arg2[%dma_wait3A_231, %dma_wait3A_232] : memref<10240x128xf32, #tpu.memory_space<hbm>> -> memref<128x128xf32, #tpu.memory_space<hbm>>
        tpu.wait_dma2 semaphore(%arg27 : memref<!tpu.dma_semaphore, #tpu.memory_space<semaphore_mem>>) src(%dma_wait3A_233 : memref<128x128xf32, #tpu.memory_space<hbm>>) dst(%arg14 : memref<128x128xf32, #tpu.memory_space<vmem>>)
        %add3A_234 = arith.constant 4 : i32
        %add3A_235 = arith.addi %add3A_119, %add3A_234 : i32
        %lt3A_236 = arith.constant 81 : i32
        %lt3A_237 = arith.cmpi slt, %add3A_235, %lt3A_236 : i32
        %convert_element_type3A_238 = arith.extui %lt3A_237 : i1 to i32
        %cond3A_239 = arith.constant 0 : i32
        %cond3A_240 = arith.cmpi ne, %convert_element_type3A_238, %cond3A_239 : i32
        scf.if %cond3A_240 {
          %add3A_241 = arith.constant 4 : i32
          %add3A_242 = arith.addi %add3A_119, %add3A_241 : i32
          %dma_start3A_243 = arith.constant 0 : i32
          %dma_start3A_244 = arith.constant 0 : i32
          %dma_start3A_245 = tpu.memref_slice %arg3[%add3A, %add3A_242, %dma_start3A_243, %dma_start3A_244] : memref<32x81x2x128xi32, #tpu.memory_space<hbm>> -> memref<1x1x2x128xi32, #tpu.memory_space<hbm>>
          %dma_start3A_246 = tpu.memref_squeeze %dma_start3A_245 : memref<1x1x2x128xi32, #tpu.memory_space<hbm>> -> memref<2x128xi32, #tpu.memory_space<hbm>>
          %dma_start3A_247 = arith.constant 0 : i32
          %dma_start3A_248 = arith.constant 0 : i32
          %dma_start3A_249 = tpu.memref_slice %arg3[%add3A, %add3A_242, %dma_start3A_247, %dma_start3A_248] : memref<32x81x2x128xi32, #tpu.memory_space<hbm>> -> memref<1x1x2x128xi32, #tpu.memory_space<hbm>>
          %dma_start3A_250 = tpu.memref_squeeze %dma_start3A_249 : memref<1x1x2x128xi32, #tpu.memory_space<hbm>> -> memref<2x128xi32, #tpu.memory_space<hbm>>
          tpu.enqueue_dma source(%dma_start3A_250 : memref<2x128xi32, #tpu.memory_space<hbm>>) target(%arg11 : memref<2x128xi32, #tpu.memory_space<vmem>>) target_semaphore(%arg21 : memref<!tpu.dma_semaphore, #tpu.memory_space<semaphore_mem>>)
        } else {
        }
      } else {
      }
      %add3A_128 = arith.constant 1 : i32
      %add3A_129 = arith.addi %add3A_119, %add3A_128 : i32
      %lt3A_130 = arith.constant 81 : i32
      %lt3A_131 = arith.cmpi slt, %add3A_129, %lt3A_130 : i32
      %convert_element_type3A_132 = arith.extui %lt3A_131 : i1 to i32
      %cond3A_133 = arith.constant 0 : i32
      %cond3A_134 = arith.cmpi ne, %convert_element_type3A_132, %cond3A_133 : i32
      scf.if %cond3A_134 {
        %add3A_228 = arith.constant 1 : i32
        %add3A_229 = arith.addi %add3A_119, %add3A_228 : i32
        %dma_wait3A_230 = arith.constant 0 : i32
        %dma_wait3A_231 = arith.constant 0 : i32
        %dma_wait3A_232 = tpu.memref_slice %arg3[%add3A, %add3A_229, %dma_wait3A_230, %dma_wait3A_231] : memref<32x81x2x128xi32, #tpu.memory_space<hbm>> -> memref<1x1x2x128xi32, #tpu.memory_space<hbm>>
        %dma_wait3A_233 = tpu.memref_squeeze %dma_wait3A_232 : memref<1x1x2x128xi32, #tpu.memory_space<hbm>> -> memref<2x128xi32, #tpu.memory_space<hbm>>
        %dma_wait3A_234 = arith.constant 0 : i32
        %dma_wait3A_235 = arith.constant 0 : i32
        %dma_wait3A_236 = tpu.memref_slice %arg3[%add3A, %add3A_229, %dma_wait3A_234, %dma_wait3A_235] : memref<32x81x2x128xi32, #tpu.memory_space<hbm>> -> memref<1x1x2x128xi32, #tpu.memory_space<hbm>>
        %dma_wait3A_237 = tpu.memref_squeeze %dma_wait3A_236 : memref<1x1x2x128xi32, #tpu.memory_space<hbm>> -> memref<2x128xi32, #tpu.memory_space<hbm>>
        tpu.wait_dma2 semaphore(%arg18 : memref<!tpu.dma_semaphore, #tpu.memory_space<semaphore_mem>>) src(%dma_wait3A_237 : memref<2x128xi32, #tpu.memory_space<hbm>>) dst(%arg8 : memref<2x128xi32, #tpu.memory_space<vmem>>)
        %dma_start3A_238 = arith.constant 0 : i32
        %dma_start3A_239 = arith.constant 0 : i32
        %dma_start3A_240 = tpu.memref_slice %arg8[%dma_start3A_238, %dma_start3A_239] : memref<2x128xi32, #tpu.memory_space<vmem>> -> memref<1x128xi32, #tpu.memory_space<vmem>>
        %dma_start3A_241 = tpu.memref_squeeze %dma_start3A_240 : memref<1x128xi32, #tpu.memory_space<vmem>> -> memref<128xi32, #tpu.memory_space<vmem>>
        %dma_start3A_242 = arith.constant 0 : i32
        %dma_start3A_243 = arith.constant 0 : i32
        %dma_start3A_244 = tpu.memref_slice %arg2[%dma_start3A_242, %dma_start3A_243] : memref<10240x128xf32, #tpu.memory_space<hbm>> -> memref<10240x128xf32, #tpu.memory_space<hbm>>
        tpu.enqueue_indirect_dma source(%dma_start3A_244 : memref<10240x128xf32, #tpu.memory_space<hbm>>) target(%arg14 : memref<128x128xf32, #tpu.memory_space<vmem>>) offsets(%dma_start3A_241 : memref<128xi32, #tpu.memory_space<vmem>>) semaphore(%arg24 : memref<!tpu.dma_semaphore, #tpu.memory_space<semaphore_mem>>)
      } else {
      }
      %lt3A_135 = arith.constant 81 : i32
      %lt3A_136 = arith.cmpi slt, %add3A_119, %lt3A_135 : i32
      %convert_element_type3A_137 = arith.extui %lt3A_136 : i1 to i32
      %cond3A_138 = arith.constant 0 : i32
      %cond3A_139 = arith.cmpi ne, %convert_element_type3A_137, %cond3A_138 : i32
      scf.if %cond3A_139 {
        %dma_wait3A_228 = arith.constant 0 : i32
        %dma_wait3A_229 = arith.constant 0 : i32
        %dma_wait3A_230 = tpu.memref_slice %arg7[%dma_wait3A_228, %dma_wait3A_229] : memref<2x128xi32, #tpu.memory_space<vmem>> -> memref<1x128xi32, #tpu.memory_space<vmem>>
        %dma_wait3A_231 = tpu.memref_squeeze %dma_wait3A_230 : memref<1x128xi32, #tpu.memory_space<vmem>> -> memref<128xi32, #tpu.memory_space<vmem>>
        %dma_wait3A_232 = arith.constant 0 : i32
        %dma_wait3A_233 = arith.constant 0 : i32
        %dma_wait3A_234 = tpu.memref_slice %arg2[%dma_wait3A_232, %dma_wait3A_233] : memref<10240x128xf32, #tpu.memory_space<hbm>> -> memref<10240x128xf32, #tpu.memory_space<hbm>>
        tpu.wait_indirect_dma semaphore(%arg23 : memref<!tpu.dma_semaphore, #tpu.memory_space<semaphore_mem>>) src(%dma_wait3A_234 : memref<10240x128xf32, #tpu.memory_space<hbm>>) dst(%arg13 : memref<128x128xf32, #tpu.memory_space<vmem>>)
        %dma_start3A_235 = arith.constant 1 : i32
        %dma_start3A_236 = arith.constant 0 : i32
        %dma_start3A_237 = tpu.memref_slice %arg7[%dma_start3A_235, %dma_start3A_236] : memref<2x128xi32, #tpu.memory_space<vmem>> -> memref<1x128xi32, #tpu.memory_space<vmem>>
        %dma_start3A_238 = tpu.memref_squeeze %dma_start3A_237 : memref<1x128xi32, #tpu.memory_space<vmem>> -> memref<128xi32, #tpu.memory_space<vmem>>
        %dma_start3A_239 = arith.constant 0 : i32
        %dma_start3A_240 = arith.constant 0 : i32
        %dma_start3A_241 = tpu.memref_slice %arg15[%dma_start3A_239, %dma_start3A_240] : memref<10016x128xf32, #tpu.memory_space<vmem_shared>> -> memref<10016x128xf32, #tpu.memory_space<vmem_shared>>
        tpu.enqueue_indirect_dma source(%arg13 : memref<128x128xf32, #tpu.memory_space<vmem>>) target(%dma_start3A_241 : memref<10016x128xf32, #tpu.memory_space<vmem_shared>>) offsets(%dma_start3A_238 : memref<128xi32, #tpu.memory_space<vmem>>) semaphore(%arg26 : memref<!tpu.dma_semaphore, #tpu.memory_space<semaphore_mem>>) {add = true}
      } else {
      }
      %add3A_140 = arith.constant 2 : i32
      %add3A_141 = arith.addi %mul3A_98, %add3A_140 : i32
      %ge3A_142 = arith.constant 2 : i32
      %ge3A_143 = arith.cmpi sge, %add3A_141, %ge3A_142 : i32
      %le3A_144 = arith.constant 82 : i32
      %le3A_145 = arith.cmpi sle, %add3A_141, %le3A_144 : i32
      %and3A_146 = arith.andi %ge3A_143, %le3A_145 : i1
      %convert_element_type3A_147 = arith.extui %and3A_146 : i1 to i32
      %cond3A_148 = arith.constant 0 : i32
      %cond3A_149 = arith.cmpi ne, %convert_element_type3A_147, %cond3A_148 : i32
      scf.if %cond3A_149 {
        %dma_wait3A_228 = arith.constant 0 : i32
        %dma_wait3A_229 = arith.constant 0 : i32
        %dma_wait3A_230 = tpu.memref_slice %arg2[%dma_wait3A_228, %dma_wait3A_229] : memref<10240x128xf32, #tpu.memory_space<hbm>> -> memref<128x128xf32, #tpu.memory_space<hbm>>
        %dma_wait3A_231 = arith.constant 0 : i32
        %dma_wait3A_232 = arith.constant 0 : i32
        %dma_wait3A_233 = tpu.memref_slice %arg2[%dma_wait3A_231, %dma_wait3A_232] : memref<10240x128xf32, #tpu.memory_space<hbm>> -> memref<128x128xf32, #tpu.memory_space<hbm>>
        tpu.wait_dma2 semaphore(%arg25 : memref<!tpu.dma_semaphore, #tpu.memory_space<semaphore_mem>>) src(%dma_wait3A_233 : memref<128x128xf32, #tpu.memory_space<hbm>>) dst(%arg12 : memref<128x128xf32, #tpu.memory_space<vmem>>)
        %add3A_234 = arith.constant 4 : i32
        %add3A_235 = arith.addi %add3A_141, %add3A_234 : i32
        %lt3A_236 = arith.constant 81 : i32
        %lt3A_237 = arith.cmpi slt, %add3A_235, %lt3A_236 : i32
        %convert_element_type3A_238 = arith.extui %lt3A_237 : i1 to i32
        %cond3A_239 = arith.constant 0 : i32
        %cond3A_240 = arith.cmpi ne, %convert_element_type3A_238, %cond3A_239 : i32
        scf.if %cond3A_240 {
          %add3A_241 = arith.constant 4 : i32
          %add3A_242 = arith.addi %add3A_141, %add3A_241 : i32
          %dma_start3A_243 = arith.constant 0 : i32
          %dma_start3A_244 = arith.constant 0 : i32
          %dma_start3A_245 = tpu.memref_slice %arg3[%add3A, %add3A_242, %dma_start3A_243, %dma_start3A_244] : memref<32x81x2x128xi32, #tpu.memory_space<hbm>> -> memref<1x1x2x128xi32, #tpu.memory_space<hbm>>
          %dma_start3A_246 = tpu.memref_squeeze %dma_start3A_245 : memref<1x1x2x128xi32, #tpu.memory_space<hbm>> -> memref<2x128xi32, #tpu.memory_space<hbm>>
          %dma_start3A_247 = arith.constant 0 : i32
          %dma_start3A_248 = arith.constant 0 : i32
          %dma_start3A_249 = tpu.memref_slice %arg3[%add3A, %add3A_242, %dma_start3A_247, %dma_start3A_248] : memref<32x81x2x128xi32, #tpu.memory_space<hbm>> -> memref<1x1x2x128xi32, #tpu.memory_space<hbm>>
          %dma_start3A_250 = tpu.memref_squeeze %dma_start3A_249 : memref<1x1x2x128xi32, #tpu.memory_space<hbm>> -> memref<2x128xi32, #tpu.memory_space<hbm>>
          tpu.enqueue_dma source(%dma_start3A_250 : memref<2x128xi32, #tpu.memory_space<hbm>>) target(%arg6 : memref<2x128xi32, #tpu.memory_space<vmem>>) target_semaphore(%arg16 : memref<!tpu.dma_semaphore, #tpu.memory_space<semaphore_mem>>)
        } else {
        }
      } else {
      }
      %add3A_150 = arith.constant 1 : i32
      %add3A_151 = arith.addi %add3A_141, %add3A_150 : i32
      %lt3A_152 = arith.constant 81 : i32
      %lt3A_153 = arith.cmpi slt, %add3A_151, %lt3A_152 : i32
      %convert_element_type3A_154 = arith.extui %lt3A_153 : i1 to i32
      %cond3A_155 = arith.constant 0 : i32
      %cond3A_156 = arith.cmpi ne, %convert_element_type3A_154, %cond3A_155 : i32
      scf.if %cond3A_156 {
        %add3A_228 = arith.constant 1 : i32
        %add3A_229 = arith.addi %add3A_141, %add3A_228 : i32
        %dma_wait3A_230 = arith.constant 0 : i32
        %dma_wait3A_231 = arith.constant 0 : i32
        %dma_wait3A_232 = tpu.memref_slice %arg3[%add3A, %add3A_229, %dma_wait3A_230, %dma_wait3A_231] : memref<32x81x2x128xi32, #tpu.memory_space<hbm>> -> memref<1x1x2x128xi32, #tpu.memory_space<hbm>>
        %dma_wait3A_233 = tpu.memref_squeeze %dma_wait3A_232 : memref<1x1x2x128xi32, #tpu.memory_space<hbm>> -> memref<2x128xi32, #tpu.memory_space<hbm>>
        %dma_wait3A_234 = arith.constant 0 : i32
        %dma_wait3A_235 = arith.constant 0 : i32
        %dma_wait3A_236 = tpu.memref_slice %arg3[%add3A, %add3A_229, %dma_wait3A_234, %dma_wait3A_235] : memref<32x81x2x128xi32, #tpu.memory_space<hbm>> -> memref<1x1x2x128xi32, #tpu.memory_space<hbm>>
        %dma_wait3A_237 = tpu.memref_squeeze %dma_wait3A_236 : memref<1x1x2x128xi32, #tpu.memory_space<hbm>> -> memref<2x128xi32, #tpu.memory_space<hbm>>
        tpu.wait_dma2 semaphore(%arg19 : memref<!tpu.dma_semaphore, #tpu.memory_space<semaphore_mem>>) src(%dma_wait3A_237 : memref<2x128xi32, #tpu.memory_space<hbm>>) dst(%arg9 : memref<2x128xi32, #tpu.memory_space<vmem>>)
        %dma_start3A_238 = arith.constant 0 : i32
        %dma_start3A_239 = arith.constant 0 : i32
        %dma_start3A_240 = tpu.memref_slice %arg9[%dma_start3A_238, %dma_start3A_239] : memref<2x128xi32, #tpu.memory_space<vmem>> -> memref<1x128xi32, #tpu.memory_space<vmem>>
        %dma_start3A_241 = tpu.memref_squeeze %dma_start3A_240 : memref<1x128xi32, #tpu.memory_space<vmem>> -> memref<128xi32, #tpu.memory_space<vmem>>
        %dma_start3A_242 = arith.constant 0 : i32
        %dma_start3A_243 = arith.constant 0 : i32
        %dma_start3A_244 = tpu.memref_slice %arg2[%dma_start3A_242, %dma_start3A_243] : memref<10240x128xf32, #tpu.memory_space<hbm>> -> memref<10240x128xf32, #tpu.memory_space<hbm>>
        tpu.enqueue_indirect_dma source(%dma_start3A_244 : memref<10240x128xf32, #tpu.memory_space<hbm>>) target(%arg12 : memref<128x128xf32, #tpu.memory_space<vmem>>) offsets(%dma_start3A_241 : memref<128xi32, #tpu.memory_space<vmem>>) semaphore(%arg22 : memref<!tpu.dma_semaphore, #tpu.memory_space<semaphore_mem>>)
      } else {
      }
      %lt3A_157 = arith.constant 81 : i32
      %lt3A_158 = arith.cmpi slt, %add3A_141, %lt3A_157 : i32
      %convert_element_type3A_159 = arith.extui %lt3A_158 : i1 to i32
      %cond3A_160 = arith.constant 0 : i32
      %cond3A_161 = arith.cmpi ne, %convert_element_type3A_159, %cond3A_160 : i32
      scf.if %cond3A_161 {
        %dma_wait3A_228 = arith.constant 0 : i32
        %dma_wait3A_229 = arith.constant 0 : i32
        %dma_wait3A_230 = tpu.memref_slice %arg8[%dma_wait3A_228, %dma_wait3A_229] : memref<2x128xi32, #tpu.memory_space<vmem>> -> memref<1x128xi32, #tpu.memory_space<vmem>>
        %dma_wait3A_231 = tpu.memref_squeeze %dma_wait3A_230 : memref<1x128xi32, #tpu.memory_space<vmem>> -> memref<128xi32, #tpu.memory_space<vmem>>
        %dma_wait3A_232 = arith.constant 0 : i32
        %dma_wait3A_233 = arith.constant 0 : i32
        %dma_wait3A_234 = tpu.memref_slice %arg2[%dma_wait3A_232, %dma_wait3A_233] : memref<10240x128xf32, #tpu.memory_space<hbm>> -> memref<10240x128xf32, #tpu.memory_space<hbm>>
        tpu.wait_indirect_dma semaphore(%arg24 : memref<!tpu.dma_semaphore, #tpu.memory_space<semaphore_mem>>) src(%dma_wait3A_234 : memref<10240x128xf32, #tpu.memory_space<hbm>>) dst(%arg14 : memref<128x128xf32, #tpu.memory_space<vmem>>)
        %dma_start3A_235 = arith.constant 1 : i32
        %dma_start3A_236 = arith.constant 0 : i32
        %dma_start3A_237 = tpu.memref_slice %arg8[%dma_start3A_235, %dma_start3A_236] : memref<2x128xi32, #tpu.memory_space<vmem>> -> memref<1x128xi32, #tpu.memory_space<vmem>>
        %dma_start3A_238 = tpu.memref_squeeze %dma_start3A_237 : memref<1x128xi32, #tpu.memory_space<vmem>> -> memref<128xi32, #tpu.memory_space<vmem>>
        %dma_start3A_239 = arith.constant 0 : i32
        %dma_start3A_240 = arith.constant 0 : i32
        %dma_start3A_241 = tpu.memref_slice %arg15[%dma_start3A_239, %dma_start3A_240] : memref<10016x128xf32, #tpu.memory_space<vmem_shared>> -> memref<10016x128xf32, #tpu.memory_space<vmem_shared>>
        tpu.enqueue_indirect_dma source(%arg14 : memref<128x128xf32, #tpu.memory_space<vmem>>) target(%dma_start3A_241 : memref<10016x128xf32, #tpu.memory_space<vmem_shared>>) offsets(%dma_start3A_238 : memref<128xi32, #tpu.memory_space<vmem>>) semaphore(%arg27 : memref<!tpu.dma_semaphore, #tpu.memory_space<semaphore_mem>>) {add = true}
      } else {
      }
      %add3A_162 = arith.constant 3 : i32
      %add3A_163 = arith.addi %mul3A_98, %add3A_162 : i32
      %ge3A_164 = arith.constant 2 : i32
      %ge3A_165 = arith.cmpi sge, %add3A_163, %ge3A_164 : i32
      %le3A_166 = arith.constant 82 : i32
      %le3A_167 = arith.cmpi sle, %add3A_163, %le3A_166 : i32
      %and3A_168 = arith.andi %ge3A_165, %le3A_167 : i1
      %convert_element_type3A_169 = arith.extui %and3A_168 : i1 to i32
      %cond3A_170 = arith.constant 0 : i32
      %cond3A_171 = arith.cmpi ne, %convert_element_type3A_169, %cond3A_170 : i32
      scf.if %cond3A_171 {
        %dma_wait3A_228 = arith.constant 0 : i32
        %dma_wait3A_229 = arith.constant 0 : i32
        %dma_wait3A_230 = tpu.memref_slice %arg2[%dma_wait3A_228, %dma_wait3A_229] : memref<10240x128xf32, #tpu.memory_space<hbm>> -> memref<128x128xf32, #tpu.memory_space<hbm>>
        %dma_wait3A_231 = arith.constant 0 : i32
        %dma_wait3A_232 = arith.constant 0 : i32
        %dma_wait3A_233 = tpu.memref_slice %arg2[%dma_wait3A_231, %dma_wait3A_232] : memref<10240x128xf32, #tpu.memory_space<hbm>> -> memref<128x128xf32, #tpu.memory_space<hbm>>
        tpu.wait_dma2 semaphore(%arg26 : memref<!tpu.dma_semaphore, #tpu.memory_space<semaphore_mem>>) src(%dma_wait3A_233 : memref<128x128xf32, #tpu.memory_space<hbm>>) dst(%arg13 : memref<128x128xf32, #tpu.memory_space<vmem>>)
        %add3A_234 = arith.constant 4 : i32
        %add3A_235 = arith.addi %add3A_163, %add3A_234 : i32
        %lt3A_236 = arith.constant 81 : i32
        %lt3A_237 = arith.cmpi slt, %add3A_235, %lt3A_236 : i32
        %convert_element_type3A_238 = arith.extui %lt3A_237 : i1 to i32
        %cond3A_239 = arith.constant 0 : i32
        %cond3A_240 = arith.cmpi ne, %convert_element_type3A_238, %cond3A_239 : i32
        scf.if %cond3A_240 {
          %add3A_241 = arith.constant 4 : i32
          %add3A_242 = arith.addi %add3A_163, %add3A_241 : i32
          %dma_start3A_243 = arith.constant 0 : i32
          %dma_start3A_244 = arith.constant 0 : i32
          %dma_start3A_245 = tpu.memref_slice %arg3[%add3A, %add3A_242, %dma_start3A_243, %dma_start3A_244] : memref<32x81x2x128xi32, #tpu.memory_space<hbm>> -> memref<1x1x2x128xi32, #tpu.memory_space<hbm>>
          %dma_start3A_246 = tpu.memref_squeeze %dma_start3A_245 : memref<1x1x2x128xi32, #tpu.memory_space<hbm>> -> memref<2x128xi32, #tpu.memory_space<hbm>>
          %dma_start3A_247 = arith.constant 0 : i32
          %dma_start3A_248 = arith.constant 0 : i32
          %dma_start3A_249 = tpu.memref_slice %arg3[%add3A, %add3A_242, %dma_start3A_247, %dma_start3A_248] : memref<32x81x2x128xi32, #tpu.memory_space<hbm>> -> memref<1x1x2x128xi32, #tpu.memory_space<hbm>>
          %dma_start3A_250 = tpu.memref_squeeze %dma_start3A_249 : memref<1x1x2x128xi32, #tpu.memory_space<hbm>> -> memref<2x128xi32, #tpu.memory_space<hbm>>
          tpu.enqueue_dma source(%dma_start3A_250 : memref<2x128xi32, #tpu.memory_space<hbm>>) target(%arg7 : memref<2x128xi32, #tpu.memory_space<vmem>>) target_semaphore(%arg17 : memref<!tpu.dma_semaphore, #tpu.memory_space<semaphore_mem>>)
        } else {
        }
      } else {
      }
      %add3A_172 = arith.constant 1 : i32
      %add3A_173 = arith.addi %add3A_163, %add3A_172 : i32
      %lt3A_174 = arith.constant 81 : i32
      %lt3A_175 = arith.cmpi slt, %add3A_173, %lt3A_174 : i32
      %convert_element_type3A_176 = arith.extui %lt3A_175 : i1 to i32
      %cond3A_177 = arith.constant 0 : i32
      %cond3A_178 = arith.cmpi ne, %convert_element_type3A_176, %cond3A_177 : i32
      scf.if %cond3A_178 {
        %add3A_228 = arith.constant 1 : i32
        %add3A_229 = arith.addi %add3A_163, %add3A_228 : i32
        %dma_wait3A_230 = arith.constant 0 : i32
        %dma_wait3A_231 = arith.constant 0 : i32
        %dma_wait3A_232 = tpu.memref_slice %arg3[%add3A, %add3A_229, %dma_wait3A_230, %dma_wait3A_231] : memref<32x81x2x128xi32, #tpu.memory_space<hbm>> -> memref<1x1x2x128xi32, #tpu.memory_space<hbm>>
        %dma_wait3A_233 = tpu.memref_squeeze %dma_wait3A_232 : memref<1x1x2x128xi32, #tpu.memory_space<hbm>> -> memref<2x128xi32, #tpu.memory_space<hbm>>
        %dma_wait3A_234 = arith.constant 0 : i32
        %dma_wait3A_235 = arith.constant 0 : i32
        %dma_wait3A_236 = tpu.memref_slice %arg3[%add3A, %add3A_229, %dma_wait3A_234, %dma_wait3A_235] : memref<32x81x2x128xi32, #tpu.memory_space<hbm>> -> memref<1x1x2x128xi32, #tpu.memory_space<hbm>>
        %dma_wait3A_237 = tpu.memref_squeeze %dma_wait3A_236 : memref<1x1x2x128xi32, #tpu.memory_space<hbm>> -> memref<2x128xi32, #tpu.memory_space<hbm>>
        tpu.wait_dma2 semaphore(%arg20 : memref<!tpu.dma_semaphore, #tpu.memory_space<semaphore_mem>>) src(%dma_wait3A_237 : memref<2x128xi32, #tpu.memory_space<hbm>>) dst(%arg10 : memref<2x128xi32, #tpu.memory_space<vmem>>)
        %dma_start3A_238 = arith.constant 0 : i32
        %dma_start3A_239 = arith.constant 0 : i32
        %dma_start3A_240 = tpu.memref_slice %arg10[%dma_start3A_238, %dma_start3A_239] : memref<2x128xi32, #tpu.memory_space<vmem>> -> memref<1x128xi32, #tpu.memory_space<vmem>>
        %dma_start3A_241 = tpu.memref_squeeze %dma_start3A_240 : memref<1x128xi32, #tpu.memory_space<vmem>> -> memref<128xi32, #tpu.memory_space<vmem>>
        %dma_start3A_242 = arith.constant 0 : i32
        %dma_start3A_243 = arith.constant 0 : i32
        %dma_start3A_244 = tpu.memref_slice %arg2[%dma_start3A_242, %dma_start3A_243] : memref<10240x128xf32, #tpu.memory_space<hbm>> -> memref<10240x128xf32, #tpu.memory_space<hbm>>
        tpu.enqueue_indirect_dma source(%dma_start3A_244 : memref<10240x128xf32, #tpu.memory_space<hbm>>) target(%arg13 : memref<128x128xf32, #tpu.memory_space<vmem>>) offsets(%dma_start3A_241 : memref<128xi32, #tpu.memory_space<vmem>>) semaphore(%arg23 : memref<!tpu.dma_semaphore, #tpu.memory_space<semaphore_mem>>)
      } else {
      }
      %lt3A_179 = arith.constant 81 : i32
      %lt3A_180 = arith.cmpi slt, %add3A_163, %lt3A_179 : i32
      %convert_element_type3A_181 = arith.extui %lt3A_180 : i1 to i32
      %cond3A_182 = arith.constant 0 : i32
      %cond3A_183 = arith.cmpi ne, %convert_element_type3A_181, %cond3A_182 : i32
      scf.if %cond3A_183 {
        %dma_wait3A_228 = arith.constant 0 : i32
        %dma_wait3A_229 = arith.constant 0 : i32
        %dma_wait3A_230 = tpu.memref_slice %arg9[%dma_wait3A_228, %dma_wait3A_229] : memref<2x128xi32, #tpu.memory_space<vmem>> -> memref<1x128xi32, #tpu.memory_space<vmem>>
        %dma_wait3A_231 = tpu.memref_squeeze %dma_wait3A_230 : memref<1x128xi32, #tpu.memory_space<vmem>> -> memref<128xi32, #tpu.memory_space<vmem>>
        %dma_wait3A_232 = arith.constant 0 : i32
        %dma_wait3A_233 = arith.constant 0 : i32
        %dma_wait3A_234 = tpu.memref_slice %arg2[%dma_wait3A_232, %dma_wait3A_233] : memref<10240x128xf32, #tpu.memory_space<hbm>> -> memref<10240x128xf32, #tpu.memory_space<hbm>>
        tpu.wait_indirect_dma semaphore(%arg22 : memref<!tpu.dma_semaphore, #tpu.memory_space<semaphore_mem>>) src(%dma_wait3A_234 : memref<10240x128xf32, #tpu.memory_space<hbm>>) dst(%arg12 : memref<128x128xf32, #tpu.memory_space<vmem>>)
        %dma_start3A_235 = arith.constant 1 : i32
        %dma_start3A_236 = arith.constant 0 : i32
        %dma_start3A_237 = tpu.memref_slice %arg9[%dma_start3A_235, %dma_start3A_236] : memref<2x128xi32, #tpu.memory_space<vmem>> -> memref<1x128xi32, #tpu.memory_space<vmem>>
        %dma_start3A_238 = tpu.memref_squeeze %dma_start3A_237 : memref<1x128xi32, #tpu.memory_space<vmem>> -> memref<128xi32, #tpu.memory_space<vmem>>
        %dma_start3A_239 = arith.constant 0 : i32
        %dma_start3A_240 = arith.constant 0 : i32
        %dma_start3A_241 = tpu.memref_slice %arg15[%dma_start3A_239, %dma_start3A_240] : memref<10016x128xf32, #tpu.memory_space<vmem_shared>> -> memref<10016x128xf32, #tpu.memory_space<vmem_shared>>
        tpu.enqueue_indirect_dma source(%arg12 : memref<128x128xf32, #tpu.memory_space<vmem>>) target(%dma_start3A_241 : memref<10016x128xf32, #tpu.memory_space<vmem_shared>>) offsets(%dma_start3A_238 : memref<128xi32, #tpu.memory_space<vmem>>) semaphore(%arg25 : memref<!tpu.dma_semaphore, #tpu.memory_space<semaphore_mem>>) {add = true}
      } else {
      }
      %add3A_184 = arith.constant 4 : i32
      %add3A_185 = arith.addi %mul3A_98, %add3A_184 : i32
      %ge3A_186 = arith.constant 2 : i32
      %ge3A_187 = arith.cmpi sge, %add3A_185, %ge3A_186 : i32
      %le3A_188 = arith.constant 82 : i32
      %le3A_189 = arith.cmpi sle, %add3A_185, %le3A_188 : i32
      %and3A_190 = arith.andi %ge3A_187, %le3A_189 : i1
      %convert_element_type3A_191 = arith.extui %and3A_190 : i1 to i32
      %cond3A_192 = arith.constant 0 : i32
      %cond3A_193 = arith.cmpi ne, %convert_element_type3A_191, %cond3A_192 : i32
      scf.if %cond3A_193 {
        %dma_wait3A_228 = arith.constant 0 : i32
        %dma_wait3A_229 = arith.constant 0 : i32
        %dma_wait3A_230 = tpu.memref_slice %arg2[%dma_wait3A_228, %dma_wait3A_229] : memref<10240x128xf32, #tpu.memory_space<hbm>> -> memref<128x128xf32, #tpu.memory_space<hbm>>
        %dma_wait3A_231 = arith.constant 0 : i32
        %dma_wait3A_232 = arith.constant 0 : i32
        %dma_wait3A_233 = tpu.memref_slice %arg2[%dma_wait3A_231, %dma_wait3A_232] : memref<10240x128xf32, #tpu.memory_space<hbm>> -> memref<128x128xf32, #tpu.memory_space<hbm>>
        tpu.wait_dma2 semaphore(%arg27 : memref<!tpu.dma_semaphore, #tpu.memory_space<semaphore_mem>>) src(%dma_wait3A_233 : memref<128x128xf32, #tpu.memory_space<hbm>>) dst(%arg14 : memref<128x128xf32, #tpu.memory_space<vmem>>)
        %add3A_234 = arith.constant 4 : i32
        %add3A_235 = arith.addi %add3A_185, %add3A_234 : i32
        %lt3A_236 = arith.constant 81 : i32
        %lt3A_237 = arith.cmpi slt, %add3A_235, %lt3A_236 : i32
        %convert_element_type3A_238 = arith.extui %lt3A_237 : i1 to i32
        %cond3A_239 = arith.constant 0 : i32
        %cond3A_240 = arith.cmpi ne, %convert_element_type3A_238, %cond3A_239 : i32
        scf.if %cond3A_240 {
          %add3A_241 = arith.constant 4 : i32
          %add3A_242 = arith.addi %add3A_185, %add3A_241 : i32
          %dma_start3A_243 = arith.constant 0 : i32
          %dma_start3A_244 = arith.constant 0 : i32
          %dma_start3A_245 = tpu.memref_slice %arg3[%add3A, %add3A_242, %dma_start3A_243, %dma_start3A_244] : memref<32x81x2x128xi32, #tpu.memory_space<hbm>> -> memref<1x1x2x128xi32, #tpu.memory_space<hbm>>
          %dma_start3A_246 = tpu.memref_squeeze %dma_start3A_245 : memref<1x1x2x128xi32, #tpu.memory_space<hbm>> -> memref<2x128xi32, #tpu.memory_space<hbm>>
          %dma_start3A_247 = arith.constant 0 : i32
          %dma_start3A_248 = arith.constant 0 : i32
          %dma_start3A_249 = tpu.memref_slice %arg3[%add3A, %add3A_242, %dma_start3A_247, %dma_start3A_248] : memref<32x81x2x128xi32, #tpu.memory_space<hbm>> -> memref<1x1x2x128xi32, #tpu.memory_space<hbm>>
          %dma_start3A_250 = tpu.memref_squeeze %dma_start3A_249 : memref<1x1x2x128xi32, #tpu.memory_space<hbm>> -> memref<2x128xi32, #tpu.memory_space<hbm>>
          tpu.enqueue_dma source(%dma_start3A_250 : memref<2x128xi32, #tpu.memory_space<hbm>>) target(%arg8 : memref<2x128xi32, #tpu.memory_space<vmem>>) target_semaphore(%arg18 : memref<!tpu.dma_semaphore, #tpu.memory_space<semaphore_mem>>)
        } else {
        }
      } else {
      }
      %add3A_194 = arith.constant 1 : i32
      %add3A_195 = arith.addi %add3A_185, %add3A_194 : i32
      %lt3A_196 = arith.constant 81 : i32
      %lt3A_197 = arith.cmpi slt, %add3A_195, %lt3A_196 : i32
      %convert_element_type3A_198 = arith.extui %lt3A_197 : i1 to i32
      %cond3A_199 = arith.constant 0 : i32
      %cond3A_200 = arith.cmpi ne, %convert_element_type3A_198, %cond3A_199 : i32
      scf.if %cond3A_200 {
        %add3A_228 = arith.constant 1 : i32
        %add3A_229 = arith.addi %add3A_185, %add3A_228 : i32
        %dma_wait3A_230 = arith.constant 0 : i32
        %dma_wait3A_231 = arith.constant 0 : i32
        %dma_wait3A_232 = tpu.memref_slice %arg3[%add3A, %add3A_229, %dma_wait3A_230, %dma_wait3A_231] : memref<32x81x2x128xi32, #tpu.memory_space<hbm>> -> memref<1x1x2x128xi32, #tpu.memory_space<hbm>>
        %dma_wait3A_233 = tpu.memref_squeeze %dma_wait3A_232 : memref<1x1x2x128xi32, #tpu.memory_space<hbm>> -> memref<2x128xi32, #tpu.memory_space<hbm>>
        %dma_wait3A_234 = arith.constant 0 : i32
        %dma_wait3A_235 = arith.constant 0 : i32
        %dma_wait3A_236 = tpu.memref_slice %arg3[%add3A, %add3A_229, %dma_wait3A_234, %dma_wait3A_235] : memref<32x81x2x128xi32, #tpu.memory_space<hbm>> -> memref<1x1x2x128xi32, #tpu.memory_space<hbm>>
        %dma_wait3A_237 = tpu.memref_squeeze %dma_wait3A_236 : memref<1x1x2x128xi32, #tpu.memory_space<hbm>> -> memref<2x128xi32, #tpu.memory_space<hbm>>
        tpu.wait_dma2 semaphore(%arg21 : memref<!tpu.dma_semaphore, #tpu.memory_space<semaphore_mem>>) src(%dma_wait3A_237 : memref<2x128xi32, #tpu.memory_space<hbm>>) dst(%arg11 : memref<2x128xi32, #tpu.memory_space<vmem>>)
        %dma_start3A_238 = arith.constant 0 : i32
        %dma_start3A_239 = arith.constant 0 : i32
        %dma_start3A_240 = tpu.memref_slice %arg11[%dma_start3A_238, %dma_start3A_239] : memref<2x128xi32, #tpu.memory_space<vmem>> -> memref<1x128xi32, #tpu.memory_space<vmem>>
        %dma_start3A_241 = tpu.memref_squeeze %dma_start3A_240 : memref<1x128xi32, #tpu.memory_space<vmem>> -> memref<128xi32, #tpu.memory_space<vmem>>
        %dma_start3A_242 = arith.constant 0 : i32
        %dma_start3A_243 = arith.constant 0 : i32
        %dma_start3A_244 = tpu.memref_slice %arg2[%dma_start3A_242, %dma_start3A_243] : memref<10240x128xf32, #tpu.memory_space<hbm>> -> memref<10240x128xf32, #tpu.memory_space<hbm>>
        tpu.enqueue_indirect_dma source(%dma_start3A_244 : memref<10240x128xf32, #tpu.memory_space<hbm>>) target(%arg14 : memref<128x128xf32, #tpu.memory_space<vmem>>) offsets(%dma_start3A_241 : memref<128xi32, #tpu.memory_space<vmem>>) semaphore(%arg24 : memref<!tpu.dma_semaphore, #tpu.memory_space<semaphore_mem>>)
      } else {
      }
      %lt3A_201 = arith.constant 81 : i32
      %lt3A_202 = arith.cmpi slt, %add3A_185, %lt3A_201 : i32
      %convert_element_type3A_203 = arith.extui %lt3A_202 : i1 to i32
      %cond3A_204 = arith.constant 0 : i32
      %cond3A_205 = arith.cmpi ne, %convert_element_type3A_203, %cond3A_204 : i32
      scf.if %cond3A_205 {
        %dma_wait3A_228 = arith.constant 0 : i32
        %dma_wait3A_229 = arith.constant 0 : i32
        %dma_wait3A_230 = tpu.memref_slice %arg10[%dma_wait3A_228, %dma_wait3A_229] : memref<2x128xi32, #tpu.memory_space<vmem>> -> memref<1x128xi32, #tpu.memory_space<vmem>>
        %dma_wait3A_231 = tpu.memref_squeeze %dma_wait3A_230 : memref<1x128xi32, #tpu.memory_space<vmem>> -> memref<128xi32, #tpu.memory_space<vmem>>
        %dma_wait3A_232 = arith.constant 0 : i32
        %dma_wait3A_233 = arith.constant 0 : i32
        %dma_wait3A_234 = tpu.memref_slice %arg2[%dma_wait3A_232, %dma_wait3A_233] : memref<10240x128xf32, #tpu.memory_space<hbm>> -> memref<10240x128xf32, #tpu.memory_space<hbm>>
        tpu.wait_indirect_dma semaphore(%arg23 : memref<!tpu.dma_semaphore, #tpu.memory_space<semaphore_mem>>) src(%dma_wait3A_234 : memref<10240x128xf32, #tpu.memory_space<hbm>>) dst(%arg13 : memref<128x128xf32, #tpu.memory_space<vmem>>)
        %dma_start3A_235 = arith.constant 1 : i32
        %dma_start3A_236 = arith.constant 0 : i32
        %dma_start3A_237 = tpu.memref_slice %arg10[%dma_start3A_235, %dma_start3A_236] : memref<2x128xi32, #tpu.memory_space<vmem>> -> memref<1x128xi32, #tpu.memory_space<vmem>>
        %dma_start3A_238 = tpu.memref_squeeze %dma_start3A_237 : memref<1x128xi32, #tpu.memory_space<vmem>> -> memref<128xi32, #tpu.memory_space<vmem>>
        %dma_start3A_239 = arith.constant 0 : i32
        %dma_start3A_240 = arith.constant 0 : i32
        %dma_start3A_241 = tpu.memref_slice %arg15[%dma_start3A_239, %dma_start3A_240] : memref<10016x128xf32, #tpu.memory_space<vmem_shared>> -> memref<10016x128xf32, #tpu.memory_space<vmem_shared>>
        tpu.enqueue_indirect_dma source(%arg13 : memref<128x128xf32, #tpu.memory_space<vmem>>) target(%dma_start3A_241 : memref<10016x128xf32, #tpu.memory_space<vmem_shared>>) offsets(%dma_start3A_238 : memref<128xi32, #tpu.memory_space<vmem>>) semaphore(%arg26 : memref<!tpu.dma_semaphore, #tpu.memory_space<semaphore_mem>>) {add = true}
      } else {
      }
      %add3A_206 = arith.constant 5 : i32
      %add3A_207 = arith.addi %mul3A_98, %add3A_206 : i32
      %ge3A_208 = arith.constant 2 : i32
      %ge3A_209 = arith.cmpi sge, %add3A_207, %ge3A_208 : i32
      %le3A_210 = arith.constant 82 : i32
      %le3A_211 = arith.cmpi sle, %add3A_207, %le3A_210 : i32
      %and3A_212 = arith.andi %ge3A_209, %le3A_211 : i1
      %convert_element_type3A_213 = arith.extui %and3A_212 : i1 to i32
      %cond3A_214 = arith.constant 0 : i32
      %cond3A_215 = arith.cmpi ne, %convert_element_type3A_213, %cond3A_214 : i32
      scf.if %cond3A_215 {
        %dma_wait3A_228 = arith.constant 0 : i32
        %dma_wait3A_229 = arith.constant 0 : i32
        %dma_wait3A_230 = tpu.memref_slice %arg2[%dma_wait3A_228, %dma_wait3A_229] : memref<10240x128xf32, #tpu.memory_space<hbm>> -> memref<128x128xf32, #tpu.memory_space<hbm>>
        %dma_wait3A_231 = arith.constant 0 : i32
        %dma_wait3A_232 = arith.constant 0 : i32
        %dma_wait3A_233 = tpu.memref_slice %arg2[%dma_wait3A_231, %dma_wait3A_232] : memref<10240x128xf32, #tpu.memory_space<hbm>> -> memref<128x128xf32, #tpu.memory_space<hbm>>
        tpu.wait_dma2 semaphore(%arg25 : memref<!tpu.dma_semaphore, #tpu.memory_space<semaphore_mem>>) src(%dma_wait3A_233 : memref<128x128xf32, #tpu.memory_space<hbm>>) dst(%arg12 : memref<128x128xf32, #tpu.memory_space<vmem>>)
        %add3A_234 = arith.constant 4 : i32
        %add3A_235 = arith.addi %add3A_207, %add3A_234 : i32
        %lt3A_236 = arith.constant 81 : i32
        %lt3A_237 = arith.cmpi slt, %add3A_235, %lt3A_236 : i32
        %convert_element_type3A_238 = arith.extui %lt3A_237 : i1 to i32
        %cond3A_239 = arith.constant 0 : i32
        %cond3A_240 = arith.cmpi ne, %convert_element_type3A_238, %cond3A_239 : i32
        scf.if %cond3A_240 {
          %add3A_241 = arith.constant 4 : i32
          %add3A_242 = arith.addi %add3A_207, %add3A_241 : i32
          %dma_start3A_243 = arith.constant 0 : i32
          %dma_start3A_244 = arith.constant 0 : i32
          %dma_start3A_245 = tpu.memref_slice %arg3[%add3A, %add3A_242, %dma_start3A_243, %dma_start3A_244] : memref<32x81x2x128xi32, #tpu.memory_space<hbm>> -> memref<1x1x2x128xi32, #tpu.memory_space<hbm>>
          %dma_start3A_246 = tpu.memref_squeeze %dma_start3A_245 : memref<1x1x2x128xi32, #tpu.memory_space<hbm>> -> memref<2x128xi32, #tpu.memory_space<hbm>>
          %dma_start3A_247 = arith.constant 0 : i32
          %dma_start3A_248 = arith.constant 0 : i32
          %dma_start3A_249 = tpu.memref_slice %arg3[%add3A, %add3A_242, %dma_start3A_247, %dma_start3A_248] : memref<32x81x2x128xi32, #tpu.memory_space<hbm>> -> memref<1x1x2x128xi32, #tpu.memory_space<hbm>>
          %dma_start3A_250 = tpu.memref_squeeze %dma_start3A_249 : memref<1x1x2x128xi32, #tpu.memory_space<hbm>> -> memref<2x128xi32, #tpu.memory_space<hbm>>
          tpu.enqueue_dma source(%dma_start3A_250 : memref<2x128xi32, #tpu.memory_space<hbm>>) target(%arg9 : memref<2x128xi32, #tpu.memory_space<vmem>>) target_semaphore(%arg19 : memref<!tpu.dma_semaphore, #tpu.memory_space<semaphore_mem>>)
        } else {
        }
      } else {
      }
      %add3A_216 = arith.constant 1 : i32
      %add3A_217 = arith.addi %add3A_207, %add3A_216 : i32
      %lt3A_218 = arith.constant 81 : i32
      %lt3A_219 = arith.cmpi slt, %add3A_217, %lt3A_218 : i32
      %convert_element_type3A_220 = arith.extui %lt3A_219 : i1 to i32
      %cond3A_221 = arith.constant 0 : i32
      %cond3A_222 = arith.cmpi ne, %convert_element_type3A_220, %cond3A_221 : i32
      scf.if %cond3A_222 {
        %add3A_228 = arith.constant 1 : i32
        %add3A_229 = arith.addi %add3A_207, %add3A_228 : i32
        %dma_wait3A_230 = arith.constant 0 : i32
        %dma_wait3A_231 = arith.constant 0 : i32
        %dma_wait3A_232 = tpu.memref_slice %arg3[%add3A, %add3A_229, %dma_wait3A_230, %dma_wait3A_231] : memref<32x81x2x128xi32, #tpu.memory_space<hbm>> -> memref<1x1x2x128xi32, #tpu.memory_space<hbm>>
        %dma_wait3A_233 = tpu.memref_squeeze %dma_wait3A_232 : memref<1x1x2x128xi32, #tpu.memory_space<hbm>> -> memref<2x128xi32, #tpu.memory_space<hbm>>
        %dma_wait3A_234 = arith.constant 0 : i32
        %dma_wait3A_235 = arith.constant 0 : i32
        %dma_wait3A_236 = tpu.memref_slice %arg3[%add3A, %add3A_229, %dma_wait3A_234, %dma_wait3A_235] : memref<32x81x2x128xi32, #tpu.memory_space<hbm>> -> memref<1x1x2x128xi32, #tpu.memory_space<hbm>>
        %dma_wait3A_237 = tpu.memref_squeeze %dma_wait3A_236 : memref<1x1x2x128xi32, #tpu.memory_space<hbm>> -> memref<2x128xi32, #tpu.memory_space<hbm>>
        tpu.wait_dma2 semaphore(%arg16 : memref<!tpu.dma_semaphore, #tpu.memory_space<semaphore_mem>>) src(%dma_wait3A_237 : memref<2x128xi32, #tpu.memory_space<hbm>>) dst(%arg6 : memref<2x128xi32, #tpu.memory_space<vmem>>)
        %dma_start3A_238 = arith.constant 0 : i32
        %dma_start3A_239 = arith.constant 0 : i32
        %dma_start3A_240 = tpu.memref_slice %arg6[%dma_start3A_238, %dma_start3A_239] : memref<2x128xi32, #tpu.memory_space<vmem>> -> memref<1x128xi32, #tpu.memory_space<vmem>>
        %dma_start3A_241 = tpu.memref_squeeze %dma_start3A_240 : memref<1x128xi32, #tpu.memory_space<vmem>> -> memref<128xi32, #tpu.memory_space<vmem>>
        %dma_start3A_242 = arith.constant 0 : i32
        %dma_start3A_243 = arith.constant 0 : i32
        %dma_start3A_244 = tpu.memref_slice %arg2[%dma_start3A_242, %dma_start3A_243] : memref<10240x128xf32, #tpu.memory_space<hbm>> -> memref<10240x128xf32, #tpu.memory_space<hbm>>
        tpu.enqueue_indirect_dma source(%dma_start3A_244 : memref<10240x128xf32, #tpu.memory_space<hbm>>) target(%arg12 : memref<128x128xf32, #tpu.memory_space<vmem>>) offsets(%dma_start3A_241 : memref<128xi32, #tpu.memory_space<vmem>>) semaphore(%arg22 : memref<!tpu.dma_semaphore, #tpu.memory_space<semaphore_mem>>)
      } else {
      }
      %lt3A_223 = arith.constant 81 : i32
      %lt3A_224 = arith.cmpi slt, %add3A_207, %lt3A_223 : i32
      %convert_element_type3A_225 = arith.extui %lt3A_224 : i1 to i32
      %cond3A_226 = arith.constant 0 : i32
      %cond3A_227 = arith.cmpi ne, %convert_element_type3A_225, %cond3A_226 : i32
      scf.if %cond3A_227 {
        %dma_wait3A_228 = arith.constant 0 : i32
        %dma_wait3A_229 = arith.constant 0 : i32
        %dma_wait3A_230 = tpu.memref_slice %arg11[%dma_wait3A_228, %dma_wait3A_229] : memref<2x128xi32, #tpu.memory_space<vmem>> -> memref<1x128xi32, #tpu.memory_space<vmem>>
        %dma_wait3A_231 = tpu.memref_squeeze %dma_wait3A_230 : memref<1x128xi32, #tpu.memory_space<vmem>> -> memref<128xi32, #tpu.memory_space<vmem>>
        %dma_wait3A_232 = arith.constant 0 : i32
        %dma_wait3A_233 = arith.constant 0 : i32
        %dma_wait3A_234 = tpu.memref_slice %arg2[%dma_wait3A_232, %dma_wait3A_233] : memref<10240x128xf32, #tpu.memory_space<hbm>> -> memref<10240x128xf32, #tpu.memory_space<hbm>>
        tpu.wait_indirect_dma semaphore(%arg24 : memref<!tpu.dma_semaphore, #tpu.memory_space<semaphore_mem>>) src(%dma_wait3A_234 : memref<10240x128xf32, #tpu.memory_space<hbm>>) dst(%arg14 : memref<128x128xf32, #tpu.memory_space<vmem>>)
        %dma_start3A_235 = arith.constant 1 : i32
        %dma_start3A_236 = arith.constant 0 : i32
        %dma_start3A_237 = tpu.memref_slice %arg11[%dma_start3A_235, %dma_start3A_236] : memref<2x128xi32, #tpu.memory_space<vmem>> -> memref<1x128xi32, #tpu.memory_space<vmem>>
        %dma_start3A_238 = tpu.memref_squeeze %dma_start3A_237 : memref<1x128xi32, #tpu.memory_space<vmem>> -> memref<128xi32, #tpu.memory_space<vmem>>
        %dma_start3A_239 = arith.constant 0 : i32
        %dma_start3A_240 = arith.constant 0 : i32
        %dma_start3A_241 = tpu.memref_slice %arg15[%dma_start3A_239, %dma_start3A_240] : memref<10016x128xf32, #tpu.memory_space<vmem_shared>> -> memref<10016x128xf32, #tpu.memory_space<vmem_shared>>
        tpu.enqueue_indirect_dma source(%arg14 : memref<128x128xf32, #tpu.memory_space<vmem>>) target(%dma_start3A_241 : memref<10016x128xf32, #tpu.memory_space<vmem_shared>>) offsets(%dma_start3A_238 : memref<128xi32, #tpu.memory_space<vmem>>) semaphore(%arg27 : memref<!tpu.dma_semaphore, #tpu.memory_space<semaphore_mem>>) {add = true}
      } else {
      }
    }
    %scan3A_79 = arith.constant 14 : i32
    %barrier3A_80 = arith.constant 0 : index
    tpu.barrier barrier_id(%barrier3A_80)
    %lt3A_81 = arith.constant 15 : i32
    %lt3A_82 = arith.cmpi slt, %arg1, %lt3A_81 : i32
    %convert_element_type3A_83 = arith.extui %lt3A_82 : i1 to i32
    %cond3A_84 = arith.constant 0 : i32
    %cond3A_85 = arith.cmpi ne, %convert_element_type3A_83, %cond3A_84 : i32
    scf.if %cond3A_85 {
      %mul3A_96 = arith.constant 632 : i32
      %mul3A_97 = arith.muli %arg1, %mul3A_96 : i32
      "tpu.region"() ({
        %run_scoped3A = tpu.sem_alloc : memref<!tpu.dma_semaphore, #tpu.memory_space<semaphore_mem>>
        %dma_start3A_98 = arith.constant 0 : i32
        %dma_start3A_99 = tpu.memref_slice %arg5[%arg0, %mul3A_97, %dma_start3A_98] : memref<2x10240x128xf32, #tpu.memory_space<hbm>> -> memref<1x632x128xf32, #tpu.memory_space<hbm>>
        %dma_start3A_100 = tpu.memref_squeeze %dma_start3A_99 : memref<1x632x128xf32, #tpu.memory_space<hbm>> -> memref<632x128xf32, #tpu.memory_space<hbm>>
        %dma_start3A_101 = arith.constant 0 : i32
        %dma_start3A_102 = tpu.memref_slice %arg15[%mul3A_97, %dma_start3A_101] : memref<10016x128xf32, #tpu.memory_space<vmem_shared>> -> memref<632x128xf32, #tpu.memory_space<vmem_shared>>
        tpu.enqueue_dma source(%dma_start3A_102 : memref<632x128xf32, #tpu.memory_space<vmem_shared>>) target(%dma_start3A_100 : memref<632x128xf32, #tpu.memory_space<hbm>>) target_semaphore(%run_scoped3A : memref<!tpu.dma_semaphore, #tpu.memory_space<semaphore_mem>>)
        %dma_wait3A_103 = arith.constant 0 : i32
        %dma_wait3A_104 = tpu.memref_slice %arg5[%arg0, %mul3A_97, %dma_wait3A_103] : memref<2x10240x128xf32, #tpu.memory_space<hbm>> -> memref<1x632x128xf32, #tpu.memory_space<hbm>>
        %dma_wait3A_105 = tpu.memref_squeeze %dma_wait3A_104 : memref<1x632x128xf32, #tpu.memory_space<hbm>> -> memref<632x128xf32, #tpu.memory_space<hbm>>
        %dma_wait3A_106 = arith.constant 0 : i32
        %dma_wait3A_107 = tpu.memref_slice %arg15[%mul3A_97, %dma_wait3A_106] : memref<10016x128xf32, #tpu.memory_space<vmem_shared>> -> memref<632x128xf32, #tpu.memory_space<vmem_shared>>
        tpu.wait_dma2 semaphore(%run_scoped3A : memref<!tpu.dma_semaphore, #tpu.memory_space<semaphore_mem>>) src(%dma_wait3A_107 : memref<632x128xf32, #tpu.memory_space<vmem_shared>>) dst(%dma_wait3A_105 : memref<632x128xf32, #tpu.memory_space<hbm>>)
        tpu.yield
      }) : () -> ()
    } else {
    }
    %eq3A_86 = arith.constant 15 : i32
    %eq3A_87 = arith.cmpi eq, %arg1, %eq3A_86 : i32
    %convert_element_type3A_88 = arith.extui %eq3A_87 : i1 to i32
    %cond3A_89 = arith.constant 0 : i32
    %cond3A_90 = arith.cmpi ne, %convert_element_type3A_88, %cond3A_89 : i32
    scf.if %cond3A_90 {
      "tpu.region"() ({
        %run_scoped3A = tpu.sem_alloc : memref<!tpu.dma_semaphore, #tpu.memory_space<semaphore_mem>>
        %dma_start3A_96 = arith.constant 9480 : i32
        %dma_start3A_97 = arith.constant 0 : i32
        %dma_start3A_98 = tpu.memref_slice %arg5[%arg0, %dma_start3A_96, %dma_start3A_97] : memref<2x10240x128xf32, #tpu.memory_space<hbm>> -> memref<1x536x128xf32, #tpu.memory_space<hbm>>
        %dma_start3A_99 = tpu.memref_squeeze %dma_start3A_98 : memref<1x536x128xf32, #tpu.memory_space<hbm>> -> memref<536x128xf32, #tpu.memory_space<hbm>>
        %dma_start3A_100 = arith.constant 9480 : i32
        %dma_start3A_101 = arith.constant 0 : i32
        %dma_start3A_102 = tpu.memref_slice %arg15[%dma_start3A_100, %dma_start3A_101] : memref<10016x128xf32, #tpu.memory_space<vmem_shared>> -> memref<536x128xf32, #tpu.memory_space<vmem_shared>>
        tpu.enqueue_dma source(%dma_start3A_102 : memref<536x128xf32, #tpu.memory_space<vmem_shared>>) target(%dma_start3A_99 : memref<536x128xf32, #tpu.memory_space<hbm>>) target_semaphore(%run_scoped3A : memref<!tpu.dma_semaphore, #tpu.memory_space<semaphore_mem>>)
        %dma_wait3A_103 = arith.constant 9480 : i32
        %dma_wait3A_104 = arith.constant 0 : i32
        %dma_wait3A_105 = tpu.memref_slice %arg5[%arg0, %dma_wait3A_103, %dma_wait3A_104] : memref<2x10240x128xf32, #tpu.memory_space<hbm>> -> memref<1x536x128xf32, #tpu.memory_space<hbm>>
        %dma_wait3A_106 = tpu.memref_squeeze %dma_wait3A_105 : memref<1x536x128xf32, #tpu.memory_space<hbm>> -> memref<536x128xf32, #tpu.memory_space<hbm>>
        %dma_wait3A_107 = arith.constant 9480 : i32
        %dma_wait3A_108 = arith.constant 0 : i32
        %dma_wait3A_109 = tpu.memref_slice %arg15[%dma_wait3A_107, %dma_wait3A_108] : memref<10016x128xf32, #tpu.memory_space<vmem_shared>> -> memref<536x128xf32, #tpu.memory_space<vmem_shared>>
        tpu.wait_dma2 semaphore(%run_scoped3A : memref<!tpu.dma_semaphore, #tpu.memory_space<semaphore_mem>>) src(%dma_wait3A_109 : memref<536x128xf32, #tpu.memory_space<vmem_shared>>) dst(%dma_wait3A_106 : memref<536x128xf32, #tpu.memory_space<hbm>>)
        tpu.yield
      }) : () -> ()
    } else {
    }
    %eq3A_91 = arith.constant 15 : i32
    %eq3A_92 = arith.cmpi eq, %arg1, %eq3A_91 : i32
    %convert_element_type3A_93 = arith.extui %eq3A_92 : i1 to i32
    %cond3A_94 = arith.constant 0 : i32
    %cond3A_95 = arith.cmpi ne, %convert_element_type3A_93, %cond3A_94 : i32
    scf.if %cond3A_95 {
      "tpu.region"() ({
        %run_scoped3A = tpu.sem_alloc : memref<!tpu.dma_semaphore, #tpu.memory_space<semaphore_mem>>
        %dma_start3A_96 = arith.constant 10016 : i32
        %dma_start3A_97 = arith.constant 0 : i32
        %dma_start3A_98 = tpu.memref_slice %arg5[%arg0, %dma_start3A_96, %dma_start3A_97] : memref<2x10240x128xf32, #tpu.memory_space<hbm>> -> memref<1x224x128xf32, #tpu.memory_space<hbm>>
        %dma_start3A_99 = tpu.memref_squeeze %dma_start3A_98 : memref<1x224x128xf32, #tpu.memory_space<hbm>> -> memref<224x128xf32, #tpu.memory_space<hbm>>
        %dma_start3A_100 = arith.constant 10016 : i32
        %dma_start3A_101 = arith.constant 0 : i32
        %dma_start3A_102 = tpu.memref_slice %arg4[%dma_start3A_100, %dma_start3A_101] : memref<10240x128xf32, #tpu.memory_space<hbm>> -> memref<224x128xf32, #tpu.memory_space<hbm>>
        tpu.enqueue_dma source(%dma_start3A_102 : memref<224x128xf32, #tpu.memory_space<hbm>>) target(%dma_start3A_99 : memref<224x128xf32, #tpu.memory_space<hbm>>) target_semaphore(%run_scoped3A : memref<!tpu.dma_semaphore, #tpu.memory_space<semaphore_mem>>)
        %dma_wait3A_103 = arith.constant 10016 : i32
        %dma_wait3A_104 = arith.constant 0 : i32
        %dma_wait3A_105 = tpu.memref_slice %arg5[%arg0, %dma_wait3A_103, %dma_wait3A_104] : memref<2x10240x128xf32, #tpu.memory_space<hbm>> -> memref<1x224x128xf32, #tpu.memory_space<hbm>>
        %dma_wait3A_106 = tpu.memref_squeeze %dma_wait3A_105 : memref<1x224x128xf32, #tpu.memory_space<hbm>> -> memref<224x128xf32, #tpu.memory_space<hbm>>
        %dma_wait3A_107 = arith.constant 10016 : i32
        %dma_wait3A_108 = arith.constant 0 : i32
        %dma_wait3A_109 = tpu.memref_slice %arg4[%dma_wait3A_107, %dma_wait3A_108] : memref<10240x128xf32, #tpu.memory_space<hbm>> -> memref<224x128xf32, #tpu.memory_space<hbm>>
        tpu.wait_dma2 semaphore(%run_scoped3A : memref<!tpu.dma_semaphore, #tpu.memory_space<semaphore_mem>>) src(%dma_wait3A_109 : memref<224x128xf32, #tpu.memory_space<hbm>>) dst(%dma_wait3A_106 : memref<224x128xf32, #tpu.memory_space<hbm>>)
        tpu.yield
      }) : () -> ()
    } else {
    }
    return
  }
}

module attributes {stable_mosaic.version = 14 : i64} {
  func.func @_t1_body(%arg0: i32, %arg1: memref<2x1x1x2048xf32, #tpu.memory_space<vmem>>, %arg2: memref<2048x128xf32, #tpu.memory_space<vmem>>, %arg3: memref<2048x128xf32, #tpu.memory_space<vmem>>, %arg4: memref<2048x1xf32, #tpu.memory_space<vmem>>) attributes {dimension_semantics = [#tpu.dimension_semantics<arbitrary>], iteration_bounds = array<i64: 5>, scalar_prefetch = 0 : i64, scratch_operands = 0 : i64, tpu.core_type = #tpu.core_type<tc>, window_params = [{transform_indices = @transform_0, window_bounds = array<i64: 2, 1, 1, 2048>}, {transform_indices = @transform_1, window_bounds = array<i64: 2048, 128>}, {transform_indices = @transform_2, window_bounds = array<i64: 2048, 128>}, {transform_indices = @transform_3, window_bounds = array<i64: 2048, 1>}]} {
    %get3A = arith.constant 0 : index
    %get3A_0 = arith.constant 0 : index
    %get3A_1 = arith.constant 0 : index
    %get3A_2 = arith.constant 0 : index
    %get3A_3 = vector.load %arg1[%get3A, %get3A_0, %get3A_1, %get3A_2] : memref<2x1x1x2048xf32, #tpu.memory_space<vmem>>, vector<1x1x1x2048xf32>
    %get3A_4 = vector.shape_cast %get3A_3 : vector<1x1x1x2048xf32> to vector<1x2048xf32>
    %get3A_5 = arith.constant 1 : index
    %get3A_6 = arith.constant 0 : index
    %get3A_7 = arith.constant 0 : index
    %get3A_8 = arith.constant 0 : index
    %get3A_9 = vector.load %arg1[%get3A_5, %get3A_6, %get3A_7, %get3A_8] : memref<2x1x1x2048xf32, #tpu.memory_space<vmem>>, vector<1x1x1x2048xf32>
    %get3A_10 = vector.shape_cast %get3A_9 : vector<1x1x1x2048xf32> to vector<1x2048xf32>
    %add3A = arith.addf %get3A_4, %get3A_10 : vector<1x2048xf32>
    %gt3A = arith.constant 0.000000e+00 : f32
    %gt3A_11 = vector.broadcast %gt3A : f32 to vector<1x2048xf32>
    %gt3A_12 = arith.cmpf ogt, %add3A, %gt3A_11 : vector<1x2048xf32>
    %rsqrt3A = math.rsqrt %add3A : vector<1x2048xf32>
    %jit3A = arith.constant 0.000000e+00 : f32
    %broadcast_in_dim3A = vector.broadcast %jit3A : f32 to vector<1x2048xf32>
    %select_n3A = arith.select %gt3A_12, %rsqrt3A, %broadcast_in_dim3A : vector<1x2048xi1>, vector<1x2048xf32>
    %reshape3A = vector.shape_cast %select_n3A : vector<1x2048xf32> to vector<2048x1xf32>
    %swap3A = arith.constant 0 : index
    %swap3A_13 = arith.constant 0 : index
    %swap3A_14 = vector.load %arg4[%swap3A, %swap3A_13] : memref<2048x1xf32, #tpu.memory_space<vmem>>, vector<2048x1xf32>
    tpu.vector_store %arg4[%swap3A, %swap3A_13], %reshape3A {strides = array<i32>} : memref<2048x1xf32, #tpu.memory_space<vmem>>, vector<2048x1xf32>,
    %get3A_15 = arith.constant 0 : index
    %get3A_16 = arith.constant 0 : index
    %get3A_17 = vector.load %arg2[%get3A_15, %get3A_16] : memref<2048x128xf32, #tpu.memory_space<vmem>>, vector<2048x128xf32>
    %mul3A = vector.broadcast %reshape3A : vector<2048x1xf32> to vector<2048x128xf32>
    %mul3A_18 = arith.mulf %get3A_17, %mul3A : vector<2048x128xf32>
    %swap3A_19 = arith.constant 0 : index
    %swap3A_20 = arith.constant 0 : index
    %swap3A_21 = vector.load %arg3[%swap3A_19, %swap3A_20] : memref<2048x128xf32, #tpu.memory_space<vmem>>, vector<2048x128xf32>
    tpu.vector_store %arg3[%swap3A_19, %swap3A_20], %mul3A_18 {strides = array<i32>} : memref<2048x128xf32, #tpu.memory_space<vmem>>, vector<2048x128xf32>,
    return
  }
  func.func @transform_0(%arg0: i32) -> (i32, i32, i32, i32) {
    %c0_i32 = arith.constant 0 : i32
    %c0_i32_0 = arith.constant 0 : i32
    %c0_i32_1 = arith.constant 0 : i32
    %c0_i32_2 = arith.constant 0 : i32
    return %c0_i32, %arg0, %c0_i32_0, %c0_i32_1 : i32, i32, i32, i32
  }
  func.func @transform_1(%arg0: i32) -> (i32, i32) {
    %c0_i32 = arith.constant 0 : i32
    %c0_i32_0 = arith.constant 0 : i32
    return %arg0, %c0_i32 : i32, i32
  }
  func.func @transform_2(%arg0: i32) -> (i32, i32) {
    %c0_i32 = arith.constant 0 : i32
    %c0_i32_0 = arith.constant 0 : i32
    return %arg0, %c0_i32 : i32, i32
  }
  func.func @transform_3(%arg0: i32) -> (i32, i32) {
    %c0_i32 = arith.constant 0 : i32
    %c0_i32_0 = arith.constant 0 : i32
    return %arg0, %c0_i32 : i32, i32
  }
}

module attributes {stable_mosaic.version = 14 : i64} {
  func.func @_t2_body(%arg0: i32, %arg1: memref<2048x1xf32, #tpu.memory_space<vmem>>, %arg2: memref<2x2048x128xf32, #tpu.memory_space<vmem>>, %arg3: memref<128x512xbf16, #tpu.memory_space<vmem>>, %arg4: memref<1x512xf32, #tpu.memory_space<vmem>>, %arg5: memref<512x128xbf16, #tpu.memory_space<vmem>>, %arg6: memref<1x1xf32, #tpu.memory_space<smem>>, %arg7: memref<2048x128xf32, #tpu.memory_space<vmem>>) attributes {dimension_semantics = [#tpu.dimension_semantics<arbitrary>], iteration_bounds = array<i64: 5>, scalar_prefetch = 0 : i64, scratch_operands = 0 : i64, tpu.core_type = #tpu.core_type<tc>, window_params = [{transform_indices = @transform_0, window_bounds = array<i64: 2048, 1>}, {transform_indices = @transform_1, window_bounds = array<i64: 2, 2048, 128>}, {pipeline_mode = #tpu.pipeline_mode<synchronous>, transform_indices = @transform_2, window_bounds = array<i64: 128, 512>}, {pipeline_mode = #tpu.pipeline_mode<synchronous>, transform_indices = @transform_3, window_bounds = array<i64: 1, 512>}, {pipeline_mode = #tpu.pipeline_mode<synchronous>, transform_indices = @transform_4, window_bounds = array<i64: 512, 128>}, {transform_indices = @transform_5, window_bounds = array<i64: 1, 1>}, {transform_indices = @transform_6, window_bounds = array<i64: 2048, 128>}]} {
    %get3A = arith.constant 0 : index
    %get3A_0 = arith.constant 0 : index
    %get3A_1 = vector.load %arg1[%get3A, %get3A_0] : memref<2048x1xf32, #tpu.memory_space<vmem>>, vector<2048x1xf32>
    %get3A_2 = arith.constant 0 : index
    %get3A_3 = arith.constant 0 : index
    %get3A_4 = arith.constant 0 : index
    %get3A_5 = vector.load %arg2[%get3A_2, %get3A_3, %get3A_4] : memref<2x2048x128xf32, #tpu.memory_space<vmem>>, vector<1x2048x128xf32>
    %get3A_6 = vector.shape_cast %get3A_5 : vector<1x2048x128xf32> to vector<2048x128xf32>
    %get3A_7 = arith.constant 1 : index
    %get3A_8 = arith.constant 0 : index
    %get3A_9 = arith.constant 0 : index
    %get3A_10 = vector.load %arg2[%get3A_7, %get3A_8, %get3A_9] : memref<2x2048x128xf32, #tpu.memory_space<vmem>>, vector<1x2048x128xf32>
    %get3A_11 = vector.shape_cast %get3A_10 : vector<1x2048x128xf32> to vector<2048x128xf32>
    %add3A = arith.addf %get3A_6, %get3A_11 : vector<2048x128xf32>
    %mul3A = vector.broadcast %get3A_1 : vector<2048x1xf32> to vector<2048x128xf32>
    %mul3A_12 = arith.mulf %add3A, %mul3A : vector<2048x128xf32>
    %convert_element_type3A = arith.truncf %mul3A_12 : vector<2048x128xf32> to vector<2048x128xbf16>
    %get3A_13 = arith.constant 0 : index
    %get3A_14 = arith.constant 0 : index
    %get3A_15 = vector.load %arg3[%get3A_13, %get3A_14] : memref<128x512xbf16, #tpu.memory_space<vmem>>, vector<128x512xbf16>
    %dot_general3A = arith.constant dense<0.000000e+00> : vector<2048x512xf32>
    %dot_general3A_16 = tpu.matmul %convert_element_type3A, %get3A_15, %dot_general3A {dimension_numbers = #tpu.dot_dimension_numbers<[1], [0], [0], [1], [0, 0, 1, 1], [], []>, transpose_lhs_hint = false} : vector<2048x128xbf16>, vector<128x512xbf16>, vector<2048x512xf32> -> vector<2048x512xf32>
    %get3A_17 = arith.constant 0 : index
    %get3A_18 = arith.constant 0 : index
    %get3A_19 = vector.load %arg4[%get3A_17, %get3A_18] : memref<1x512xf32, #tpu.memory_space<vmem>>, vector<1x512xf32>
    %add3A_20 = vector.broadcast %get3A_19 : vector<1x512xf32> to vector<2048x512xf32>
    %add3A_21 = arith.addf %dot_general3A_16, %add3A_20 : vector<2048x512xf32>
    %get3A_22 = arith.constant 0 : index
    %get3A_23 = arith.constant 0 : index
    %get3A_24 = memref.load %arg6[%get3A_22, %get3A_23] : memref<1x1xf32, #tpu.memory_space<smem>>
    %ge3A = arith.constant 0.000000e+00 : f32
    %ge3A_25 = vector.broadcast %ge3A : f32 to vector<2048x512xf32>
    %ge3A_26 = arith.cmpf oge, %add3A_21, %ge3A_25 : vector<2048x512xf32>
    %mul3A_27 = vector.broadcast %get3A_24 : f32 to vector<2048x512xf32>
    %mul3A_28 = arith.mulf %mul3A_27, %add3A_21 : vector<2048x512xf32>
    %select_n3A = arith.select %ge3A_26, %add3A_21, %mul3A_28 : vector<2048x512xi1>, vector<2048x512xf32>
    %convert_element_type3A_29 = arith.truncf %select_n3A : vector<2048x512xf32> to vector<2048x512xbf16>
    %get3A_30 = arith.constant 0 : index
    %get3A_31 = arith.constant 0 : index
    %get3A_32 = vector.load %arg5[%get3A_30, %get3A_31] : memref<512x128xbf16, #tpu.memory_space<vmem>>, vector<512x128xbf16>
    %dot_general3A_33 = arith.constant dense<0.000000e+00> : vector<2048x128xf32>
    %dot_general3A_34 = tpu.matmul %convert_element_type3A_29, %get3A_32, %dot_general3A_33 {dimension_numbers = #tpu.dot_dimension_numbers<[1], [0], [0], [1], [0, 0, 1, 1], [], []>, transpose_lhs_hint = false} : vector<2048x512xbf16>, vector<512x128xbf16>, vector<2048x128xf32> -> vector<2048x128xf32>
    %mul3A_35 = vector.broadcast %get3A_1 : vector<2048x1xf32> to vector<2048x128xf32>
    %mul3A_36 = arith.mulf %dot_general3A_34, %mul3A_35 : vector<2048x128xf32>
    %swap3A = arith.constant 0 : index
    %swap3A_37 = arith.constant 0 : index
    %swap3A_38 = vector.load %arg7[%swap3A, %swap3A_37] : memref<2048x128xf32, #tpu.memory_space<vmem>>, vector<2048x128xf32>
    tpu.vector_store %arg7[%swap3A, %swap3A_37], %mul3A_36 {strides = array<i32>} : memref<2048x128xf32, #tpu.memory_space<vmem>>, vector<2048x128xf32>,
    return
  }
  func.func @transform_0(%arg0: i32) -> (i32, i32) {
    %c0_i32 = arith.constant 0 : i32
    %c0_i32_0 = arith.constant 0 : i32
    return %arg0, %c0_i32 : i32, i32
  }
  func.func @transform_1(%arg0: i32) -> (i32, i32, i32) {
    %c0_i32 = arith.constant 0 : i32
    %c0_i32_0 = arith.constant 0 : i32
    %c0_i32_1 = arith.constant 0 : i32
    return %c0_i32, %arg0, %c0_i32_0 : i32, i32, i32
  }
  func.func @transform_2(%arg0: i32) -> (i32, i32) {
    %c0_i32 = arith.constant 0 : i32
    %c0_i32_0 = arith.constant 0 : i32
    %c0_i32_1 = arith.constant 0 : i32
    return %c0_i32, %c0_i32_0 : i32, i32
  }
  func.func @transform_3(%arg0: i32) -> (i32, i32) {
    %c0_i32 = arith.constant 0 : i32
    %c0_i32_0 = arith.constant 0 : i32
    %c0_i32_1 = arith.constant 0 : i32
    return %c0_i32, %c0_i32_0 : i32, i32
  }
  func.func @transform_4(%arg0: i32) -> (i32, i32) {
    %c0_i32 = arith.constant 0 : i32
    %c0_i32_0 = arith.constant 0 : i32
    %c0_i32_1 = arith.constant 0 : i32
    return %c0_i32, %c0_i32_0 : i32, i32
  }
  func.func @transform_5(%arg0: i32) -> (i32, i32) {
    %c0_i32 = arith.constant 0 : i32
    %c0_i32_0 = arith.constant 0 : i32
    %c0_i32_1 = arith.constant 0 : i32
    return %c0_i32, %c0_i32_0 : i32, i32
  }
  func.func @transform_6(%arg0: i32) -> (i32, i32) {
    %c0_i32 = arith.constant 0 : i32
    %c0_i32_0 = arith.constant 0 : i32
    return %arg0, %c0_i32 : i32, i32
  }
}

module attributes {stable_mosaic.version = 14 : i64} {
  func.func @_t3_body(%arg0: i32, %arg1: memref<2048x1xf32, #tpu.memory_space<vmem>>, %arg2: memref<2x2048x128xf32, #tpu.memory_space<vmem>>, %arg3: memref<1x128xf32, #tpu.memory_space<vmem>>, %arg4: memref<1x1xf32, #tpu.memory_space<smem>>, %arg5: memref<128x128xf32, #tpu.memory_space<vmem>>, %arg6: memref<1x128xf32, #tpu.memory_space<vmem>>, %arg7: memref<2048x128xf32, #tpu.memory_space<vmem>>) attributes {dimension_semantics = [#tpu.dimension_semantics<arbitrary>], iteration_bounds = array<i64: 5>, scalar_prefetch = 0 : i64, scratch_operands = 0 : i64, tpu.core_type = #tpu.core_type<tc>, window_params = [{transform_indices = @transform_0, window_bounds = array<i64: 2048, 1>}, {transform_indices = @transform_1, window_bounds = array<i64: 2, 2048, 128>}, {pipeline_mode = #tpu.pipeline_mode<synchronous>, transform_indices = @transform_2, window_bounds = array<i64: 1, 128>}, {transform_indices = @transform_3, window_bounds = array<i64: 1, 1>}, {pipeline_mode = #tpu.pipeline_mode<synchronous>, transform_indices = @transform_4, window_bounds = array<i64: 128, 128>}, {pipeline_mode = #tpu.pipeline_mode<synchronous>, transform_indices = @transform_5, window_bounds = array<i64: 1, 128>}, {transform_indices = @transform_6, window_bounds = array<i64: 2048, 128>}]} {
    %get3A = arith.constant 0 : index
    %get3A_0 = arith.constant 0 : index
    %get3A_1 = vector.load %arg1[%get3A, %get3A_0] : memref<2048x1xf32, #tpu.memory_space<vmem>>, vector<2048x1xf32>
    %get3A_2 = arith.constant 0 : index
    %get3A_3 = arith.constant 0 : index
    %get3A_4 = arith.constant 0 : index
    %get3A_5 = vector.load %arg2[%get3A_2, %get3A_3, %get3A_4] : memref<2x2048x128xf32, #tpu.memory_space<vmem>>, vector<1x2048x128xf32>
    %get3A_6 = vector.shape_cast %get3A_5 : vector<1x2048x128xf32> to vector<2048x128xf32>
    %get3A_7 = arith.constant 1 : index
    %get3A_8 = arith.constant 0 : index
    %get3A_9 = arith.constant 0 : index
    %get3A_10 = vector.load %arg2[%get3A_7, %get3A_8, %get3A_9] : memref<2x2048x128xf32, #tpu.memory_space<vmem>>, vector<1x2048x128xf32>
    %get3A_11 = vector.shape_cast %get3A_10 : vector<1x2048x128xf32> to vector<2048x128xf32>
    %add3A = arith.addf %get3A_6, %get3A_11 : vector<2048x128xf32>
    %mul3A = vector.broadcast %get3A_1 : vector<2048x1xf32> to vector<2048x128xf32>
    %mul3A_12 = arith.mulf %add3A, %mul3A : vector<2048x128xf32>
    %get3A_13 = arith.constant 0 : index
    %get3A_14 = arith.constant 0 : index
    %get3A_15 = vector.load %arg3[%get3A_13, %get3A_14] : memref<1x128xf32, #tpu.memory_space<vmem>>, vector<1x128xf32>
    %add3A_16 = vector.broadcast %get3A_15 : vector<1x128xf32> to vector<2048x128xf32>
    %add3A_17 = arith.addf %mul3A_12, %add3A_16 : vector<2048x128xf32>
    %get3A_18 = arith.constant 0 : index
    %get3A_19 = arith.constant 0 : index
    %get3A_20 = memref.load %arg4[%get3A_18, %get3A_19] : memref<1x1xf32, #tpu.memory_space<smem>>
    %ge3A = arith.constant 0.000000e+00 : f32
    %ge3A_21 = vector.broadcast %ge3A : f32 to vector<2048x128xf32>
    %ge3A_22 = arith.cmpf oge, %add3A_17, %ge3A_21 : vector<2048x128xf32>
    %mul3A_23 = vector.broadcast %get3A_20 : f32 to vector<2048x128xf32>
    %mul3A_24 = arith.mulf %mul3A_23, %add3A_17 : vector<2048x128xf32>
    %select_n3A = arith.select %ge3A_22, %add3A_17, %mul3A_24 : vector<2048x128xi1>, vector<2048x128xf32>
    %get3A_25 = arith.constant 0 : index
    %get3A_26 = arith.constant 0 : index
    %get3A_27 = vector.load %arg5[%get3A_25, %get3A_26] : memref<128x128xf32, #tpu.memory_space<vmem>>, vector<128x128xf32>
    %dot_general3A = arith.constant dense<0.000000e+00> : vector<2048x128xf32>
    %dot_general3A_28 = tpu.matmul %select_n3A, %get3A_27, %dot_general3A {dimension_numbers = #tpu.dot_dimension_numbers<[1], [0], [0], [1], [0, 0, 1, 1], [], []>, transpose_lhs_hint = false} : vector<2048x128xf32>, vector<128x128xf32>, vector<2048x128xf32> -> vector<2048x128xf32>
    %get3A_29 = arith.constant 0 : index
    %get3A_30 = arith.constant 0 : index
    %get3A_31 = vector.load %arg6[%get3A_29, %get3A_30] : memref<1x128xf32, #tpu.memory_space<vmem>>, vector<1x128xf32>
    %add3A_32 = vector.broadcast %get3A_31 : vector<1x128xf32> to vector<2048x128xf32>
    %add3A_33 = arith.addf %dot_general3A_28, %add3A_32 : vector<2048x128xf32>
    %swap3A = arith.constant 0 : index
    %swap3A_34 = arith.constant 0 : index
    %swap3A_35 = vector.load %arg7[%swap3A, %swap3A_34] : memref<2048x128xf32, #tpu.memory_space<vmem>>, vector<2048x128xf32>
    tpu.vector_store %arg7[%swap3A, %swap3A_34], %add3A_33 {strides = array<i32>} : memref<2048x128xf32, #tpu.memory_space<vmem>>, vector<2048x128xf32>,
    return
  }
  func.func @transform_0(%arg0: i32) -> (i32, i32) {
    %c0_i32 = arith.constant 0 : i32
    %c0_i32_0 = arith.constant 0 : i32
    return %arg0, %c0_i32 : i32, i32
  }
  func.func @transform_1(%arg0: i32) -> (i32, i32, i32) {
    %c0_i32 = arith.constant 0 : i32
    %c0_i32_0 = arith.constant 0 : i32
    %c0_i32_1 = arith.constant 0 : i32
    return %c0_i32, %arg0, %c0_i32_0 : i32, i32, i32
  }
  func.func @transform_2(%arg0: i32) -> (i32, i32) {
    %c0_i32 = arith.constant 0 : i32
    %c0_i32_0 = arith.constant 0 : i32
    %c0_i32_1 = arith.constant 0 : i32
    return %c0_i32, %c0_i32_0 : i32, i32
  }
  func.func @transform_3(%arg0: i32) -> (i32, i32) {
    %c0_i32 = arith.constant 0 : i32
    %c0_i32_0 = arith.constant 0 : i32
    %c0_i32_1 = arith.constant 0 : i32
    return %c0_i32, %c0_i32_0 : i32, i32
  }
  func.func @transform_4(%arg0: i32) -> (i32, i32) {
    %c0_i32 = arith.constant 0 : i32
    %c0_i32_0 = arith.constant 0 : i32
    %c0_i32_1 = arith.constant 0 : i32
    return %c0_i32, %c0_i32_0 : i32, i32
  }
  func.func @transform_5(%arg0: i32) -> (i32, i32) {
    %c0_i32 = arith.constant 0 : i32
    %c0_i32_0 = arith.constant 0 : i32
    %c0_i32_1 = arith.constant 0 : i32
    return %c0_i32, %c0_i32_0 : i32, i32
  }
  func.func @transform_6(%arg0: i32) -> (i32, i32) {
    %c0_i32 = arith.constant 0 : i32
    %c0_i32_0 = arith.constant 0 : i32
    return %arg0, %c0_i32 : i32, i32
  }
}

</mosaic_0001>

<sc_bundles>
// kernel: kernel.11.cloned.1.call-start
scs
__scs_entry_jumppad:
0x0: {  	(pc) =	sbr.rel $0x88, $3  }
0x1: {  	(tag) =	ssettag $0x0;
	lr =	simm.s32 $0x1  }
0x2: {  	[smem:$0x3F98] =	sst lr;
	_ =	strace $0xD0000000  }
0x3: {  	_ = 	snop  }
0x4: {  	_ = 	snop  }
0x5: {  	_ = 	snop  }
0x6: {  	_ = 	snop  }
0x7: {  	_ = 	snop  }
__scs_overlays_trampoline_lowered:
0x8: {  	[smem:$0x3FA7] =	sst s0  }
0x9: {  	[smem:$0x3FA8] =	sst s1  }
0xa: {  	[smem:$0x3FA9] =	sst s2  }
0xb: {  	[smem:$0x3FAA] =	sst s3  }
0xc: {  	[smem:$0x3FAB] =	sst s4  }
0xd: {  	[smem:$0x3FAC] =	sst s5  }
0xe: {  	[smem:$0x3FAD] =	sst s6  }
0xf: {  	[smem:$0x3FAE] =	sst s7  }
0x10: {  	[smem:$0x3FAF] =	sst s8  }
0x11: {  	[smem:$0x3FB0] =	sst s9;
	s0 =	simm.s32 @!p0 $0x0  }
0x12: {  	s1 =	sld [smem:$0x3F96];
	s0 =	simm.s32 @p0 $0x1  }
0x13: {  	[smem:$0x3FB1] =	sst s0;
	s0 =	simm.s32 @!p1 $0x0  }
0x14: {  	s2 =	sld [smem:$0x3F95];
	s0 =	simm.s32 @p1 $0x1  }
0x15: {  	[smem:$0x3FB2] =	sst s0;
	s0 =	simm.s32 @!p2 $0x0  }
0x16: {  	s3 =	sld [smem:$0x3FDB];
	s0 =	simm.s32 @p2 $0x1  }
0x17: {  	s4 =	simm.s32 $0x1BF5;
	[smem:$0x3FB4] =	sst s0  }
0x18: {  	s0 =	sld [smem:$0x3F97];
	_ =	swait.ge [sflag:s4], $0x0  }
0x19: {  	s7 =	sld [smem:$0x3F98]  }
0x1a: {  	s8 =	sadd.s32 $0xFFFFE003, lr  }
0x1b: {  	s9 =	sadd.s32 $0xFFFFFEF7, lr;
	s5 =	simm.s32 $0xFFFFFFFF;
	p2 =	slt.u32 s8, $0xFFFFF086  }
0x1c: {  	p1 =	slt.u32 s9, $0xF7A;
	s5 =	simm.s32 @!p2 $0x0  }
0x1d: {  	s5 =	simm.s32 @p1 $0x1;
	p0 =	seq.s32 s7, s2  }
0x1e: {  	s7 =	smul.u32 @!p0 $0xF7A, s2;
	p2 =	seq.s32 @!p0 s5, $0x0  }
0x1f: {  	s9 =	smul.u32 $0xF7A, s1;
	s8 =	simm.s32 @!p0 $0x1BF5;
	p2 =	por !p2, p0  }
0x20: {  	[sflag:s8] =	ssyncset.s32 @!p0 $0xFFFFF086;
	s6 =	sadd.s32 @!p0 s3, s7;
	s7 =	simm.s32 @!p0 $0x108  }
0x21: {  	s3 =	sadd.s32 s3, s9;
	s6 =	sadd.s32 @!p0 $0x88, s6;
	s7 =	simm.s32 @p2 $0x1082  }
0x22: {  	[simem:s7], [sflag:s8] =	dma.local @!p0 [hbm:s6], $0xF7A  }
0x23: {  	s9 =	sor.u32 $0xD0000000, s2;
	s6 =	simm.s32 $0x108;
	_ =	swait.ge @!p0 [sflag:s8], $0x0  }
0x24: {  	s3 =	sadd.s32 $0x88, s3;
	s6 =	simm.s32 @!p1 $0x1082;
	[sflag:s4] =	ssyncset.s32 $0xFFFFF086  }
0x25: {  	[simem:s6], [sflag:s4] =	dma.local [hbm:s3], $0xF7A  }
0x26: {  	[smem:$0x3F98] =	sst s1;
	(tag) =	ssettag s2;
	_ =	strace s9  }
0x27: {  	s1 =	sld [smem:$0x3FA8]  }
0x28: {  	s2 =	sld [smem:$0x3FA9]  }
0x29: {  	s4 =	sld [smem:$0x3FAB]  }
0x2a: {  	p0 =	seq.s32 s5, $0x0;
	s5 =	sld [smem:$0x3FAC]  }
0x2b: {  	s6 =	sld [smem:$0x3FAD]  }
0x2c: {  	s7 =	sld [smem:$0x3FAE]  }
0x2d: {  	s3 =	simm.s32 $0x108;
	s8 =	sld [smem:$0x3FAF]  }
0x2e: {  	s3 =	simm.s32 @!p0 $0x1082;
	s9 =	sld [smem:$0x3FB0]  }
0x2f: {  	lr =	sadd.s32 s0, s3;
	s0 =	sld [smem:$0x3FA7]  }
0x30: {  	s3 =	sld [smem:$0x3FAA]  }
0x31: {  	[smem:$0x3FB3] =	sst s10  }
0x32: {  	s10 =	sld [smem:$0x3FB1];
	_ =	sdelay $0x3  }
0x33: {  	p0 =	seq.s32 s10, $0x1;
	s10 =	sld [smem:$0x3FB3];
	_ =	sdelay $0x3  }
0x34: {  	[smem:$0x3FB3] =	sst s10  }
0x35: {  	s10 =	sld [smem:$0x3FB2];
	_ =	sdelay $0x3  }
0x36: {  	p1 =	seq.s32 s10, $0x1;
	s10 =	sld [smem:$0x3FB3];
	_ =	sdelay $0x3  }
0x37: {  	[smem:$0x3FB3] =	sst s10  }
0x38: {  	s10 =	sld [smem:$0x3FB4]  }
0x39: {  	_ = 	snop;
	(pc) =	sbr.ind lr, $3  }
0x3a: {  	_ = 	snop  }
0x3b: {  	_ = 	snop  }
0x3c: {  	p2 =	seq.s32 s10, $0x1;
	s10 =	sld [smem:$0x3FB3]  }
0x3d: {  	_ =	shalt  }
0x3e: {  	_ =	shalt  }
0x3f: {  	_ =	shalt  }
0x40: {  	_ =	shalt  }
0x41: {  	_ =	shalt  }
0x42: {  	_ =	shalt  }
0x43: {  	_ =	shalt  }
0x44: {  	_ =	shalt  }
0x45: {  	_ =	shalt  }
0x46: {  	_ =	shalt  }
0x47: {  	_ =	shalt  }
0x48: {  	_ =	shalt  }
0x49: {  	_ =	shalt  }
0x4a: {  	_ =	shalt  }
0x4b: {  	_ =	shalt  }
0x4c: {  	_ =	shalt  }
0x4d: {  	_ =	shalt  }
0x4e: {  	_ =	shalt  }
0x4f: {  	_ =	shalt  }
0x50: {  	_ =	shalt  }
0x51: {  	_ =	shalt  }
0x52: {  	_ =	shalt  }
0x53: {  	_ =	shalt  }
0x54: {  	_ =	shalt  }
0x55: {  	_ =	shalt  }
0x56: {  	_ =	shalt  }
0x57: {  	_ =	shalt  }
0x58: {  	_ =	shalt  }
0x59: {  	_ =	shalt  }
0x5a: {  	_ =	shalt  }
0x5b: {  	_ =	shalt  }
0x5c: {  	_ =	shalt  }
0x5d: {  	_ =	shalt  }
0x5e: {  	_ =	shalt  }
0x5f: {  	_ =	shalt  }
0x60: {  	_ =	shalt  }
0x61: {  	_ =	shalt  }
0x62: {  	_ =	shalt  }
0x63: {  	_ =	shalt  }
0x64: {  	_ =	shalt  }
0x65: {  	_ =	shalt  }
0x66: {  	_ =	shalt  }
0x67: {  	_ =	shalt  }
0x68: {  	_ =	shalt  }
0x69: {  	_ =	shalt  }
0x6a: {  	_ =	shalt  }
0x6b: {  	_ =	shalt  }
0x6c: {  	_ =	shalt  }
0x6d: {  	_ =	shalt  }
0x6e: {  	_ =	shalt  }
0x6f: {  	_ =	shalt  }
0x70: {  	_ =	shalt  }
0x71: {  	_ =	shalt  }
0x72: {  	_ =	shalt  }
0x73: {  	_ =	shalt  }
0x74: {  	_ =	shalt  }
0x75: {  	_ =	shalt  }
0x76: {  	_ =	shalt  }
0x77: {  	_ =	shalt  }
0x78: {  	_ =	shalt  }
0x79: {  	_ =	shalt  }
0x7a: {  	_ =	shalt  }
0x7b: {  	_ =	shalt  }
0x7c: {  	_ =	shalt  }
0x7d: {  	_ =	shalt  }
0x7e: {  	_ =	shalt  }
0x7f: {  	_ =	shalt  }
0x80: {  	_ =	shalt  }
0x81: {  	_ =	shalt  }
0x82: {  	_ =	shalt  }
0x83: {  	_ =	shalt  }
0x84: {  	_ =	shalt  }
0x85: {  	_ =	shalt  }
0x86: {  	_ =	shalt  }
0x87: {  	_ =	shalt  }
.Lfunc_end0:
.L_simem_size_0:
called_computation.1_lowered:
.L_overlay_start_0:
0x88: {  	s2 =	sld [smem:$0x3FD9]  }
0x89: {  	s3 =	sld [smem:$0x3FFE];
	_ =	sdelay $0x1  }
0x8a: {  	s1 =	srdreg.scid  }
0x8b: {  	s0 =	sand.u32 $0x1, s1  }
0x8c: {  	s16 =	sshll.u32 s0, $0xA;
	s2 =	sadd.s32 s3, s2  }
0x8d: {  	s2 =	sadd.s32 s2, s16  }
0x8e: {  	[smem:$0x3FBF] =	sst s2  }
0x8f: {  	_ = 	snop  }
0x90: {  	(tm) =	ssettm $0x1  }
0x91: {  	s17 =	sld [smem:$0x3FFB];
	_ =	sdelay $0x3  }
0x92: {  	_ =	strace s17  }
0x93: {  	s2 =	sld [smem:$0x3FFC];
	_ =	sdelay $0x3  }
0x94: {  	_ =	strace s2  }
0x95: {  	s2 =	sld [smem:$0x3FFD];
	_ =	sdelay $0x3  }
0x96: {  	_ =	strace s2  }
0x97: {  	_ =	strace $0x8FFFFFFF  }
0x98: {  	s18 =	sld [smem:$0x3FDB];
	_ =	sdelay $0x1  }
0x99: {  	s19 =	simm.s32 $_scs_section_size  }
0x9a: {  	s4 =	simm.s32 $_size__tile_overlayer_lowered;
	s5 =	simm.s32 $_tile_overlayer_lowered  }
0x9b: {  	s22 =	simm.s32 $0x1BFF;
	s21 =	sshll.u32 s5, $0x1;
	s2 =	sadd.s32 s19, s18  }
0x9c: {  	s6 =	simm.s32 $0x0;
	s20 =	sshll.u32 s4, $0x1;
	s4 =	sadd.s32 s21, s2  }
0x9d: {  	[timem:s6], [sflag:s22] =	dma.local [hbm:s4], s20  }
0x9e: {  	_ =	swait.ge [sflag:s22], s20  }
0x9f: {  	s3 =	ssub.s32 $0x0, s20;
	[sflag:s22] =	ssyncset.done $0x0  }
0xa0: {  	[sflag:s22] =	ssyncadd.s32 s3;
	_ =	sdelay $0x1  }
0xa1: {  	s23 =	simm.s32 $0x1B8B  }
0xa2: {  	_ =	swait.ge [sflag:s23], $0x1  }
0xa3: {  	[sflag:s23] =	ssyncset.done $0x0  }
0xa4: {  	s25 =	simm.s32 $0x1B8E;
	s24 =	sld [smem:$0x3FFE];
	[sflag:s23] =	ssyncadd.s32 $0xFFFFFFFF  }
0xa5: {  	s26 =	simm.s32 $execute0_lowered;
	[smem:$0x3FD2] =	sst s25  }
0xa6: {  	s4 =	sshll.u32 s26, $0x1;
	_ =	strace $0x80000049;
	[dreg:$0x1] =	wrdreg $0xFFFFFFFF  }
0xa7: {  	s28 =	simm.s32 $_size_execute0_lowered;
	s2 =	sadd.s32 s2, s4;
	[dreg:$0x0] =	wrdreg $0x0  }
0xa8: {  	s4 =	sshll.u32 s28, $0x1;
	[dreg:$0x2] =	wrdreg s2  }
0xa9: {  	[dreg:$0x3] =	wrdreg s4  }
0xaa: {  	[dreg:$0x4] =	wrdreg $0xC0  }
0xab: {  	_ =	task [dreg:s6], $0x5FFFF  }
0xac: {  	[dreg:$0x1] =	wrdreg $0xFFFFFFFF  }
0xad: {  	[dreg:$0x0] =	wrdreg $0x60  }
0xae: {  	[dreg:$0x2] =	wrdreg s24  }
0xaf: {  	[dreg:$0x3] =	wrdreg $0xC6000  }
0xb0: {  	[dreg:$0x4] =	wrdreg $0x9  }
0xb1: {  	_ =	task.clear_ibuf [dreg:s6], $0x5FFFF;
	_ =	strace $0x90000049  }
0xb2: {  	s29 =	simm.s32 $0x9;
	_ =	strace $0x8000004B  }
0xb3: {  	_ =	swait.ge [sflag:s29], $0x1  }
0xb4: {  	[sflag:s29] =	ssyncadd.s32 $0xFFFFFFFF  }
0xb5: {  	_ =	strace $0x9000004B  }
0xb6: {  	_ =	sfence  }
0xb7: {  	s30 =	sld [smem:$0x0];
	_ =	sdelay $0x2  }
0xb8: {  	s31 =	sshll.u32 s1, $0xD;
	s1 =	sshrl.u32 s1, $0x2  }
0xb9: {  	s3 =	sand.u32 $0x4000, s31;
	s1 =	sadd.s32 s1, s30  }
0xba: {  	s0 =	sor.u32 s3, s0;
	s1 =	sshll.u32 s1, $0x11  }
0xbb: {  	s0 =	sor.u32 s1, s0  }
0xbc: {  	s0 =	sadd.s32 $0x8F2B, s0  }
0xbd: {  	[sflag:s0] =	ssyncadd.remote.s32 $0x1  }
0xbe: {  	_ =	sfence.sel $0xFFFF  }
0xbf: {  	[dreg:$0x0] =	wrdreg $0xFFFFFFFF;
	(pc) =	sbr.abs _section_cstart, $3  }
0xc0: {  	[dreg:$0x1] =	wrdreg $0xFFFFFFFF  }
0xc1: {  	_ =	task.clear_ibuf [dreg:s6], $0x2FFFF;
	_ =	strace $0x9FFFFFFF  }
0xc2: {  	(tm) =	ssettm $0x7FFFFFFF  }
0xc3: {  	_ =	shalt  }
tec
execute0_lowered:
.L_overlay_start_1:
0x0: {  	(tag) =	ssettag $0x1  }
0x1: {  	s0 =	rddreg [dreg:$0x0]  }
0x2: {  	s1 =	rddreg [dreg:$0x1];
	s2 =	simm.s32 $0x0;
	s3 =	srdreg.scid  }
0x3: {  	s5 =	stileid.u32;
	s28 =	simm.s32 $0x100;
	s29 =	simm.s32 $0x200  }
0x4: {  	s31 =	simm.s32 $0x6;
	[smem:$0x7FF] =	sst s2;
	s6 =	smul.u32 $0x2780, s5  }
0x5: {  	s4 =	sadd.s32 $0x16C00, s0;
	s3 =	sand.u32 $0x1, s3;
	s9 =	smul.u32 $0x4F000, s5  }
0x6: {  	s12 =	sadd.s32 $0x2800, s0;
	s11 =	sadd.s32 $0x66C00, s0;
	s30 =	smul.u32 $0x13C00, s5  }
0x7: {  	s23 =	sadd.s32 $0x128400, s1;
	s25 =	sadd.s32 $0x63C80, s0;
	s15 =	smul.u32 $0x5100, s5  }
0x8: {  	p0 =	seq.s32 s5, $0xF;
	_ =	strace $0x8000004A;
	s7 =	sshll.u32 s3, $0x4  }
0x9: {  	s8 =	ssub.s32 $0x2, s3;
	[dreg:$0x5] =	wrdreg s23;
	s24 =	smul.u32 $0x140000, s3  }
0xa: {  	[dreg:$0x7] =	wrdreg s25;
	s3 =	smul.u32 $0x51000, s3;
	s7 =	sor.u32 s5, s7  }
0xb: {  	s6 =	sadd.s32 s6, s0;
	s10 =	sshrl.u32 s8, $0x1;
	s9 =	sshrl.u32 s9, $0x2  }
0xc: {  	s0 =	sadd.s32 $0x65E00, s0;
	s7 =	smul.u32 $0x5100, s7;
	s8 =	ssub.s32 s8, s10  }
0xd: {  	s9 =	sadd.s32 s9, s1;
	s6 =	sadd.s32 $0x3EC00, s6;
	[dreg:$0xf] =	wrdreg s0  }
0xe: {  	s3 =	sadd.s32 s15, s3;
	s15 =	simm.s32 $0x0;
	[dreg:$0x3] =	wrdreg s9  }
0xf: {  	[dreg:$0x4] =	wrdreg s6;
	s6 =	sshrl.u32 s24, $0x3;
	s17 =	sadd.s32 $0x900, s3  }
0x10: {  	s18 =	smax.u32 s8, $0x1;
	s19 =	sadd.s32 $0x800, s3;
	s21 =	sadd.s32 $0x700, s3  }
0x11: {  	s23 =	sadd.s32 $0x500, s3;
	s25 =	sadd.s32 $0x400, s3;
	s3 =	sadd.s32 $0x600, s3  }
0x12: {  	s8 =	simm.s32 $0x2;
	s9 =	simm.s32 $0x4;
	s22 =	sshrl.u32 s7, $0x3  }
0x13: {  	s7 =	sadd.s32 s30, s24;
	s6 =	sadd.s32 s11, s6;
	[dreg:$0x10] =	wrdreg s18  }
0x14: {  	s0 =	sshrl.u32 s17, $0x3;
	s20 =	sshrl.u32 s19, $0x3;
	s24 =	sshrl.u32 s23, $0x3  }
0x15: {  	[dreg:$0x14] =	wrdreg s3;
	s3 =	simm.s32 $0x1;
	s17 =	simm.s32 $0x9  }
0x16: {  	s19 =	simm.s32 $0xB;
	s23 =	simm.s32 $0xC;
	s16 =	sadd.s32 $0x25080, s6  }
0x17: {  	s10 =	sadd.s32 s12, s22;
	s6 =	sadd.s32 $0x27200, s6;
	[dreg:$0xd] =	wrdreg s16  }
0x18: {  	s7 =	sshrl.u32 s7, $0x3;
	s0 =	sadd.s32 s0, s12;
	[dreg:$0xe] =	wrdreg s6  }
0x19: {  	s22 =	sshrl.u32 s21, $0x3;
	s24 =	sadd.s32 s24, s12;
	[dreg:$0x11] =	wrdreg s0  }
0x1a: {  	s26 =	sadd.s32 $0x20, s10;
	s13 =	sadd.s32 $0x40, s10;
	[dreg:$0x6] =	wrdreg s10  }
0x1b: {  	s14 =	sadd.s32 $0x60, s10;
	s7 =	sadd.s32 s11, s7;
	[dreg:$0x8] =	wrdreg s26  }
0x1c: {  	s0 =	sadd.s32 s20, s12;
	s30 =	sadd.s32 $0xA0, s10;
	[dreg:$0x9] =	wrdreg s13  }
0x1d: {  	s6 =	simm.s32 $0x80;
	s11 =	simm.s32 $0x7;
	[dreg:$0xa] =	wrdreg s14  }
0x1e: {  	s16 =	simm.s32 $0xA;
	s13 =	sadd.s32 $0x80, s10;
	[dreg:$0xc] =	wrdreg s7  }
.Ltmp0:
0x1f: {  	[dreg:$0x12] =	wrdreg s0;
	s0 =	sadd.s32 s22, s12;
	(pc) =	sbr.rel .LBB2_1-.Ltmp0, $4  }
0x20: {  	s26 =	sshrl.u32 s25, $0x3;
	s22 =	smov.u32 s12;
	[dreg:$0x15] =	wrdreg s30  }
0x21: {  	s7 =	simm.s32 $0x600;
	s10 =	simm.s32 $0x4600;
	[dreg:$0xb] =	wrdreg s13  }
0x22: {  	s14 =	simm.s32 $0x8;
	[dreg:$0x13] =	wrdreg s0;
	s25 =	sadd.s32 s26, s12  }
0x23: {  	s12 =	simm.s32 $0x3;
	s13 =	simm.s32 $0x8600;
	s26 =	simm.s32 $0x5  }
.LBB2_6:
0x24: {  	_ =	swait.ge [sflag:s17], $0x4000  }
0x25: {  	[sflag:s17] =	ssyncset.done $0x0  }
0x26: {  	s0 =	simm.s32 $0x280;
	[sflag:s17] =	ssyncadd.s32 $0xFFFFC000  }
0x27: {  	[spmem:s1] =	stream.indirect.scatter.add.f32 [tilespmem:s13], [sflag:$0xC], $0x80, s0, s6, $0xb8;
	[tilespmem:$0x1FF00] =	vst v63  }
0x28: {  	_ =	swait.ge [sflag:s19], $0x4000  }
0x29: {  	[sflag:s19] =	ssyncset.done $0x0  }
0x2a: {  	[sflag:s19] =	ssyncadd.s32 $0xFFFFC000  }
0x2b: {  	_ =	swait.ge [sflag:s23], $0x4000  }
0x2c: {  	[sflag:s23] =	ssyncset.done $0x0  }
0x2d: {  	[sflag:s23] =	ssyncadd.s32 $0xFFFFC000  }
.LBB2_4:
0x2e: {  	[bflag:$0x0] =	sbarrier.arrive $0xFFFF  }
0x2f: {  	s5 =	rddreg [dreg:$0xd]  }
0x30: {  	s0 =	simm.s32 @p0 $0x1FCD;
	s15 =	rddreg [dreg:$0x19]  }
0x31: {  	[hbm:s5], [sflag:s0] =	dma.local @p0 [spmem:s15], $0x2180  }
0x32: {  	s5 =	simm.s32 @p0 $0xD  }
0x33: {  	_ =	swait.ge @p0 [sflag:s5], $0x2180  }
0x34: {  	[sflag:s5] =	ssyncset.done @p0 $0x0;
	s15 =	rddreg [dreg:$0xe]  }
0x35: {  	s18 =	rddreg [dreg:$0xf];
	[sflag:s5] =	ssyncadd.s32 @p0 $0xFFFFDE80  }
0x36: {  	[hbm:s15], [sflag:s0] =	dma.local @p0 [hbm:s18], $0xE00  }
0x37: {  	_ =	swait.ge @p0 [sflag:s5], $0xE00  }
0x38: {  	s0 =	rddreg [dreg:$0xc]  }
0x39: {  	[sflag:s5] =	ssyncset.done @p0 $0x0;
	s15 =	rddreg [dreg:$0x18]  }
0x3a: {  	[sflag:s5] =	ssyncadd.s32 @p0 $0xFFFFF200;
	s5 =	rddreg [dreg:$0x17]  }
0x3b: {  	[hbm:s0], [sflag:s5] =	dma.local @!p0 [spmem:s15], $0x2780  }
0x3c: {  	s0 =	simm.s32 @!p0 $0xD  }
0x3d: {  	_ =	swait.ge @!p0 [sflag:s0], $0x2780  }
0x3e: {  	s21 =	rddreg [dreg:$0x16]  }
0x3f: {  	s30 =	rddreg [dreg:$0x10];
	s15 =	sadd.s32 $0x1, s21  }
0x40: {  	p1 =	sne.s32 s15, s30  }
.Ltmp1:
0x41: {  	_ = 	snop;
	(pc) =	sbr.rel @!p1 .LBB2_5-.Ltmp1, $3  }
0x42: {  	_ =	sdelay $0x1  }
0x43: {  	[sflag:s0] =	ssyncset.done @!p0 $0x0  }
0x44: {  	[sflag:s0] =	ssyncadd.s32 @!p0 $0xFFFFD880  }
.LBB2_1:
0x45: {  	[dreg:$0x16] =	wrdreg s15  }
0x46: {  	s0 =	rddreg [dreg:$0x5]  }
0x47: {  	s5 =	rddreg [dreg:$0x7];
	s15 =	sshrl.u32 @p0 s0, $0x3  }
0x48: {  	s0 =	simm.s32 @p0 $0x1FCD;
	[dreg:$0x19] =	wrdreg s15  }
0x49: {  	[spmem:s15], [sflag:s0] =	dma.local @p0 [hbm:s5], $0x2180  }
0x4a: {  	s0 =	simm.s32 @p0 $0xD  }
0x4b: {  	s5 =	stileid.u32;
	_ =	swait.ge @p0 [sflag:s0], $0x2180  }
0x4c: {  	s15 =	sshll.u32 @!p0 s5, $0x6;
	[sflag:s0] =	ssyncset.done @p0 $0x0  }
0x4d: {  	s5 =	sor.u32 @!p0 $0x1C0D, s15;
	[sflag:s0] =	ssyncadd.s32 @p0 $0xFFFFDE80;
	s0 =	rddreg [dreg:$0x3]  }
0x4e: {  	[dreg:$0x17] =	wrdreg s5  }
0x4f: {  	s15 =	sshrl.u32 @!p0 s0, $0x3;
	s0 =	rddreg [dreg:$0x4]  }
0x50: {  	[dreg:$0x18] =	wrdreg s15  }
0x51: {  	[spmem:s15], [sflag:s5] =	dma.local @!p0 [hbm:s0], $0x2780  }
0x52: {  	s0 =	simm.s32 @!p0 $0xD  }
0x53: {  	_ =	swait.ge @!p0 [sflag:s0], $0x2780  }
0x54: {  	[sflag:s0] =	ssyncset.done @!p0 $0x0  }
0x55: {  	s5 =	rddreg [dreg:$0x6];
	[sflag:s0] =	ssyncadd.s32 @!p0 $0xFFFFD880  }
0x56: {  	[tilespmem:s2], [sflag:$0x1] =	stream.linear.gather [hbm4b:s5+s2], $0x100, $0x38;
	[tilespmem:$0x1FF00] =	vst v63  }
0x57: {  	s15 =	rddreg [dreg:$0x8]  }
0x58: {  	[tilespmem:s28], [sflag:$0x2] =	stream.linear.gather [hbm4b:s15+s2], $0x100, $0x38;
	[tilespmem:$0x1FF00] =	vst v63  }
0x59: {  	s18 =	rddreg [dreg:$0x9]  }
0x5a: {  	[tilespmem:s29], [sflag:$0x3] =	stream.linear.gather [hbm4b:s18+s2], $0x100, $0x38;
	[tilespmem:$0x1FF00] =	vst v63  }
0x5b: {  	s21 =	simm.s32 $0x300;
	s20 =	rddreg [dreg:$0xa]  }
0x5c: {  	[tilespmem:s21], [sflag:$0x4] =	stream.linear.gather [hbm4b:s20+s2], $0x100, $0x38;
	[tilespmem:$0x1FF00] =	vst v63  }
0x5d: {  	s15 =	rddreg [dreg:$0xb];
	s18 =	simm.s32 $0x400  }
0x5e: {  	[tilespmem:s18], [sflag:$0x5] =	stream.linear.gather [hbm4b:s15+s2], $0x100, $0x38;
	[tilespmem:$0x1FF00] =	vst v63  }
0x5f: {  	s20 =	rddreg [dreg:$0x15];
	s21 =	simm.s32 $0x500  }
0x60: {  	[tilespmem:s21], [sflag:$0x6] =	stream.linear.gather [hbm4b:s20+s2], $0x100, $0x38;
	[tilespmem:$0x1FF00] =	vst v63  }
0x61: {  	_ =	swait.ge [sflag:s3], $0x100  }
0x62: {  	[sflag:s3] =	ssyncset.done $0x0  }
0x63: {  	[sflag:s3] =	ssyncadd.s32 $0xFFFFFF00  }
0x64: {  	[tilespmem:s7], [sflag:$0x7] =	stream.indirect.gather [hbm4b:s4+s6], $0x80, s2, s6, $0xb8;
	[tilespmem:$0x1FF00] =	vst v63  }
0x65: {  	s30 =	simm.s32 $0xFFFFFFFE;
	[bflag:$0x0] =	sbarrier.arrive $0xFFFF  }
0x66: {  	s0 =	simm.s32 $0x0;
	s15 =	simm.s32 $0x0;
	s18 =	rddreg [dreg:$0x14]  }
.LBB2_2:
0x67: {  	p1 =	sgt.u32 s30, $0x50  }
0x68: {  	s5 =	simm.s32 @!p1 $0xB  }
0x69: {  	_ =	swait.ge @!p1 [sflag:s5], $0x4000  }
0x6a: {  	p2 =	seq.s32 @!p1 s0, $0x9C0;
	[sflag:s5] =	ssyncset.done @!p1 $0x0  }
0x6b: {  	[sflag:s5] =	ssyncadd.s32 @!p1 $0xFFFFC000;
	p1 =	por p2, p1  }
0x6c: {  	s5 =	sadd.s32 @!p1 s0, s25;
	s20 =	simm.s32 @!p1 $0x0;
	s21 =	simm.s32 @!p1 $0x400  }
0x6d: {  	[tilespmem:s21], [sflag:$0x5] =	stream.linear.gather @!p1 [hbm4b:s5+s20], $0x100, $0x38;
	[tilespmem:$0x1FF00] =	vst v63  }
0x6e: {  	_ =	swait.ge [sflag:s8], $0x100  }
0x6f: {  	[sflag:s8] =	ssyncset.done $0x0  }
0x70: {  	[sflag:s8] =	ssyncadd.s32 $0xFFFFFF00  }
0x71: {  	[tilespmem:s10], [sflag:$0x8] =	stream.indirect.gather [hbm4b:s4+s6], $0x80, s28, s6, $0xb8;
	[tilespmem:$0x1FF00] =	vst v63  }
0x72: {  	_ =	swait.ge [sflag:s11], $0x4000  }
0x73: {  	p1 =	seq.s32 s0, $0x0;
	[sflag:s11] =	ssyncset.done $0x0  }
0x74: {  	s5 =	simm.s32 @!p1 $0xC;
	[sflag:s11] =	ssyncadd.s32 $0xFFFFC000  }
0x75: {  	[spmem:s1] =	stream.indirect.scatter.add.f32 [tilespmem:s7], [sflag:$0xA], $0x80, s6, s6, $0xb8;
	[tilespmem:$0x1FF00] =	vst v63  }
0x76: {  	_ =	swait.ge @!p1 [sflag:s5], $0x4000  }
0x77: {  	p2 =	seq.s32 @!p1 s0, $0x9C0;
	[sflag:s5] =	ssyncset.done @!p1 $0x0  }
0x78: {  	[sflag:s5] =	ssyncadd.s32 @!p1 $0xFFFFC000;
	p1 =	por p2, p1  }
0x79: {  	s5 =	sadd.s32 @!p1 s0, s24;
	s20 =	simm.s32 @!p1 $0x0;
	s21 =	simm.s32 @!p1 $0x500  }
0x7a: {  	[tilespmem:s21], [sflag:$0x6] =	stream.linear.gather @!p1 [hbm4b:s5+s20], $0x100, $0x38;
	[tilespmem:$0x1FF00] =	vst v63  }
0x7b: {  	_ =	swait.ge [sflag:s12], $0x100  }
0x7c: {  	[sflag:s12] =	ssyncset.done $0x0  }
0x7d: {  	[sflag:s12] =	ssyncadd.s32 $0xFFFFFF00  }
0x7e: {  	[tilespmem:s13], [sflag:$0x9] =	stream.indirect.gather [hbm4b:s4+s6], $0x80, s29, s6, $0xb8;
	[tilespmem:$0x1FF00] =	vst v63  }
0x7f: {  	_ =	swait.ge [sflag:s14], $0x4000  }
0x80: {  	p1 =	seq.s32 s0, $0x9C0;
	[sflag:s14] =	ssyncset.done $0x0  }
.Ltmp2:
0x81: {  	s21 =	simm.s32 $0x180;
	[sflag:s14] =	ssyncadd.s32 $0xFFFFC000;
	(pc) =	sbr.rel @p1 .LBB2_6-.Ltmp2, $4  }
0x82: {  	[spmem:s1] =	stream.indirect.scatter.add.f32 [tilespmem:s10], [sflag:$0xB], $0x80, s21, s6, $0xb8;
	[tilespmem:$0x1FF00] =	vst v63  }
0x83: {  	_ =	swait.ge [sflag:s16], $0x4000  }
0x84: {  	[sflag:s16] =	ssyncset.done $0x0  }
0x85: {  	[sflag:s16] =	ssyncadd.s32 $0xFFFFC000  }
0x86: {  	s5 =	sshrl.u32 s18, $0x3  }
0x87: {  	s5 =	sadd.s32 s22, s5  }
0x88: {  	[tilespmem:s2], [sflag:$0x1] =	stream.linear.gather [hbm4b:s5+s2], $0x100, $0x38;
	[tilespmem:$0x1FF00] =	vst v63  }
0x89: {  	_ =	swait.ge [sflag:s9], $0x100  }
0x8a: {  	[sflag:s9] =	ssyncset.done $0x0  }
0x8b: {  	s21 =	simm.s32 $0x300;
	[sflag:s9] =	ssyncadd.s32 $0xFFFFFF00  }
0x8c: {  	[tilespmem:s7], [sflag:$0x7] =	stream.indirect.gather [hbm4b:s4+s6], $0x80, s21, s6, $0xb8;
	[tilespmem:$0x1FF00] =	vst v63  }
0x8d: {  	_ =	swait.ge [sflag:s17], $0x4000  }
0x8e: {  	[sflag:s17] =	ssyncset.done $0x0  }
0x8f: {  	s20 =	simm.s32 $0x280;
	[sflag:s17] =	ssyncadd.s32 $0xFFFFC000  }
0x90: {  	[spmem:s1] =	stream.indirect.scatter.add.f32 [tilespmem:s13], [sflag:$0xC], $0x80, s20, s6, $0xb8;
	[tilespmem:$0x1FF00] =	vst v63  }
0x91: {  	_ =	swait.ge [sflag:s19], $0x4000  }
0x92: {  	[sflag:s19] =	ssyncset.done $0x0;
	s21 =	rddreg [dreg:$0x13]  }
0x93: {  	[sflag:s19] =	ssyncadd.s32 $0xFFFFC000;
	s5 =	sadd.s32 s0, s21  }
0x94: {  	[tilespmem:s28], [sflag:$0x2] =	stream.linear.gather [hbm4b:s5+s2], $0x100, $0x38;
	[tilespmem:$0x1FF00] =	vst v63  }
0x95: {  	_ =	swait.ge [sflag:s26], $0x100  }
0x96: {  	[sflag:s26] =	ssyncset.done $0x0  }
0x97: {  	s20 =	simm.s32 $0x400;
	[sflag:s26] =	ssyncadd.s32 $0xFFFFFF00  }
0x98: {  	[tilespmem:s10], [sflag:$0x8] =	stream.indirect.gather [hbm4b:s4+s6], $0x80, s20, s6, $0xb8;
	[tilespmem:$0x1FF00] =	vst v63  }
0x99: {  	_ =	swait.ge [sflag:s11], $0x4000  }
0x9a: {  	[sflag:s11] =	ssyncset.done $0x0  }
0x9b: {  	s21 =	simm.s32 $0x380;
	[sflag:s11] =	ssyncadd.s32 $0xFFFFC000  }
0x9c: {  	[spmem:s1] =	stream.indirect.scatter.add.f32 [tilespmem:s7], [sflag:$0xA], $0x80, s21, s6, $0xb8;
	[tilespmem:$0x1FF00] =	vst v63  }
0x9d: {  	_ =	swait.ge [sflag:s23], $0x4000  }
0x9e: {  	[sflag:s23] =	ssyncset.done $0x0;
	s20 =	rddreg [dreg:$0x12]  }
0x9f: {  	[sflag:s23] =	ssyncadd.s32 $0xFFFFC000;
	s5 =	sadd.s32 s0, s20  }
0xa0: {  	[tilespmem:s29], [sflag:$0x3] =	stream.linear.gather [hbm4b:s5+s2], $0x100, $0x38;
	[tilespmem:$0x1FF00] =	vst v63  }
0xa1: {  	_ =	swait.ge [sflag:s31], $0x100  }
0xa2: {  	[sflag:s31] =	ssyncset.done $0x0  }
0xa3: {  	s21 =	simm.s32 $0x500;
	[sflag:s31] =	ssyncadd.s32 $0xFFFFFF00  }
0xa4: {  	[tilespmem:s13], [sflag:$0x9] =	stream.indirect.gather [hbm4b:s4+s6], $0x80, s21, s6, $0xb8;
	[tilespmem:$0x1FF00] =	vst v63  }
0xa5: {  	_ =	swait.ge [sflag:s14], $0x4000  }
0xa6: {  	[sflag:s14] =	ssyncset.done $0x0  }
0xa7: {  	s20 =	simm.s32 $0x480;
	[sflag:s14] =	ssyncadd.s32 $0xFFFFC000  }
0xa8: {  	[spmem:s1] =	stream.indirect.scatter.add.f32 [tilespmem:s10], [sflag:$0xB], $0x80, s20, s6, $0xb8;
	[tilespmem:$0x1FF00] =	vst v63  }
0xa9: {  	p1 =	slt.u32 s15, $0xC;
	_ =	swait.ge [sflag:s16], $0x4000  }
0xaa: {  	s21 =	simm.s32 @p1 $0x300;
	[sflag:s16] =	ssyncset.done $0x0;
	s5 =	rddreg [dreg:$0x11]  }
0xab: {  	s20 =	simm.s32 @p1 $0x0;
	[sflag:s16] =	ssyncadd.s32 $0xFFFFC000;
	s5 =	sadd.s32 @p1 s0, s5  }
0xac: {  	[tilespmem:s21], [sflag:$0x4] =	stream.linear.gather @p1 [hbm4b:s5+s20], $0x100, $0x38;
	[tilespmem:$0x1FF00] =	vst v63  }
0xad: {  	_ =	swait.ge [sflag:s3], $0x100  }
0xae: {  	s0 =	sadd.s32 $0xC0, s0;
	[sflag:s3] =	ssyncset.done $0x0  }
0xaf: {  	p1 =	sne.s32 s0, $0xA80;
	[sflag:s3] =	ssyncadd.s32 $0xFFFFFF00  }
0xb0: {  	[tilespmem:s7], [sflag:$0x7] =	stream.indirect.gather [hbm4b:s4+s6], $0x80, s2, s6, $0xb8;
	[tilespmem:$0x1FF00] =	vst v63  }
.Ltmp3:
0xb1: {  	_ = 	snop;
	(pc) =	sbr.rel @p1 .LBB2_2-.Ltmp3, $4  }
.Ltmp4:
0xb2: {  	_ =	swait.ge [sflag:s17], $0x4000;
	(pc) =	sbr.rel @!p1 .LBB2_4-.Ltmp4, $4  }
0xb3: {  	s15 =	sadd.s32 $0x1, s15;
	s18 =	sadd.s32 $0x600, s18;
	[sflag:s17] =	ssyncset.done $0x0  }
0xb4: {  	s30 =	sadd.s32 $0x6, s30;
	s21 =	simm.s32 $0x580;
	[sflag:s17] =	ssyncadd.s32 $0xFFFFC000  }
0xb5: {  	[spmem:s1] =	stream.indirect.scatter.add.f32 [tilespmem:s13], [sflag:$0xC], $0x80, s21, s6, $0xb8;
	[tilespmem:$0x1FF00] =	vst v63  }
0xb6: {  	_ = 	snop  }
.LBB2_5:
0xb7: {  	_ =	sfence.sel $0x180000  }
0xb8: {  	[bflag:$0x0] =	sbarrier.arrive $0xFFFF  }
0xb9: {  	_ =	strace $0x9000004A  }
0xba: {  	s0 =	stileid.u32;
	[bflag:$0x2] =	sbarrier.arrive $0xFFFF  }
0xbb: {  	p0 =	sne.s32 s0, $0x0;
	s0 =	rddreg [dreg:$0x2]  }
0xbc: {  	s0 =	sadd.s32 @!p0 $0x100000, s0  }
0xbd: {  	[sflag:s0] =	ssyncadd.tile.s32 @!p0 $0x1;
	_ =	shalt  }
.Lfunc_end2:
_tile_overlayer_lowered:
.L_overlay_start_2:
0xbe: {  	(tag) =	ssettag $0x2  }
0xbf: {  	s0 =	rddreg [dreg:$0x0];
	s2 =	stileid.u32  }
0xc0: {  	s1 =	rddreg [dreg:$0x1];
	p0 =	sne.s32 s2, $0x0  }
0xc1: {  	s3 =	rddreg [dreg:$0x2];
	[bflag:$0x3] =	sbarrier.arrive $0xFFFF;
	s2 =	simm.s32 @!p0 $0x1C0D  }
0xc2: {  	[timem:s3], [sflag:s2] =	dma.local @!p0 [hbm:s0], s1  }
0xc3: {  	s0 =	simm.s32 @!p0 $0xD  }
0xc4: {  	_ =	swait.ge @!p0 [sflag:s0], s1  }
0xc5: {  	s1 =	ssub.s32 @!p0 $0x0, s1;
	[sflag:s0] =	ssyncset.done @!p0 $0x0  }
0xc6: {  	[sflag:s0] =	ssyncadd.s32 @!p0 s1  }
0xc7: {  	[bflag:$0x3] =	sbarrier.arrive $0xFFFF  }
0xc8: {  	_ =	shalt  }

// kernel: kernel.14.cloned.1.call-start
scs
__scs_entry_jumppad:
0x0: {  	(pc) =	sbr.rel $0x88, $3  }
0x1: {  	(tag) =	ssettag $0x0;
	lr =	simm.s32 $0x1  }
0x2: {  	[smem:$0x3F98] =	sst lr;
	_ =	strace $0xD0000000  }
0x3: {  	_ = 	snop  }
0x4: {  	_ = 	snop  }
0x5: {  	_ = 	snop  }
0x6: {  	_ = 	snop  }
0x7: {  	_ = 	snop  }
__scs_overlays_trampoline_lowered:
0x8: {  	[smem:$0x3FA7] =	sst s0  }
0x9: {  	[smem:$0x3FA8] =	sst s1  }
0xa: {  	[smem:$0x3FA9] =	sst s2  }
0xb: {  	[smem:$0x3FAA] =	sst s3  }
0xc: {  	[smem:$0x3FAB] =	sst s4  }
0xd: {  	[smem:$0x3FAC] =	sst s5  }
0xe: {  	[smem:$0x3FAD] =	sst s6  }
0xf: {  	[smem:$0x3FAE] =	sst s7  }
0x10: {  	[smem:$0x3FAF] =	sst s8  }
0x11: {  	[smem:$0x3FB0] =	sst s9;
	s0 =	simm.s32 @!p0 $0x0  }
0x12: {  	s1 =	sld [smem:$0x3F96];
	s0 =	simm.s32 @p0 $0x1  }
0x13: {  	[smem:$0x3FB1] =	sst s0;
	s0 =	simm.s32 @!p1 $0x0  }
0x14: {  	s2 =	sld [smem:$0x3F95];
	s0 =	simm.s32 @p1 $0x1  }
0x15: {  	[smem:$0x3FB2] =	sst s0;
	s0 =	simm.s32 @!p2 $0x0  }
0x16: {  	s3 =	sld [smem:$0x3FDB];
	s0 =	simm.s32 @p2 $0x1  }
0x17: {  	s4 =	simm.s32 $0x1BF5;
	[smem:$0x3FB4] =	sst s0  }
0x18: {  	s0 =	sld [smem:$0x3F97];
	_ =	swait.ge [sflag:s4], $0x0  }
0x19: {  	s7 =	sld [smem:$0x3F98]  }
0x1a: {  	s8 =	sadd.s32 $0xFFFFE003, lr  }
0x1b: {  	s9 =	sadd.s32 $0xFFFFFEF7, lr;
	s5 =	simm.s32 $0xFFFFFFFF;
	p2 =	slt.u32 s8, $0xFFFFF086  }
0x1c: {  	p1 =	slt.u32 s9, $0xF7A;
	s5 =	simm.s32 @!p2 $0x0  }
0x1d: {  	s5 =	simm.s32 @p1 $0x1;
	p0 =	seq.s32 s7, s2  }
0x1e: {  	s7 =	smul.u32 @!p0 $0xF7A, s2;
	p2 =	seq.s32 @!p0 s5, $0x0  }
0x1f: {  	s9 =	smul.u32 $0xF7A, s1;
	s8 =	simm.s32 @!p0 $0x1BF5;
	p2 =	por !p2, p0  }
0x20: {  	[sflag:s8] =	ssyncset.s32 @!p0 $0xFFFFF086;
	s6 =	sadd.s32 @!p0 s3, s7;
	s7 =	simm.s32 @!p0 $0x108  }
0x21: {  	s3 =	sadd.s32 s3, s9;
	s6 =	sadd.s32 @!p0 $0x88, s6;
	s7 =	simm.s32 @p2 $0x1082  }
0x22: {  	[simem:s7], [sflag:s8] =	dma.local @!p0 [hbm:s6], $0xF7A  }
0x23: {  	s9 =	sor.u32 $0xD0000000, s2;
	s6 =	simm.s32 $0x108;
	_ =	swait.ge @!p0 [sflag:s8], $0x0  }
0x24: {  	s3 =	sadd.s32 $0x88, s3;
	s6 =	simm.s32 @!p1 $0x1082;
	[sflag:s4] =	ssyncset.s32 $0xFFFFF086  }
0x25: {  	[simem:s6], [sflag:s4] =	dma.local [hbm:s3], $0xF7A  }
0x26: {  	[smem:$0x3F98] =	sst s1;
	(tag) =	ssettag s2;
	_ =	strace s9  }
0x27: {  	s1 =	sld [smem:$0x3FA8]  }
0x28: {  	s2 =	sld [smem:$0x3FA9]  }
0x29: {  	s4 =	sld [smem:$0x3FAB]  }
0x2a: {  	p0 =	seq.s32 s5, $0x0;
	s5 =	sld [smem:$0x3FAC]  }
0x2b: {  	s6 =	sld [smem:$0x3FAD]  }
0x2c: {  	s7 =	sld [smem:$0x3FAE]  }
0x2d: {  	s3 =	simm.s32 $0x108;
	s8 =	sld [smem:$0x3FAF]  }
0x2e: {  	s3 =	simm.s32 @!p0 $0x1082;
	s9 =	sld [smem:$0x3FB0]  }
0x2f: {  	lr =	sadd.s32 s0, s3;
	s0 =	sld [smem:$0x3FA7]  }
0x30: {  	s3 =	sld [smem:$0x3FAA]  }
0x31: {  	[smem:$0x3FB3] =	sst s10  }
0x32: {  	s10 =	sld [smem:$0x3FB1];
	_ =	sdelay $0x3  }
0x33: {  	p0 =	seq.s32 s10, $0x1;
	s10 =	sld [smem:$0x3FB3];
	_ =	sdelay $0x3  }
0x34: {  	[smem:$0x3FB3] =	sst s10  }
0x35: {  	s10 =	sld [smem:$0x3FB2];
	_ =	sdelay $0x3  }
0x36: {  	p1 =	seq.s32 s10, $0x1;
	s10 =	sld [smem:$0x3FB3];
	_ =	sdelay $0x3  }
0x37: {  	[smem:$0x3FB3] =	sst s10  }
0x38: {  	s10 =	sld [smem:$0x3FB4]  }
0x39: {  	_ = 	snop;
	(pc) =	sbr.ind lr, $3  }
0x3a: {  	_ = 	snop  }
0x3b: {  	_ = 	snop  }
0x3c: {  	p2 =	seq.s32 s10, $0x1;
	s10 =	sld [smem:$0x3FB3]  }
0x3d: {  	_ =	shalt  }
0x3e: {  	_ =	shalt  }
0x3f: {  	_ =	shalt  }
0x40: {  	_ =	shalt  }
0x41: {  	_ =	shalt  }
0x42: {  	_ =	shalt  }
0x43: {  	_ =	shalt  }
0x44: {  	_ =	shalt  }
0x45: {  	_ =	shalt  }
0x46: {  	_ =	shalt  }
0x47: {  	_ =	shalt  }
0x48: {  	_ =	shalt  }
0x49: {  	_ =	shalt  }
0x4a: {  	_ =	shalt  }
0x4b: {  	_ =	shalt  }
0x4c: {  	_ =	shalt  }
0x4d: {  	_ =	shalt  }
0x4e: {  	_ =	shalt  }
0x4f: {  	_ =	shalt  }
0x50: {  	_ =	shalt  }
0x51: {  	_ =	shalt  }
0x52: {  	_ =	shalt  }
0x53: {  	_ =	shalt  }
0x54: {  	_ =	shalt  }
0x55: {  	_ =	shalt  }
0x56: {  	_ =	shalt  }
0x57: {  	_ =	shalt  }
0x58: {  	_ =	shalt  }
0x59: {  	_ =	shalt  }
0x5a: {  	_ =	shalt  }
0x5b: {  	_ =	shalt  }
0x5c: {  	_ =	shalt  }
0x5d: {  	_ =	shalt  }
0x5e: {  	_ =	shalt  }
0x5f: {  	_ =	shalt  }
0x60: {  	_ =	shalt  }
0x61: {  	_ =	shalt  }
0x62: {  	_ =	shalt  }
0x63: {  	_ =	shalt  }
0x64: {  	_ =	shalt  }
0x65: {  	_ =	shalt  }
0x66: {  	_ =	shalt  }
0x67: {  	_ =	shalt  }
0x68: {  	_ =	shalt  }
0x69: {  	_ =	shalt  }
0x6a: {  	_ =	shalt  }
0x6b: {  	_ =	shalt  }
0x6c: {  	_ =	shalt  }
0x6d: {  	_ =	shalt  }
0x6e: {  	_ =	shalt  }
0x6f: {  	_ =	shalt  }
0x70: {  	_ =	shalt  }
0x71: {  	_ =	shalt  }
0x72: {  	_ =	shalt  }
0x73: {  	_ =	shalt  }
0x74: {  	_ =	shalt  }
0x75: {  	_ =	shalt  }
0x76: {  	_ =	shalt  }
0x77: {  	_ =	shalt  }
0x78: {  	_ =	shalt  }
0x79: {  	_ =	shalt  }
0x7a: {  	_ =	shalt  }
0x7b: {  	_ =	shalt  }
0x7c: {  	_ =	shalt  }
0x7d: {  	_ =	shalt  }
0x7e: {  	_ =	shalt  }
0x7f: {  	_ =	shalt  }
0x80: {  	_ =	shalt  }
0x81: {  	_ =	shalt  }
0x82: {  	_ =	shalt  }
0x83: {  	_ =	shalt  }
0x84: {  	_ =	shalt  }
0x85: {  	_ =	shalt  }
0x86: {  	_ =	shalt  }
0x87: {  	_ =	shalt  }
.Lfunc_end0:
.L_simem_size_0:
called_computation.2_lowered:
.L_overlay_start_0:
0x88: {  	s2 =	sld [smem:$0x3FD9]  }
0x89: {  	s3 =	sld [smem:$0x3FFE];
	_ =	sdelay $0x1  }
0x8a: {  	s1 =	srdreg.scid  }
0x8b: {  	s0 =	sand.u32 $0x1, s1  }
0x8c: {  	s16 =	sshll.u32 s0, $0xA;
	s2 =	sadd.s32 s3, s2  }
0x8d: {  	s2 =	sadd.s32 s2, s16  }
0x8e: {  	[smem:$0x3FBF] =	sst s2  }
0x8f: {  	_ = 	snop  }
0x90: {  	(tm) =	ssettm $0x1  }
0x91: {  	s17 =	sld [smem:$0x3FFB];
	_ =	sdelay $0x3  }
0x92: {  	_ =	strace s17  }
0x93: {  	s2 =	sld [smem:$0x3FFC];
	_ =	sdelay $0x3  }
0x94: {  	_ =	strace s2  }
0x95: {  	s2 =	sld [smem:$0x3FFD];
	_ =	sdelay $0x3  }
0x96: {  	_ =	strace s2  }
0x97: {  	_ =	strace $0x8FFFFFFF  }
0x98: {  	s18 =	sld [smem:$0x3FDB];
	_ =	sdelay $0x1  }
0x99: {  	s19 =	simm.s32 $_scs_section_size  }
0x9a: {  	s4 =	simm.s32 $_size__tile_overlayer_lowered;
	s5 =	simm.s32 $_tile_overlayer_lowered  }
0x9b: {  	s22 =	simm.s32 $0x1BFF;
	s21 =	sshll.u32 s5, $0x1;
	s2 =	sadd.s32 s19, s18  }
0x9c: {  	s6 =	simm.s32 $0x0;
	s20 =	sshll.u32 s4, $0x1;
	s4 =	sadd.s32 s21, s2  }
0x9d: {  	[timem:s6], [sflag:s22] =	dma.local [hbm:s4], s20  }
0x9e: {  	_ =	swait.ge [sflag:s22], s20  }
0x9f: {  	s3 =	ssub.s32 $0x0, s20;
	[sflag:s22] =	ssyncset.done $0x0  }
0xa0: {  	[sflag:s22] =	ssyncadd.s32 s3;
	_ =	sdelay $0x1  }
0xa1: {  	s23 =	simm.s32 $0x1B8B  }
0xa2: {  	_ =	swait.ge [sflag:s23], $0x1  }
0xa3: {  	[sflag:s23] =	ssyncset.done $0x0  }
0xa4: {  	s25 =	simm.s32 $0x1B8E;
	s24 =	sld [smem:$0x3FFE];
	[sflag:s23] =	ssyncadd.s32 $0xFFFFFFFF  }
0xa5: {  	s26 =	simm.s32 $execute0_lowered;
	[smem:$0x3FD2] =	sst s25  }
0xa6: {  	s4 =	sshll.u32 s26, $0x1;
	_ =	strace $0x8000004C;
	[dreg:$0x1] =	wrdreg $0xFFFFFFFF  }
0xa7: {  	s28 =	simm.s32 $_size_execute0_lowered;
	s2 =	sadd.s32 s2, s4;
	[dreg:$0x0] =	wrdreg $0x0  }
0xa8: {  	s4 =	sshll.u32 s28, $0x1;
	[dreg:$0x2] =	wrdreg s2  }
0xa9: {  	[dreg:$0x3] =	wrdreg s4  }
0xaa: {  	[dreg:$0x4] =	wrdreg $0xC0  }
0xab: {  	_ =	task [dreg:s6], $0x5FFFF  }
0xac: {  	[dreg:$0x1] =	wrdreg $0xFFFFFFFF  }
0xad: {  	[dreg:$0x0] =	wrdreg $0x60  }
0xae: {  	[dreg:$0x2] =	wrdreg s24  }
0xaf: {  	[dreg:$0x3] =	wrdreg $0xC6000  }
0xb0: {  	[dreg:$0x4] =	wrdreg $0x9  }
0xb1: {  	_ =	task.clear_ibuf [dreg:s6], $0x5FFFF;
	_ =	strace $0x9000004C  }
0xb2: {  	s29 =	simm.s32 $0x9;
	_ =	strace $0x8000004E  }
0xb3: {  	_ =	swait.ge [sflag:s29], $0x1  }
0xb4: {  	[sflag:s29] =	ssyncadd.s32 $0xFFFFFFFF  }
0xb5: {  	_ =	strace $0x9000004E  }
0xb6: {  	_ =	sfence  }
0xb7: {  	s30 =	sld [smem:$0x0];
	_ =	sdelay $0x2  }
0xb8: {  	s31 =	sshll.u32 s1, $0xD;
	s1 =	sshrl.u32 s1, $0x2  }
0xb9: {  	s3 =	sand.u32 $0x4000, s31;
	s1 =	sadd.s32 s1, s30  }
0xba: {  	s0 =	sor.u32 s3, s0;
	s1 =	sshll.u32 s1, $0x11  }
0xbb: {  	s0 =	sor.u32 s1, s0  }
0xbc: {  	s0 =	sadd.s32 $0x8F2B, s0  }
0xbd: {  	[sflag:s0] =	ssyncadd.remote.s32 $0x1  }
0xbe: {  	_ =	sfence.sel $0xFFFF  }
0xbf: {  	[dreg:$0x0] =	wrdreg $0xFFFFFFFF;
	(pc) =	sbr.abs _section_cstart, $3  }
0xc0: {  	[dreg:$0x1] =	wrdreg $0xFFFFFFFF  }
0xc1: {  	_ =	task.clear_ibuf [dreg:s6], $0x2FFFF;
	_ =	strace $0x9FFFFFFF  }
0xc2: {  	(tm) =	ssettm $0x7FFFFFFF  }
0xc3: {  	_ =	shalt  }
tec
execute0_lowered:
.L_overlay_start_1:
0x0: {  	(tag) =	ssettag $0x1  }
0x1: {  	s0 =	rddreg [dreg:$0x0]  }
0x2: {  	s1 =	rddreg [dreg:$0x1];
	s2 =	simm.s32 $0x0;
	s3 =	srdreg.scid  }
0x3: {  	s5 =	stileid.u32;
	s28 =	simm.s32 $0x100;
	s29 =	simm.s32 $0x200  }
0x4: {  	s31 =	simm.s32 $0x6;
	[smem:$0x7FF] =	sst s2;
	s6 =	smul.u32 $0x2780, s5  }
0x5: {  	s4 =	sadd.s32 $0x16C00, s0;
	s3 =	sand.u32 $0x1, s3;
	s9 =	smul.u32 $0x4F000, s5  }
0x6: {  	s12 =	sadd.s32 $0x2800, s0;
	s11 =	sadd.s32 $0x66C00, s0;
	s30 =	smul.u32 $0x13C00, s5  }
0x7: {  	s23 =	sadd.s32 $0x128400, s1;
	s25 =	sadd.s32 $0x63C80, s0;
	s15 =	smul.u32 $0x5100, s5  }
0x8: {  	p0 =	seq.s32 s5, $0xF;
	_ =	strace $0x8000004D;
	s7 =	sshll.u32 s3, $0x4  }
0x9: {  	s8 =	ssub.s32 $0x2, s3;
	[dreg:$0x5] =	wrdreg s23;
	s24 =	smul.u32 $0x140000, s3  }
0xa: {  	[dreg:$0x7] =	wrdreg s25;
	s3 =	smul.u32 $0x51000, s3;
	s7 =	sor.u32 s5, s7  }
0xb: {  	s6 =	sadd.s32 s6, s0;
	s10 =	sshrl.u32 s8, $0x1;
	s9 =	sshrl.u32 s9, $0x2  }
0xc: {  	s0 =	sadd.s32 $0x65E00, s0;
	s7 =	smul.u32 $0x5100, s7;
	s8 =	ssub.s32 s8, s10  }
0xd: {  	s9 =	sadd.s32 s9, s1;
	s6 =	sadd.s32 $0x3EC00, s6;
	[dreg:$0xf] =	wrdreg s0  }
0xe: {  	s3 =	sadd.s32 s15, s3;
	s15 =	simm.s32 $0x0;
	[dreg:$0x3] =	wrdreg s9  }
0xf: {  	[dreg:$0x4] =	wrdreg s6;
	s6 =	sshrl.u32 s24, $0x3;
	s17 =	sadd.s32 $0x900, s3  }
0x10: {  	s18 =	smax.u32 s8, $0x1;
	s19 =	sadd.s32 $0x800, s3;
	s21 =	sadd.s32 $0x700, s3  }
0x11: {  	s23 =	sadd.s32 $0x500, s3;
	s25 =	sadd.s32 $0x400, s3;
	s3 =	sadd.s32 $0x600, s3  }
0x12: {  	s8 =	simm.s32 $0x2;
	s9 =	simm.s32 $0x4;
	s22 =	sshrl.u32 s7, $0x3  }
0x13: {  	s7 =	sadd.s32 s30, s24;
	s6 =	sadd.s32 s11, s6;
	[dreg:$0x10] =	wrdreg s18  }
0x14: {  	s0 =	sshrl.u32 s17, $0x3;
	s20 =	sshrl.u32 s19, $0x3;
	s24 =	sshrl.u32 s23, $0x3  }
0x15: {  	[dreg:$0x14] =	wrdreg s3;
	s3 =	simm.s32 $0x1;
	s17 =	simm.s32 $0x9  }
0x16: {  	s19 =	simm.s32 $0xB;
	s23 =	simm.s32 $0xC;
	s16 =	sadd.s32 $0x25080, s6  }
0x17: {  	s10 =	sadd.s32 s12, s22;
	s6 =	sadd.s32 $0x27200, s6;
	[dreg:$0xd] =	wrdreg s16  }
0x18: {  	s7 =	sshrl.u32 s7, $0x3;
	s0 =	sadd.s32 s0, s12;
	[dreg:$0xe] =	wrdreg s6  }
0x19: {  	s22 =	sshrl.u32 s21, $0x3;
	s24 =	sadd.s32 s24, s12;
	[dreg:$0x11] =	wrdreg s0  }
0x1a: {  	s26 =	sadd.s32 $0x20, s10;
	s13 =	sadd.s32 $0x40, s10;
	[dreg:$0x6] =	wrdreg s10  }
0x1b: {  	s14 =	sadd.s32 $0x60, s10;
	s7 =	sadd.s32 s11, s7;
	[dreg:$0x8] =	wrdreg s26  }
0x1c: {  	s0 =	sadd.s32 s20, s12;
	s30 =	sadd.s32 $0xA0, s10;
	[dreg:$0x9] =	wrdreg s13  }
0x1d: {  	s6 =	simm.s32 $0x80;
	s11 =	simm.s32 $0x7;
	[dreg:$0xa] =	wrdreg s14  }
0x1e: {  	s16 =	simm.s32 $0xA;
	s13 =	sadd.s32 $0x80, s10;
	[dreg:$0xc] =	wrdreg s7  }
.Ltmp0:
0x1f: {  	[dreg:$0x12] =	wrdreg s0;
	s0 =	sadd.s32 s22, s12;
	(pc) =	sbr.rel .LBB2_1-.Ltmp0, $4  }
0x20: {  	s26 =	sshrl.u32 s25, $0x3;
	s22 =	smov.u32 s12;
	[dreg:$0x15] =	wrdreg s30  }
0x21: {  	s7 =	simm.s32 $0x600;
	s10 =	simm.s32 $0x4600;
	[dreg:$0xb] =	wrdreg s13  }
0x22: {  	s14 =	simm.s32 $0x8;
	[dreg:$0x13] =	wrdreg s0;
	s25 =	sadd.s32 s26, s12  }
0x23: {  	s12 =	simm.s32 $0x3;
	s13 =	simm.s32 $0x8600;
	s26 =	simm.s32 $0x5  }
.LBB2_6:
0x24: {  	_ =	swait.ge [sflag:s17], $0x4000  }
0x25: {  	[sflag:s17] =	ssyncset.done $0x0  }
0x26: {  	s0 =	simm.s32 $0x280;
	[sflag:s17] =	ssyncadd.s32 $0xFFFFC000  }
0x27: {  	[spmem:s1] =	stream.indirect.scatter.add.f32 [tilespmem:s13], [sflag:$0xC], $0x80, s0, s6, $0xb8;
	[tilespmem:$0x1FF00] =	vst v63  }
0x28: {  	_ =	swait.ge [sflag:s19], $0x4000  }
0x29: {  	[sflag:s19] =	ssyncset.done $0x0  }
0x2a: {  	[sflag:s19] =	ssyncadd.s32 $0xFFFFC000  }
0x2b: {  	_ =	swait.ge [sflag:s23], $0x4000  }
0x2c: {  	[sflag:s23] =	ssyncset.done $0x0  }
0x2d: {  	[sflag:s23] =	ssyncadd.s32 $0xFFFFC000  }
.LBB2_4:
0x2e: {  	[bflag:$0x0] =	sbarrier.arrive $0xFFFF  }
0x2f: {  	s5 =	rddreg [dreg:$0xd]  }
0x30: {  	s0 =	simm.s32 @p0 $0x1FCD;
	s15 =	rddreg [dreg:$0x19]  }
0x31: {  	[hbm:s5], [sflag:s0] =	dma.local @p0 [spmem:s15], $0x2180  }
0x32: {  	s5 =	simm.s32 @p0 $0xD  }
0x33: {  	_ =	swait.ge @p0 [sflag:s5], $0x2180  }
0x34: {  	[sflag:s5] =	ssyncset.done @p0 $0x0;
	s15 =	rddreg [dreg:$0xe]  }
0x35: {  	s18 =	rddreg [dreg:$0xf];
	[sflag:s5] =	ssyncadd.s32 @p0 $0xFFFFDE80  }
0x36: {  	[hbm:s15], [sflag:s0] =	dma.local @p0 [hbm:s18], $0xE00  }
0x37: {  	_ =	swait.ge @p0 [sflag:s5], $0xE00  }
0x38: {  	s0 =	rddreg [dreg:$0xc]  }
0x39: {  	[sflag:s5] =	ssyncset.done @p0 $0x0;
	s15 =	rddreg [dreg:$0x18]  }
0x3a: {  	[sflag:s5] =	ssyncadd.s32 @p0 $0xFFFFF200;
	s5 =	rddreg [dreg:$0x17]  }
0x3b: {  	[hbm:s0], [sflag:s5] =	dma.local @!p0 [spmem:s15], $0x2780  }
0x3c: {  	s0 =	simm.s32 @!p0 $0xD  }
0x3d: {  	_ =	swait.ge @!p0 [sflag:s0], $0x2780  }
0x3e: {  	s21 =	rddreg [dreg:$0x16]  }
0x3f: {  	s30 =	rddreg [dreg:$0x10];
	s15 =	sadd.s32 $0x1, s21  }
0x40: {  	p1 =	sne.s32 s15, s30  }
.Ltmp1:
0x41: {  	_ = 	snop;
	(pc) =	sbr.rel @!p1 .LBB2_5-.Ltmp1, $3  }
0x42: {  	_ =	sdelay $0x1  }
0x43: {  	[sflag:s0] =	ssyncset.done @!p0 $0x0  }
0x44: {  	[sflag:s0] =	ssyncadd.s32 @!p0 $0xFFFFD880  }
.LBB2_1:
0x45: {  	[dreg:$0x16] =	wrdreg s15  }
0x46: {  	s0 =	rddreg [dreg:$0x5]  }
0x47: {  	s5 =	rddreg [dreg:$0x7];
	s15 =	sshrl.u32 @p0 s0, $0x3  }
0x48: {  	s0 =	simm.s32 @p0 $0x1FCD;
	[dreg:$0x19] =	wrdreg s15  }
0x49: {  	[spmem:s15], [sflag:s0] =	dma.local @p0 [hbm:s5], $0x2180  }
0x4a: {  	s0 =	simm.s32 @p0 $0xD  }
0x4b: {  	s5 =	stileid.u32;
	_ =	swait.ge @p0 [sflag:s0], $0x2180  }
0x4c: {  	s15 =	sshll.u32 @!p0 s5, $0x6;
	[sflag:s0] =	ssyncset.done @p0 $0x0  }
0x4d: {  	s5 =	sor.u32 @!p0 $0x1C0D, s15;
	[sflag:s0] =	ssyncadd.s32 @p0 $0xFFFFDE80;
	s0 =	rddreg [dreg:$0x3]  }
0x4e: {  	[dreg:$0x17] =	wrdreg s5  }
0x4f: {  	s15 =	sshrl.u32 @!p0 s0, $0x3;
	s0 =	rddreg [dreg:$0x4]  }
0x50: {  	[dreg:$0x18] =	wrdreg s15  }
0x51: {  	[spmem:s15], [sflag:s5] =	dma.local @!p0 [hbm:s0], $0x2780  }
0x52: {  	s0 =	simm.s32 @!p0 $0xD  }
0x53: {  	_ =	swait.ge @!p0 [sflag:s0], $0x2780  }
0x54: {  	[sflag:s0] =	ssyncset.done @!p0 $0x0  }
0x55: {  	s5 =	rddreg [dreg:$0x6];
	[sflag:s0] =	ssyncadd.s32 @!p0 $0xFFFFD880  }
0x56: {  	[tilespmem:s2], [sflag:$0x1] =	stream.linear.gather [hbm4b:s5+s2], $0x100, $0x38;
	[tilespmem:$0x1FF00] =	vst v63  }
0x57: {  	s15 =	rddreg [dreg:$0x8]  }
0x58: {  	[tilespmem:s28], [sflag:$0x2] =	stream.linear.gather [hbm4b:s15+s2], $0x100, $0x38;
	[tilespmem:$0x1FF00] =	vst v63  }
0x59: {  	s18 =	rddreg [dreg:$0x9]  }
0x5a: {  	[tilespmem:s29], [sflag:$0x3] =	stream.linear.gather [hbm4b:s18+s2], $0x100, $0x38;
	[tilespmem:$0x1FF00] =	vst v63  }
0x5b: {  	s21 =	simm.s32 $0x300;
	s20 =	rddreg [dreg:$0xa]  }
0x5c: {  	[tilespmem:s21], [sflag:$0x4] =	stream.linear.gather [hbm4b:s20+s2], $0x100, $0x38;
	[tilespmem:$0x1FF00] =	vst v63  }
0x5d: {  	s15 =	rddreg [dreg:$0xb];
	s18 =	simm.s32 $0x400  }
0x5e: {  	[tilespmem:s18], [sflag:$0x5] =	stream.linear.gather [hbm4b:s15+s2], $0x100, $0x38;
	[tilespmem:$0x1FF00] =	vst v63  }
0x5f: {  	s20 =	rddreg [dreg:$0x15];
	s21 =	simm.s32 $0x500  }
0x60: {  	[tilespmem:s21], [sflag:$0x6] =	stream.linear.gather [hbm4b:s20+s2], $0x100, $0x38;
	[tilespmem:$0x1FF00] =	vst v63  }
0x61: {  	_ =	swait.ge [sflag:s3], $0x100  }
0x62: {  	[sflag:s3] =	ssyncset.done $0x0  }
0x63: {  	[sflag:s3] =	ssyncadd.s32 $0xFFFFFF00  }
0x64: {  	[tilespmem:s7], [sflag:$0x7] =	stream.indirect.gather [hbm4b:s4+s6], $0x80, s2, s6, $0xb8;
	[tilespmem:$0x1FF00] =	vst v63  }
0x65: {  	s30 =	simm.s32 $0xFFFFFFFE;
	[bflag:$0x0] =	sbarrier.arrive $0xFFFF  }
0x66: {  	s0 =	simm.s32 $0x0;
	s15 =	simm.s32 $0x0;
	s18 =	rddreg [dreg:$0x14]  }
.LBB2_2:
0x67: {  	p1 =	sgt.u32 s30, $0x50  }
0x68: {  	s5 =	simm.s32 @!p1 $0xB  }
0x69: {  	_ =	swait.ge @!p1 [sflag:s5], $0x4000  }
0x6a: {  	p2 =	seq.s32 @!p1 s0, $0x9C0;
	[sflag:s5] =	ssyncset.done @!p1 $0x0  }
0x6b: {  	[sflag:s5] =	ssyncadd.s32 @!p1 $0xFFFFC000;
	p1 =	por p2, p1  }
0x6c: {  	s5 =	sadd.s32 @!p1 s0, s25;
	s20 =	simm.s32 @!p1 $0x0;
	s21 =	simm.s32 @!p1 $0x400  }
0x6d: {  	[tilespmem:s21], [sflag:$0x5] =	stream.linear.gather @!p1 [hbm4b:s5+s20], $0x100, $0x38;
	[tilespmem:$0x1FF00] =	vst v63  }
0x6e: {  	_ =	swait.ge [sflag:s8], $0x100  }
0x6f: {  	[sflag:s8] =	ssyncset.done $0x0  }
0x70: {  	[sflag:s8] =	ssyncadd.s32 $0xFFFFFF00  }
0x71: {  	[tilespmem:s10], [sflag:$0x8] =	stream.indirect.gather [hbm4b:s4+s6], $0x80, s28, s6, $0xb8;
	[tilespmem:$0x1FF00] =	vst v63  }
0x72: {  	_ =	swait.ge [sflag:s11], $0x4000  }
0x73: {  	p1 =	seq.s32 s0, $0x0;
	[sflag:s11] =	ssyncset.done $0x0  }
0x74: {  	s5 =	simm.s32 @!p1 $0xC;
	[sflag:s11] =	ssyncadd.s32 $0xFFFFC000  }
0x75: {  	[spmem:s1] =	stream.indirect.scatter.add.f32 [tilespmem:s7], [sflag:$0xA], $0x80, s6, s6, $0xb8;
	[tilespmem:$0x1FF00] =	vst v63  }
0x76: {  	_ =	swait.ge @!p1 [sflag:s5], $0x4000  }
0x77: {  	p2 =	seq.s32 @!p1 s0, $0x9C0;
	[sflag:s5] =	ssyncset.done @!p1 $0x0  }
0x78: {  	[sflag:s5] =	ssyncadd.s32 @!p1 $0xFFFFC000;
	p1 =	por p2, p1  }
0x79: {  	s5 =	sadd.s32 @!p1 s0, s24;
	s20 =	simm.s32 @!p1 $0x0;
	s21 =	simm.s32 @!p1 $0x500  }
0x7a: {  	[tilespmem:s21], [sflag:$0x6] =	stream.linear.gather @!p1 [hbm4b:s5+s20], $0x100, $0x38;
	[tilespmem:$0x1FF00] =	vst v63  }
0x7b: {  	_ =	swait.ge [sflag:s12], $0x100  }
0x7c: {  	[sflag:s12] =	ssyncset.done $0x0  }
0x7d: {  	[sflag:s12] =	ssyncadd.s32 $0xFFFFFF00  }
0x7e: {  	[tilespmem:s13], [sflag:$0x9] =	stream.indirect.gather [hbm4b:s4+s6], $0x80, s29, s6, $0xb8;
	[tilespmem:$0x1FF00] =	vst v63  }
0x7f: {  	_ =	swait.ge [sflag:s14], $0x4000  }
0x80: {  	p1 =	seq.s32 s0, $0x9C0;
	[sflag:s14] =	ssyncset.done $0x0  }
.Ltmp2:
0x81: {  	s21 =	simm.s32 $0x180;
	[sflag:s14] =	ssyncadd.s32 $0xFFFFC000;
	(pc) =	sbr.rel @p1 .LBB2_6-.Ltmp2, $4  }
0x82: {  	[spmem:s1] =	stream.indirect.scatter.add.f32 [tilespmem:s10], [sflag:$0xB], $0x80, s21, s6, $0xb8;
	[tilespmem:$0x1FF00] =	vst v63  }
0x83: {  	_ =	swait.ge [sflag:s16], $0x4000  }
0x84: {  	[sflag:s16] =	ssyncset.done $0x0  }
0x85: {  	[sflag:s16] =	ssyncadd.s32 $0xFFFFC000  }
0x86: {  	s5 =	sshrl.u32 s18, $0x3  }
0x87: {  	s5 =	sadd.s32 s22, s5  }
0x88: {  	[tilespmem:s2], [sflag:$0x1] =	stream.linear.gather [hbm4b:s5+s2], $0x100, $0x38;
	[tilespmem:$0x1FF00] =	vst v63  }
0x89: {  	_ =	swait.ge [sflag:s9], $0x100  }
0x8a: {  	[sflag:s9] =	ssyncset.done $0x0  }
0x8b: {  	s21 =	simm.s32 $0x300;
	[sflag:s9] =	ssyncadd.s32 $0xFFFFFF00  }
0x8c: {  	[tilespmem:s7], [sflag:$0x7] =	stream.indirect.gather [hbm4b:s4+s6], $0x80, s21, s6, $0xb8;
	[tilespmem:$0x1FF00] =	vst v63  }
0x8d: {  	_ =	swait.ge [sflag:s17], $0x4000  }
0x8e: {  	[sflag:s17] =	ssyncset.done $0x0  }
0x8f: {  	s20 =	simm.s32 $0x280;
	[sflag:s17] =	ssyncadd.s32 $0xFFFFC000  }
0x90: {  	[spmem:s1] =	stream.indirect.scatter.add.f32 [tilespmem:s13], [sflag:$0xC], $0x80, s20, s6, $0xb8;
	[tilespmem:$0x1FF00] =	vst v63  }
0x91: {  	_ =	swait.ge [sflag:s19], $0x4000  }
0x92: {  	[sflag:s19] =	ssyncset.done $0x0;
	s21 =	rddreg [dreg:$0x13]  }
0x93: {  	[sflag:s19] =	ssyncadd.s32 $0xFFFFC000;
	s5 =	sadd.s32 s0, s21  }
0x94: {  	[tilespmem:s28], [sflag:$0x2] =	stream.linear.gather [hbm4b:s5+s2], $0x100, $0x38;
	[tilespmem:$0x1FF00] =	vst v63  }
0x95: {  	_ =	swait.ge [sflag:s26], $0x100  }
0x96: {  	[sflag:s26] =	ssyncset.done $0x0  }
0x97: {  	s20 =	simm.s32 $0x400;
	[sflag:s26] =	ssyncadd.s32 $0xFFFFFF00  }
0x98: {  	[tilespmem:s10], [sflag:$0x8] =	stream.indirect.gather [hbm4b:s4+s6], $0x80, s20, s6, $0xb8;
	[tilespmem:$0x1FF00] =	vst v63  }
0x99: {  	_ =	swait.ge [sflag:s11], $0x4000  }
0x9a: {  	[sflag:s11] =	ssyncset.done $0x0  }
0x9b: {  	s21 =	simm.s32 $0x380;
	[sflag:s11] =	ssyncadd.s32 $0xFFFFC000  }
0x9c: {  	[spmem:s1] =	stream.indirect.scatter.add.f32 [tilespmem:s7], [sflag:$0xA], $0x80, s21, s6, $0xb8;
	[tilespmem:$0x1FF00] =	vst v63  }
0x9d: {  	_ =	swait.ge [sflag:s23], $0x4000  }
0x9e: {  	[sflag:s23] =	ssyncset.done $0x0;
	s20 =	rddreg [dreg:$0x12]  }
0x9f: {  	[sflag:s23] =	ssyncadd.s32 $0xFFFFC000;
	s5 =	sadd.s32 s0, s20  }
0xa0: {  	[tilespmem:s29], [sflag:$0x3] =	stream.linear.gather [hbm4b:s5+s2], $0x100, $0x38;
	[tilespmem:$0x1FF00] =	vst v63  }
0xa1: {  	_ =	swait.ge [sflag:s31], $0x100  }
0xa2: {  	[sflag:s31] =	ssyncset.done $0x0  }
0xa3: {  	s21 =	simm.s32 $0x500;
	[sflag:s31] =	ssyncadd.s32 $0xFFFFFF00  }
0xa4: {  	[tilespmem:s13], [sflag:$0x9] =	stream.indirect.gather [hbm4b:s4+s6], $0x80, s21, s6, $0xb8;
	[tilespmem:$0x1FF00] =	vst v63  }
0xa5: {  	_ =	swait.ge [sflag:s14], $0x4000  }
0xa6: {  	[sflag:s14] =	ssyncset.done $0x0  }
0xa7: {  	s20 =	simm.s32 $0x480;
	[sflag:s14] =	ssyncadd.s32 $0xFFFFC000  }
0xa8: {  	[spmem:s1] =	stream.indirect.scatter.add.f32 [tilespmem:s10], [sflag:$0xB], $0x80, s20, s6, $0xb8;
	[tilespmem:$0x1FF00] =	vst v63  }
0xa9: {  	p1 =	slt.u32 s15, $0xC;
	_ =	swait.ge [sflag:s16], $0x4000  }
0xaa: {  	s21 =	simm.s32 @p1 $0x300;
	[sflag:s16] =	ssyncset.done $0x0;
	s5 =	rddreg [dreg:$0x11]  }
0xab: {  	s20 =	simm.s32 @p1 $0x0;
	[sflag:s16] =	ssyncadd.s32 $0xFFFFC000;
	s5 =	sadd.s32 @p1 s0, s5  }
0xac: {  	[tilespmem:s21], [sflag:$0x4] =	stream.linear.gather @p1 [hbm4b:s5+s20], $0x100, $0x38;
	[tilespmem:$0x1FF00] =	vst v63  }
0xad: {  	_ =	swait.ge [sflag:s3], $0x100  }
0xae: {  	s0 =	sadd.s32 $0xC0, s0;
	[sflag:s3] =	ssyncset.done $0x0  }
0xaf: {  	p1 =	sne.s32 s0, $0xA80;
	[sflag:s3] =	ssyncadd.s32 $0xFFFFFF00  }
0xb0: {  	[tilespmem:s7], [sflag:$0x7] =	stream.indirect.gather [hbm4b:s4+s6], $0x80, s2, s6, $0xb8;
	[tilespmem:$0x1FF00] =	vst v63  }
.Ltmp3:
0xb1: {  	_ = 	snop;
	(pc) =	sbr.rel @p1 .LBB2_2-.Ltmp3, $4  }
.Ltmp4:
0xb2: {  	_ =	swait.ge [sflag:s17], $0x4000;
	(pc) =	sbr.rel @!p1 .LBB2_4-.Ltmp4, $4  }
0xb3: {  	s15 =	sadd.s32 $0x1, s15;
	s18 =	sadd.s32 $0x600, s18;
	[sflag:s17] =	ssyncset.done $0x0  }
0xb4: {  	s30 =	sadd.s32 $0x6, s30;
	s21 =	simm.s32 $0x580;
	[sflag:s17] =	ssyncadd.s32 $0xFFFFC000  }
0xb5: {  	[spmem:s1] =	stream.indirect.scatter.add.f32 [tilespmem:s13], [sflag:$0xC], $0x80, s21, s6, $0xb8;
	[tilespmem:$0x1FF00] =	vst v63  }
0xb6: {  	_ = 	snop  }
.LBB2_5:
0xb7: {  	_ =	sfence.sel $0x180000  }
0xb8: {  	[bflag:$0x0] =	sbarrier.arrive $0xFFFF  }
0xb9: {  	_ =	strace $0x9000004D  }
0xba: {  	s0 =	stileid.u32;
	[bflag:$0x2] =	sbarrier.arrive $0xFFFF  }
0xbb: {  	p0 =	sne.s32 s0, $0x0;
	s0 =	rddreg [dreg:$0x2]  }
0xbc: {  	s0 =	sadd.s32 @!p0 $0x100000, s0  }
0xbd: {  	[sflag:s0] =	ssyncadd.tile.s32 @!p0 $0x1;
	_ =	shalt  }
.Lfunc_end2:
_tile_overlayer_lowered:
.L_overlay_start_2:
0xbe: {  	(tag) =	ssettag $0x2  }
0xbf: {  	s0 =	rddreg [dreg:$0x0];
	s2 =	stileid.u32  }
0xc0: {  	s1 =	rddreg [dreg:$0x1];
	p0 =	sne.s32 s2, $0x0  }
0xc1: {  	s3 =	rddreg [dreg:$0x2];
	[bflag:$0x3] =	sbarrier.arrive $0xFFFF;
	s2 =	simm.s32 @!p0 $0x1C0D  }
0xc2: {  	[timem:s3], [sflag:s2] =	dma.local @!p0 [hbm:s0], s1  }
0xc3: {  	s0 =	simm.s32 @!p0 $0xD  }
0xc4: {  	_ =	swait.ge @!p0 [sflag:s0], s1  }
0xc5: {  	s1 =	ssub.s32 @!p0 $0x0, s1;
	[sflag:s0] =	ssyncset.done @!p0 $0x0  }
0xc6: {  	[sflag:s0] =	ssyncadd.s32 @!p0 s1  }
0xc7: {  	[bflag:$0x3] =	sbarrier.arrive $0xFFFF  }
0xc8: {  	_ =	shalt  }

// kernel: kernel.8.cloned.1.call-start
scs
__scs_entry_jumppad:
0x0: {  	(pc) =	sbr.rel $0x88, $3  }
0x1: {  	(tag) =	ssettag $0x0;
	lr =	simm.s32 $0x1  }
0x2: {  	[smem:$0x3F98] =	sst lr;
	_ =	strace $0xD0000000  }
0x3: {  	_ = 	snop  }
0x4: {  	_ = 	snop  }
0x5: {  	_ = 	snop  }
0x6: {  	_ = 	snop  }
0x7: {  	_ = 	snop  }
__scs_overlays_trampoline_lowered:
0x8: {  	[smem:$0x3FA7] =	sst s0  }
0x9: {  	[smem:$0x3FA8] =	sst s1  }
0xa: {  	[smem:$0x3FA9] =	sst s2  }
0xb: {  	[smem:$0x3FAA] =	sst s3  }
0xc: {  	[smem:$0x3FAB] =	sst s4  }
0xd: {  	[smem:$0x3FAC] =	sst s5  }
0xe: {  	[smem:$0x3FAD] =	sst s6  }
0xf: {  	[smem:$0x3FAE] =	sst s7  }
0x10: {  	[smem:$0x3FAF] =	sst s8  }
0x11: {  	[smem:$0x3FB0] =	sst s9;
	s0 =	simm.s32 @!p0 $0x0  }
0x12: {  	s1 =	sld [smem:$0x3F96];
	s0 =	simm.s32 @p0 $0x1  }
0x13: {  	[smem:$0x3FB1] =	sst s0;
	s0 =	simm.s32 @!p1 $0x0  }
0x14: {  	s2 =	sld [smem:$0x3F95];
	s0 =	simm.s32 @p1 $0x1  }
0x15: {  	[smem:$0x3FB2] =	sst s0;
	s0 =	simm.s32 @!p2 $0x0  }
0x16: {  	s3 =	sld [smem:$0x3FDB];
	s0 =	simm.s32 @p2 $0x1  }
0x17: {  	s4 =	simm.s32 $0x1BF5;
	[smem:$0x3FB4] =	sst s0  }
0x18: {  	s0 =	sld [smem:$0x3F97];
	_ =	swait.ge [sflag:s4], $0x0  }
0x19: {  	s7 =	sld [smem:$0x3F98]  }
0x1a: {  	s8 =	sadd.s32 $0xFFFFE003, lr  }
0x1b: {  	s9 =	sadd.s32 $0xFFFFFEF7, lr;
	s5 =	simm.s32 $0xFFFFFFFF;
	p2 =	slt.u32 s8, $0xFFFFF086  }
0x1c: {  	p1 =	slt.u32 s9, $0xF7A;
	s5 =	simm.s32 @!p2 $0x0  }
0x1d: {  	s5 =	simm.s32 @p1 $0x1;
	p0 =	seq.s32 s7, s2  }
0x1e: {  	s7 =	smul.u32 @!p0 $0xF7A, s2;
	p2 =	seq.s32 @!p0 s5, $0x0  }
0x1f: {  	s9 =	smul.u32 $0xF7A, s1;
	s8 =	simm.s32 @!p0 $0x1BF5;
	p2 =	por !p2, p0  }
0x20: {  	[sflag:s8] =	ssyncset.s32 @!p0 $0xFFFFF086;
	s6 =	sadd.s32 @!p0 s3, s7;
	s7 =	simm.s32 @!p0 $0x108  }
0x21: {  	s3 =	sadd.s32 s3, s9;
	s6 =	sadd.s32 @!p0 $0x88, s6;
	s7 =	simm.s32 @p2 $0x1082  }
0x22: {  	[simem:s7], [sflag:s8] =	dma.local @!p0 [hbm:s6], $0xF7A  }
0x23: {  	s9 =	sor.u32 $0xD0000000, s2;
	s6 =	simm.s32 $0x108;
	_ =	swait.ge @!p0 [sflag:s8], $0x0  }
0x24: {  	s3 =	sadd.s32 $0x88, s3;
	s6 =	simm.s32 @!p1 $0x1082;
	[sflag:s4] =	ssyncset.s32 $0xFFFFF086  }
0x25: {  	[simem:s6], [sflag:s4] =	dma.local [hbm:s3], $0xF7A  }
0x26: {  	[smem:$0x3F98] =	sst s1;
	(tag) =	ssettag s2;
	_ =	strace s9  }
0x27: {  	s1 =	sld [smem:$0x3FA8]  }
0x28: {  	s2 =	sld [smem:$0x3FA9]  }
0x29: {  	s4 =	sld [smem:$0x3FAB]  }
0x2a: {  	p0 =	seq.s32 s5, $0x0;
	s5 =	sld [smem:$0x3FAC]  }
0x2b: {  	s6 =	sld [smem:$0x3FAD]  }
0x2c: {  	s7 =	sld [smem:$0x3FAE]  }
0x2d: {  	s3 =	simm.s32 $0x108;
	s8 =	sld [smem:$0x3FAF]  }
0x2e: {  	s3 =	simm.s32 @!p0 $0x1082;
	s9 =	sld [smem:$0x3FB0]  }
0x2f: {  	lr =	sadd.s32 s0, s3;
	s0 =	sld [smem:$0x3FA7]  }
0x30: {  	s3 =	sld [smem:$0x3FAA]  }
0x31: {  	[smem:$0x3FB3] =	sst s10  }
0x32: {  	s10 =	sld [smem:$0x3FB1];
	_ =	sdelay $0x3  }
0x33: {  	p0 =	seq.s32 s10, $0x1;
	s10 =	sld [smem:$0x3FB3];
	_ =	sdelay $0x3  }
0x34: {  	[smem:$0x3FB3] =	sst s10  }
0x35: {  	s10 =	sld [smem:$0x3FB2];
	_ =	sdelay $0x3  }
0x36: {  	p1 =	seq.s32 s10, $0x1;
	s10 =	sld [smem:$0x3FB3];
	_ =	sdelay $0x3  }
0x37: {  	[smem:$0x3FB3] =	sst s10  }
0x38: {  	s10 =	sld [smem:$0x3FB4]  }
0x39: {  	_ = 	snop;
	(pc) =	sbr.ind lr, $3  }
0x3a: {  	_ = 	snop  }
0x3b: {  	_ = 	snop  }
0x3c: {  	p2 =	seq.s32 s10, $0x1;
	s10 =	sld [smem:$0x3FB3]  }
0x3d: {  	_ =	shalt  }
0x3e: {  	_ =	shalt  }
0x3f: {  	_ =	shalt  }
0x40: {  	_ =	shalt  }
0x41: {  	_ =	shalt  }
0x42: {  	_ =	shalt  }
0x43: {  	_ =	shalt  }
0x44: {  	_ =	shalt  }
0x45: {  	_ =	shalt  }
0x46: {  	_ =	shalt  }
0x47: {  	_ =	shalt  }
0x48: {  	_ =	shalt  }
0x49: {  	_ =	shalt  }
0x4a: {  	_ =	shalt  }
0x4b: {  	_ =	shalt  }
0x4c: {  	_ =	shalt  }
0x4d: {  	_ =	shalt  }
0x4e: {  	_ =	shalt  }
0x4f: {  	_ =	shalt  }
0x50: {  	_ =	shalt  }
0x51: {  	_ =	shalt  }
0x52: {  	_ =	shalt  }
0x53: {  	_ =	shalt  }
0x54: {  	_ =	shalt  }
0x55: {  	_ =	shalt  }
0x56: {  	_ =	shalt  }
0x57: {  	_ =	shalt  }
0x58: {  	_ =	shalt  }
0x59: {  	_ =	shalt  }
0x5a: {  	_ =	shalt  }
0x5b: {  	_ =	shalt  }
0x5c: {  	_ =	shalt  }
0x5d: {  	_ =	shalt  }
0x5e: {  	_ =	shalt  }
0x5f: {  	_ =	shalt  }
0x60: {  	_ =	shalt  }
0x61: {  	_ =	shalt  }
0x62: {  	_ =	shalt  }
0x63: {  	_ =	shalt  }
0x64: {  	_ =	shalt  }
0x65: {  	_ =	shalt  }
0x66: {  	_ =	shalt  }
0x67: {  	_ =	shalt  }
0x68: {  	_ =	shalt  }
0x69: {  	_ =	shalt  }
0x6a: {  	_ =	shalt  }
0x6b: {  	_ =	shalt  }
0x6c: {  	_ =	shalt  }
0x6d: {  	_ =	shalt  }
0x6e: {  	_ =	shalt  }
0x6f: {  	_ =	shalt  }
0x70: {  	_ =	shalt  }
0x71: {  	_ =	shalt  }
0x72: {  	_ =	shalt  }
0x73: {  	_ =	shalt  }
0x74: {  	_ =	shalt  }
0x75: {  	_ =	shalt  }
0x76: {  	_ =	shalt  }
0x77: {  	_ =	shalt  }
0x78: {  	_ =	shalt  }
0x79: {  	_ =	shalt  }
0x7a: {  	_ =	shalt  }
0x7b: {  	_ =	shalt  }
0x7c: {  	_ =	shalt  }
0x7d: {  	_ =	shalt  }
0x7e: {  	_ =	shalt  }
0x7f: {  	_ =	shalt  }
0x80: {  	_ =	shalt  }
0x81: {  	_ =	shalt  }
0x82: {  	_ =	shalt  }
0x83: {  	_ =	shalt  }
0x84: {  	_ =	shalt  }
0x85: {  	_ =	shalt  }
0x86: {  	_ =	shalt  }
0x87: {  	_ =	shalt  }
.Lfunc_end0:
.L_simem_size_0:
called_computation_lowered:
.L_overlay_start_0:
0x88: {  	s2 =	sld [smem:$0x3FD9]  }
0x89: {  	s3 =	sld [smem:$0x3FFE];
	_ =	sdelay $0x1  }
0x8a: {  	s1 =	srdreg.scid  }
0x8b: {  	s0 =	sand.u32 $0x1, s1  }
0x8c: {  	s17 =	sshll.u32 s0, $0xA;
	s2 =	sadd.s32 s3, s2  }
0x8d: {  	s2 =	sadd.s32 s2, s17  }
0x8e: {  	[smem:$0x3FBF] =	sst s2  }
0x8f: {  	_ = 	snop  }
0x90: {  	s2 =	sld [smem:$0x3FD0];
	(tm) =	ssettm $0x1  }
0x91: {  	s18 =	sld [smem:$0x3FFB];
	_ =	sdelay $0x3  }
0x92: {  	_ =	strace s18  }
0x93: {  	s3 =	sld [smem:$0x3FFC];
	_ =	sdelay $0x3  }
0x94: {  	_ =	strace s3  }
0x95: {  	s3 =	sld [smem:$0x3FFD];
	_ =	sdelay $0x3  }
0x96: {  	_ =	strace s3  }
0x97: {  	_ =	strace $0x8FFFFFFF  }
0x98: {  	s19 =	sld [smem:$0x3FDB];
	_ =	sdelay $0x1  }
0x99: {  	s4 =	simm.s32 $_scs_section_size  }
0x9a: {  	s5 =	simm.s32 $_size__tile_overlayer_lowered;
	s6 =	simm.s32 $_tile_overlayer_lowered  }
0x9b: {  	s22 =	simm.s32 $0x1BFF;
	s21 =	sshll.u32 s6, $0x1;
	s3 =	sadd.s32 s4, s19  }
0x9c: {  	s7 =	simm.s32 $0x0;
	s20 =	sshll.u32 s5, $0x1;
	s5 =	sadd.s32 s21, s3  }
0x9d: {  	[timem:s7], [sflag:s22] =	dma.local [hbm:s5], s20  }
0x9e: {  	_ =	swait.ge [sflag:s22], s20  }
0x9f: {  	s4 =	ssub.s32 $0x0, s20;
	[sflag:s22] =	ssyncset.done $0x0  }
0xa0: {  	[sflag:s22] =	ssyncadd.s32 s4;
	_ =	sdelay $0x1  }
0xa1: {  	s23 =	simm.s32 $0x1B8B  }
0xa2: {  	_ =	swait.ge [sflag:s23], $0x1  }
0xa3: {  	[sflag:s23] =	ssyncset.done $0x0  }
0xa4: {  	s25 =	simm.s32 $0x1B8E;
	s24 =	sld [smem:$0x3FFE];
	[sflag:s23] =	ssyncadd.s32 $0xFFFFFFFF  }
0xa5: {  	s26 =	simm.s32 $execute0_lowered;
	[smem:$0x3FD2] =	sst s25  }
0xa6: {  	s5 =	sshll.u32 s26, $0x1;
	_ =	strace $0x80000046;
	[dreg:$0x1] =	wrdreg $0xFFFFFFFF  }
0xa7: {  	s28 =	simm.s32 $_size_execute0_lowered;
	s3 =	sadd.s32 s3, s5;
	[dreg:$0x0] =	wrdreg $0x0  }
0xa8: {  	s5 =	sshll.u32 s28, $0x1;
	[dreg:$0x2] =	wrdreg s3  }
0xa9: {  	[dreg:$0x3] =	wrdreg s5  }
0xaa: {  	[dreg:$0x4] =	wrdreg $0xC0  }
0xab: {  	_ =	task [dreg:s7], $0x5FFFF  }
0xac: {  	[dreg:$0x1] =	wrdreg $0xFFFFFFFF  }
0xad: {  	[dreg:$0x0] =	wrdreg $0x60  }
0xae: {  	[dreg:$0x2] =	wrdreg s24  }
0xaf: {  	[dreg:$0x3] =	wrdreg s2  }
0xb0: {  	[dreg:$0x4] =	wrdreg $0x51800  }
0xb1: {  	[dreg:$0x5] =	wrdreg $0x9  }
0xb2: {  	_ =	task.clear_ibuf [dreg:s7], $0x6FFFF;
	_ =	strace $0x90000046  }
0xb3: {  	s29 =	simm.s32 $0x9;
	_ =	strace $0x80000048  }
0xb4: {  	_ =	swait.ge [sflag:s29], $0x1  }
0xb5: {  	[sflag:s29] =	ssyncadd.s32 $0xFFFFFFFF  }
0xb6: {  	_ =	strace $0x90000048  }
0xb7: {  	_ =	sfence  }
0xb8: {  	s30 =	sld [smem:$0x0];
	_ =	sdelay $0x2  }
0xb9: {  	s31 =	sshll.u32 s1, $0xD;
	s1 =	sshrl.u32 s1, $0x2  }
0xba: {  	s3 =	sand.u32 $0x4000, s31;
	s1 =	sadd.s32 s1, s30  }
0xbb: {  	s0 =	sor.u32 s3, s0;
	s1 =	sshll.u32 s1, $0x11  }
0xbc: {  	s0 =	sor.u32 s1, s0  }
0xbd: {  	s0 =	sadd.s32 $0x8F2B, s0  }
0xbe: {  	[sflag:s0] =	ssyncadd.remote.s32 $0x1  }
0xbf: {  	_ =	sfence.sel $0xFFFF  }
0xc0: {  	[dreg:$0x0] =	wrdreg $0xFFFFFFFF;
	(pc) =	sbr.abs _section_cstart, $3  }
0xc1: {  	[dreg:$0x1] =	wrdreg $0xFFFFFFFF  }
0xc2: {  	_ =	task.clear_ibuf [dreg:s7], $0x2FFFF;
	_ =	strace $0x9FFFFFFF  }
0xc3: {  	(tm) =	ssettm $0x7FFFFFFF  }
tec
execute0_lowered:
.L_overlay_start_1:
0x0: {  	(tag) =	ssettag $0x1  }
0x1: {  	s4 =	rddreg [dreg:$0x0]  }
0x2: {  	s0 =	srdreg.scid;
	s7 =	rddreg [dreg:$0x1]  }
0x3: {  	s2 =	rddreg [dreg:$0x2];
	s3 =	simm.s32 $0x0;
	s12 =	simm.s32 $0x5100  }
0x4: {  	s13 =	simm.s32 $0x1;
	s14 =	simm.s32 $0x20;
	s15 =	simm.s32 $0x10  }
0x5: {  	s16 =	simm.s32 $0x0;
	s5 =	sand.u32 $0x1, s0;
	s0 =	stileid.u32  }
0x6: {  	[smem:$0x7FF] =	sst s3;
	s1 =	sshll.u32 s5, $0x4;
	s8 =	smul.u32 $0x280, s0  }
0x7: {  	s10 =	ssub.s32 $0x2, s5;
	s11 =	smul.u32 $0x500, s0;
	s5 =	sshll.u32 s5, $0x7  }
0x8: {  	s31 =	sshll.u32 s0, $0x6;
	s6 =	sor.u32 s0, s1;
	s1 =	rddreg [dreg:$0x3]  }
0x9: {  	_ =	strace $0x80000047;
	s29 =	sshrl.u32 s10, $0x1;
	s6 =	smul.u32 $0xA20, s6  }
0xa: {  	s9 =	sshrl.u32 s8, $0x3;
	s30 =	sadd.s32 s8, s2;
	s5 =	sor.u32 s5, s11  }
0xb: {  	s11 =	sshrl.u32 s5, $0x3;
	s5 =	sor.u32 $0x1C02, s31;
	s6 =	sadd.s32 s6, s4  }
0xc: {  	s4 =	sadd.s32 s9, s4;
	s9 =	ssub.s32 s10, s29;
	s7 =	sadd.s32 s7, s11  }
0xd: {  	s10 =	simm.s32 $0x2;
	s11 =	simm.s32 $0x80;
	s4 =	sadd.s32 $0x16C00, s4  }
0xe: {  	v0 =	vimm.f32 $1.000000000e+00;
	s6 =	sadd.s32 $0x2800, s6;
	s8 =	smax.u32 s9, $0x1;
	s9 =	sshrl.u32 s30, $0x3  }
.LBB2_1:
0xf: {  	[spmem:s9], [sflag:s5] =	dma.local [hbm:s4], $0x50  }
0x10: {  	_ =	swait.ge [sflag:s10], $0x50  }
0x11: {  	[sflag:s10] =	ssyncset.done $0x0  }
0x12: {  	[sflag:s10] =	ssyncadd.s32 $0xFFFFFFB0  }
0x13: {  	[tilespmem:$0x5100] =	vst v0  }
0x14: {  	[tilespmem:$0x5110] =	vst v0  }
0x15: {  	[tilespmem:$0x5120] =	vst v0  }
0x16: {  	[tilespmem:$0x5130] =	vst v0  }
0x17: {  	[tilespmem:$0x5140] =	vst v0  }
0x18: {  	[tilespmem:$0x5150] =	vst v0  }
0x19: {  	[tilespmem:$0x5160] =	vst v0  }
0x1a: {  	[tilespmem:$0x5170] =	vst v0  }
0x1b: {  	[tilespmem:s3], [sflag:$0x2] =	stream.linear.gather [hbm4b:s6+s3], $0x5100, $0x38;
	[tilespmem:$0x5400] =	vst v63  }
0x1c: {  	_ =	swait.ge [sflag:s10], $0x5100  }
0x1d: {  	[sflag:s10] =	ssyncset.done $0x0  }
0x1e: {  	[sflag:s10] =	ssyncadd.s32 $0xFFFFAF00  }
0x1f: {  	s17 =	simm.s32 $0x200;
	[bflag:$0x0] =	sbarrier.arrive $0xFFFF  }
.LBB2_2:
0x20: {  	p0 =	sne.s32 s17, $0x14200  }
.Ltmp0:
0x21: {  	_ = 	snop;
	(pc) =	sbr.rel @p0 .LBB2_2-.Ltmp0, $3  }
0x22: {  	_ =	sdelay $0x1  }
0x23: {  	s18 =	sshra.s32 s17, $0x2;
	s17 =	sadd.s32 $0x400, s17  }
0x24: {  	[spmem:s2] =	stream.indirect.scatter.add.f32 [tilespmem:s12], [sflag:$0x1], $0x1, s18, s11, $0xb8;
	[tilespmem:$0x5400] =	vst v63  }
0x25: {  	_ =	swait.ge [sflag:s13], $0x80  }
0x26: {  	s17 =	simm.s32 $0x50;
	[sflag:s13] =	ssyncset.done $0x0  }
.LBB2_4:
0x27: {  	p0 =	sne.s32 s17, $0x1;
	s17 =	sadd.s32 $0xFFFFFFFF, s17;
	[sflag:s13] =	ssyncadd.s32 $0xFFFFFF80  }
.Ltmp1:
0x28: {  	(pc) =	sbr.rel @p0 .LBB2_4-.Ltmp1, $3  }
0x29: {  	_ =	sdelay $0x1  }
0x2a: {  	_ =	swait.ge [sflag:s13], $0x80  }
0x2b: {  	[sflag:s13] =	ssyncset.done $0x0  }
0x2c: {  	s16 =	sadd.s32 $0x1, s16  }
0x2d: {  	[sflag:s13] =	ssyncadd.s32 $0xFFFFFF80;
	p0 =	sne.s32 s16, s8  }
.Ltmp2:
0x2e: {  	[bflag:$0x0] =	sbarrier.arrive $0xFFFF;
	(pc) =	sbr.rel @p0 .LBB2_1-.Ltmp2, $4  }
0x2f: {  	[hbm:s7@s14], [sflag:s5] =	dma.strided [spmem:s9@s15], $0x50, s13, $0x10   }
0x30: {  	_ =	swait.ge [sflag:s10], $0x50  }
0x31: {  	[sflag:s10] =	ssyncset.done $0x0  }
0x32: {  	[sflag:s10] =	ssyncadd.s32 $0xFFFFFFB0  }
0x33: {  	_ =	sfence.sel $0x180000  }
0x34: {  	[bflag:$0x0] =	sbarrier.arrive $0xFFFF  }
0x35: {  	p0 =	sne.s32 s0, $0x0;
	_ =	strace $0x90000047  }
0x36: {  	s0 =	sadd.s32 @!p0 $0x100000, s1;
	[bflag:$0x2] =	sbarrier.arrive $0xFFFF  }
0x37: {  	[sflag:s0] =	ssyncadd.tile.s32 @!p0 $0x1;
	_ =	shalt  }
.Lfunc_end2:
_tile_overlayer_lowered:
.L_overlay_start_2:
0x38: {  	(tag) =	ssettag $0x2  }
0x39: {  	s0 =	rddreg [dreg:$0x0];
	s2 =	stileid.u32  }
0x3a: {  	s1 =	rddreg [dreg:$0x1];
	p0 =	sne.s32 s2, $0x0  }
0x3b: {  	s3 =	rddreg [dreg:$0x2];
	[bflag:$0x3] =	sbarrier.arrive $0xFFFF;
	s2 =	simm.s32 @!p0 $0x1C02  }
0x3c: {  	[timem:s3], [sflag:s2] =	dma.local @!p0 [hbm:s0], s1  }
0x3d: {  	s0 =	simm.s32 @!p0 $0x2  }
0x3e: {  	_ =	swait.ge @!p0 [sflag:s0], s1  }
0x3f: {  	s1 =	ssub.s32 @!p0 $0x0, s1;
	[sflag:s0] =	ssyncset.done @!p0 $0x0  }
0x40: {  	[sflag:s0] =	ssyncadd.s32 @!p0 s1  }
0x41: {  	[bflag:$0x3] =	sbarrier.arrive $0xFFFF  }
0x42: {  	_ =	shalt  }

</sc_bundles>
